<compile_context>
chip_gen: v7x
topology: tpu7x:2x2x1
jax: 0.10.2.dev20260603
libtpu: 0.0.44.dev20260713+nightly
codegen_flags: <defaults>
</compile_context>

<pallas_src>
import functools

import jax
import jax.numpy as jnp
from jax import lax
from jax.experimental import pallas as pl
from jax.experimental.pallas import tpu as pltpu
from jax.experimental.pallas import tpu_sc as plsc

_NC = 2
_NS = 16
_NW = _NC * _NS
_L = 16
_L2 = 32
_C = 80


def _sc_edge_dot(h16, ei):
    V, D = h16.shape
    E = ei.shape[0] // 2 * ei.shape[1]
    n_chunks = E // _NW // _C
    kd = D // _L2

    mesh = plsc.VectorSubcoreMesh(core_axis_name="c", subcore_axis_name="s")

    @functools.partial(
        pl.kernel,
        mesh=mesh,
        out_type=jax.ShapeDtypeStruct((E,), jnp.float32),
        scratch_types=[
            pltpu.VMEM((E // _NW,), jnp.int32),
            pltpu.VMEM((E // _NW,), jnp.int32),
            pltpu.VMEM((_C, D), jnp.bfloat16),
            pltpu.VMEM((_C, D), jnp.bfloat16),
            pltpu.VMEM((_C, D), jnp.bfloat16),
            pltpu.VMEM((_C, D), jnp.bfloat16),
            pltpu.VMEM((_C * _L,), jnp.float32),
            pltpu.VMEM((E // _NW,), jnp.float32),
            pltpu.SemaphoreType.DMA,
            pltpu.SemaphoreType.DMA,
            pltpu.SemaphoreType.DMA,
            pltpu.SemaphoreType.DMA,
        ],
        compiler_params=pltpu.CompilerParams(
            needs_layout_passes=False, use_tc_tiling_on_sc=False),
    )
    def body(h_hbm, ei_hbm, out_hbm,
             sidx, didx, srows0, srows1, drows0, drows1, tsc, obuf,
             sem_s0, sem_s1, sem_d0, sem_d1):
        epw = E // _NW
        wid = lax.axis_index("s") * _NC + lax.axis_index("c")
        base_e = pl.multiple_of(wid * epw, 8)
        pltpu.sync_copy(ei_hbm.at[wid], sidx)
        pltpu.sync_copy(ei_hbm.at[_NW + wid], didx)

        lane_ids = lax.iota(jnp.int32, _L)

        def idx_at(buf, t):
            return buf.at[pl.ds(pl.multiple_of(t * _C, _L), _C)]

        pltpu.async_copy(h_hbm.at[idx_at(sidx, 0)], srows0, sem_s0)
        pltpu.async_copy(h_hbm.at[idx_at(didx, 0)], drows0, sem_d0)
        pltpu.async_copy(h_hbm.at[idx_at(sidx, 1)], srows1, sem_s1)
        pltpu.async_copy(h_hbm.at[idx_at(didx, 1)], drows1, sem_d1)

        def process(t, srows, drows, sem_s, sem_d):
            pltpu.make_async_copy(h_hbm.at[idx_at(sidx, t)], srows, sem_s).wait()
            pltpu.make_async_copy(h_hbm.at[idx_at(didx, t)], drows, sem_d).wait()

            def main_phase(g):
                row0 = g * _L
                for eb in range(0, _L, 8):
                    acc0 = [None] * 8
                    acc1 = [None] * 8
                    for k in range(kd):
                        for e in range(8):
                            row = row0 + eb + e
                            ps = srows[row, pl.ds(k * _L2, _L2)]
                            pd = drows[row, pl.ds(k * _L2, _L2)]
                            p = ps * pd
                            if k % 2 == 0:
                                acc0[e] = p if k == 0 else acc0[e] + p
                            else:
                                acc1[e] = p if k == 1 else acc1[e] + p
                    for e in range(8):
                        tot_e = (acc0[e] if acc1[e] is None
                                 else acc0[e] + acc1[e])
                        lo, hi = plsc.unpack(
                            tot_e, format=plsc.PackFormat.INTERLEAVED)
                        tsc[pl.ds((row0 + eb + e) * _L, _L)] = lo + hi

            def reduce_phase(g):
                gbase = g * _L * _L
                cols = [plsc.load_gather(tsc, [lane_ids * _L + gbase + j])
                        for j in range(_L)]
                while len(cols) > 1:
                    cols = [cols[i] + cols[i + 1]
                            for i in range(0, len(cols), 2)]
                off = pl.multiple_of(t * _C + g * _L, _L)
                obuf[pl.ds(off, _L)] = cols[0]

            def group_body(g, carry2):
                main_phase(g)
                reduce_phase(g)
                return carry2

            lax.fori_loop(0, _C // _L, group_body, 0, unroll=False)

            @pl.when(t + 2 < n_chunks)
            def _():
                pltpu.async_copy(h_hbm.at[idx_at(sidx, t + 2)], srows, sem_s)
                pltpu.async_copy(h_hbm.at[idx_at(didx, t + 2)], drows, sem_d)

        def chunk_body(t, carry):
            @pl.when(t % 2 == 0)
            def _():
                process(t, srows0, drows0, sem_s0, sem_d0)

            @pl.when(t % 2 == 1)
            def _():
                process(t, srows1, drows1, sem_s1, sem_d1)

            return carry

        lax.fori_loop(0, n_chunks, chunk_body, 0, unroll=False)
        pltpu.sync_copy(obuf, out_hbm.at[pl.ds(base_e, epw)])

    return body(h16, ei)


def kernel(h, edge_index):
    E = edge_index.shape[1]
    h16 = h.astype(jnp.bfloat16)
    ei = edge_index.astype(jnp.int32).reshape(2 * _NW, E // _NW)
    return _sc_edge_dot(h16, ei).reshape(E, 1)

# --- scband reference (transcript-rebuilt; emitter-appended) ---
"""Pipeline reference for scband-dgl-homo-dplink-prediction-predictor-39625368273430 (READ-ONLY COPY).

The authoritative reference and input builder live on the scoring server;
editing this copy changes nothing except your own understanding.
"""

import jax, jax.numpy as jnp
import numpy as np


def setup_inputs(seed: int = 0) -> dict:
    key = jax.random.key(seed)
    k1, k2 = jax.random.split(key)
    h = jax.random.normal(k1, (10000, 128), dtype=jnp.float32)
    edge_index = jax.random.randint(k2, (2, 320000), 0, 10000, dtype=jnp.int64)
    return {"h": h, "edge_index": edge_index}


def reference(h, edge_index):
    # DGL u_dot_v('LP','LP','score'): for each edge (u, v) score = <h[u], h[v]>, shape (E, 1)
    src = edge_index[0]
    dst = edge_index[1]
    h_u = jnp.take(h, src, axis=0)
    h_v = jnp.take(h, dst, axis=0)
    score = jnp.sum(h_u * h_v, axis=-1, keepdims=True)
    return score

if __name__ == "__main__":
    import jax
    _d = setup_inputs()
    print(jax.jit(kernel)(*tuple(_d.values())))

</pallas_src>

<mosaic_0001>
#map = affine_map<(d0, d1) -> (0, 0)>
#map1 = affine_map<(d0, d1) -> (0)>
module attributes {stable_mosaic.version = 14 : i64} {
  func.func @body(%arg0: i32, %arg1: i32, %arg2: memref<10000x128xbf16, #tpu.memory_space<hbm>>, %arg3: memref<64x10000xi32, #tpu.memory_space<hbm>>, %arg4: memref<320000xf32, #tpu.memory_space<hbm>>, %arg5: memref<10000xi32, #tpu.memory_space<vmem>>, %arg6: memref<10000xi32, #tpu.memory_space<vmem>>, %arg7: memref<80x128xbf16, #tpu.memory_space<vmem>>, %arg8: memref<80x128xbf16, #tpu.memory_space<vmem>>, %arg9: memref<80x128xbf16, #tpu.memory_space<vmem>>, %arg10: memref<80x128xbf16, #tpu.memory_space<vmem>>, %arg11: memref<1280xf32, #tpu.memory_space<vmem>>, %arg12: memref<10000xf32, #tpu.memory_space<vmem>>, %arg13: memref<!tpu.dma_semaphore, #tpu.memory_space<semaphore_mem>>, %arg14: memref<!tpu.dma_semaphore, #tpu.memory_space<semaphore_mem>>, %arg15: memref<!tpu.dma_semaphore, #tpu.memory_space<semaphore_mem>>, %arg16: memref<!tpu.dma_semaphore, #tpu.memory_space<semaphore_mem>>) attributes {dimension_semantics = [#tpu.dimension_semantics<core_parallel>, #tpu.dimension_semantics<subcore_parallel>], iteration_bounds = array<i64: 2, 16>, scalar_prefetch = 0 : i64, scratch_operands = 12 : i64, tpu.core_type = #tpu.core_type<sc_vector_subcore>, window_params = [{transform_indices = #map}, {transform_indices = #map}, {transform_indices = #map1}]} {
    %mul3A = arith.constant 2 : i32
    %mul3A_0 = arith.muli %arg1, %mul3A : i32
    %add3A = arith.addi %mul3A_0, %arg0 : i32
    %mul3A_1 = arith.constant 10000 : i32
    %mul3A_2 = arith.muli %add3A, %mul3A_1 : i32
    %multiple_of3A = tpu.assume_multiple %mul3A_2, 8 : i32
    "tpu.region"() ({
      %run_scoped3A = tpu.sem_alloc : memref<!tpu.dma_semaphore, #tpu.memory_space<semaphore_mem>>
      %dma_start3A_33 = arith.constant 0 : i32
      %dma_start3A_34 = tpu.memref_slice %arg3[%add3A, %dma_start3A_33] : memref<64x10000xi32, #tpu.memory_space<hbm>> -> memref<1x10000xi32, #tpu.memory_space<hbm>>
      %dma_start3A_35 = tpu.memref_squeeze %dma_start3A_34 : memref<1x10000xi32, #tpu.memory_space<hbm>> -> memref<10000xi32, #tpu.memory_space<hbm>>
      %dma_start3A_36 = arith.constant 0 : i32
      %dma_start3A_37 = tpu.memref_slice %arg3[%add3A, %dma_start3A_36] : memref<64x10000xi32, #tpu.memory_space<hbm>> -> memref<1x10000xi32, #tpu.memory_space<hbm>>
      %dma_start3A_38 = tpu.memref_squeeze %dma_start3A_37 : memref<1x10000xi32, #tpu.memory_space<hbm>> -> memref<10000xi32, #tpu.memory_space<hbm>>
      tpu.enqueue_dma source(%dma_start3A_38 : memref<10000xi32, #tpu.memory_space<hbm>>) target(%arg5 : memref<10000xi32, #tpu.memory_space<vmem>>) target_semaphore(%run_scoped3A : memref<!tpu.dma_semaphore, #tpu.memory_space<semaphore_mem>>)
      %dma_wait3A = arith.constant 0 : i32
      %dma_wait3A_39 = tpu.memref_slice %arg3[%add3A, %dma_wait3A] : memref<64x10000xi32, #tpu.memory_space<hbm>> -> memref<1x10000xi32, #tpu.memory_space<hbm>>
      %dma_wait3A_40 = tpu.memref_squeeze %dma_wait3A_39 : memref<1x10000xi32, #tpu.memory_space<hbm>> -> memref<10000xi32, #tpu.memory_space<hbm>>
      %dma_wait3A_41 = arith.constant 0 : i32
      %dma_wait3A_42 = tpu.memref_slice %arg3[%add3A, %dma_wait3A_41] : memref<64x10000xi32, #tpu.memory_space<hbm>> -> memref<1x10000xi32, #tpu.memory_space<hbm>>
      %dma_wait3A_43 = tpu.memref_squeeze %dma_wait3A_42 : memref<1x10000xi32, #tpu.memory_space<hbm>> -> memref<10000xi32, #tpu.memory_space<hbm>>
      tpu.wait_dma2 semaphore(%run_scoped3A : memref<!tpu.dma_semaphore, #tpu.memory_space<semaphore_mem>>) src(%dma_wait3A_43 : memref<10000xi32, #tpu.memory_space<hbm>>) dst(%arg5 : memref<10000xi32, #tpu.memory_space<vmem>>)
      tpu.yield
    }) : () -> ()
    %add3A_3 = arith.constant 32 : i32
    %add3A_4 = arith.addi %add3A_3, %add3A : i32
    "tpu.region"() ({
      %run_scoped3A = tpu.sem_alloc : memref<!tpu.dma_semaphore, #tpu.memory_space<semaphore_mem>>
      %dma_start3A_33 = arith.constant 0 : i32
      %dma_start3A_34 = tpu.memref_slice %arg3[%add3A_4, %dma_start3A_33] : memref<64x10000xi32, #tpu.memory_space<hbm>> -> memref<1x10000xi32, #tpu.memory_space<hbm>>
      %dma_start3A_35 = tpu.memref_squeeze %dma_start3A_34 : memref<1x10000xi32, #tpu.memory_space<hbm>> -> memref<10000xi32, #tpu.memory_space<hbm>>
      %dma_start3A_36 = arith.constant 0 : i32
      %dma_start3A_37 = tpu.memref_slice %arg3[%add3A_4, %dma_start3A_36] : memref<64x10000xi32, #tpu.memory_space<hbm>> -> memref<1x10000xi32, #tpu.memory_space<hbm>>
      %dma_start3A_38 = tpu.memref_squeeze %dma_start3A_37 : memref<1x10000xi32, #tpu.memory_space<hbm>> -> memref<10000xi32, #tpu.memory_space<hbm>>
      tpu.enqueue_dma source(%dma_start3A_38 : memref<10000xi32, #tpu.memory_space<hbm>>) target(%arg6 : memref<10000xi32, #tpu.memory_space<vmem>>) target_semaphore(%run_scoped3A : memref<!tpu.dma_semaphore, #tpu.memory_space<semaphore_mem>>)
      %dma_wait3A = arith.constant 0 : i32
      %dma_wait3A_39 = tpu.memref_slice %arg3[%add3A_4, %dma_wait3A] : memref<64x10000xi32, #tpu.memory_space<hbm>> -> memref<1x10000xi32, #tpu.memory_space<hbm>>
      %dma_wait3A_40 = tpu.memref_squeeze %dma_wait3A_39 : memref<1x10000xi32, #tpu.memory_space<hbm>> -> memref<10000xi32, #tpu.memory_space<hbm>>
      %dma_wait3A_41 = arith.constant 0 : i32
      %dma_wait3A_42 = tpu.memref_slice %arg3[%add3A_4, %dma_wait3A_41] : memref<64x10000xi32, #tpu.memory_space<hbm>> -> memref<1x10000xi32, #tpu.memory_space<hbm>>
      %dma_wait3A_43 = tpu.memref_squeeze %dma_wait3A_42 : memref<1x10000xi32, #tpu.memory_space<hbm>> -> memref<10000xi32, #tpu.memory_space<hbm>>
      tpu.wait_dma2 semaphore(%run_scoped3A : memref<!tpu.dma_semaphore, #tpu.memory_space<semaphore_mem>>) src(%dma_wait3A_43 : memref<10000xi32, #tpu.memory_space<hbm>>) dst(%arg6 : memref<10000xi32, #tpu.memory_space<vmem>>)
      tpu.yield
    }) : () -> ()
    %iota3A = tpu.iota {dimensions = array<i32: 0>} : vector<16xi32>
    %multiple_of3A_5 = arith.constant 0 : i32
    %multiple_of3A_6 = tpu.assume_multiple %multiple_of3A_5, 16 : i32
    %dma_start3A = tpu.memref_slice %arg5[%multiple_of3A_6] : memref<10000xi32, #tpu.memory_space<vmem>> -> memref<80xi32, #tpu.memory_space<vmem>>
    %dma_start3A_7 = arith.constant 0 : i32
    %dma_start3A_8 = arith.constant 0 : i32
    %dma_start3A_9 = tpu.memref_slice %arg2[%dma_start3A_7, %dma_start3A_8] : memref<10000x128xbf16, #tpu.memory_space<hbm>> -> memref<10000x128xbf16, #tpu.memory_space<hbm>>
    tpu.enqueue_indirect_dma source(%dma_start3A_9 : memref<10000x128xbf16, #tpu.memory_space<hbm>>) target(%arg7 : memref<80x128xbf16, #tpu.memory_space<vmem>>) offsets(%dma_start3A : memref<80xi32, #tpu.memory_space<vmem>>) semaphore(%arg13 : memref<!tpu.dma_semaphore, #tpu.memory_space<semaphore_mem>>)
    %multiple_of3A_10 = arith.constant 0 : i32
    %multiple_of3A_11 = tpu.assume_multiple %multiple_of3A_10, 16 : i32
    %dma_start3A_12 = tpu.memref_slice %arg6[%multiple_of3A_11] : memref<10000xi32, #tpu.memory_space<vmem>> -> memref<80xi32, #tpu.memory_space<vmem>>
    %dma_start3A_13 = arith.constant 0 : i32
    %dma_start3A_14 = arith.constant 0 : i32
    %dma_start3A_15 = tpu.memref_slice %arg2[%dma_start3A_13, %dma_start3A_14] : memref<10000x128xbf16, #tpu.memory_space<hbm>> -> memref<10000x128xbf16, #tpu.memory_space<hbm>>
    tpu.enqueue_indirect_dma source(%dma_start3A_15 : memref<10000x128xbf16, #tpu.memory_space<hbm>>) target(%arg9 : memref<80x128xbf16, #tpu.memory_space<vmem>>) offsets(%dma_start3A_12 : memref<80xi32, #tpu.memory_space<vmem>>) semaphore(%arg15 : memref<!tpu.dma_semaphore, #tpu.memory_space<semaphore_mem>>)
    %multiple_of3A_16 = arith.constant 80 : i32
    %multiple_of3A_17 = tpu.assume_multiple %multiple_of3A_16, 16 : i32
    %dma_start3A_18 = tpu.memref_slice %arg5[%multiple_of3A_17] : memref<10000xi32, #tpu.memory_space<vmem>> -> memref<80xi32, #tpu.memory_space<vmem>>
    %dma_start3A_19 = arith.constant 0 : i32
    %dma_start3A_20 = arith.constant 0 : i32
    %dma_start3A_21 = tpu.memref_slice %arg2[%dma_start3A_19, %dma_start3A_20] : memref<10000x128xbf16, #tpu.memory_space<hbm>> -> memref<10000x128xbf16, #tpu.memory_space<hbm>>
    tpu.enqueue_indirect_dma source(%dma_start3A_21 : memref<10000x128xbf16, #tpu.memory_space<hbm>>) target(%arg8 : memref<80x128xbf16, #tpu.memory_space<vmem>>) offsets(%dma_start3A_18 : memref<80xi32, #tpu.memory_space<vmem>>) semaphore(%arg14 : memref<!tpu.dma_semaphore, #tpu.memory_space<semaphore_mem>>)
    %multiple_of3A_22 = arith.constant 80 : i32
    %multiple_of3A_23 = tpu.assume_multiple %multiple_of3A_22, 16 : i32
    %dma_start3A_24 = tpu.memref_slice %arg6[%multiple_of3A_23] : memref<10000xi32, #tpu.memory_space<vmem>> -> memref<80xi32, #tpu.memory_space<vmem>>
    %dma_start3A_25 = arith.constant 0 : i32
    %dma_start3A_26 = arith.constant 0 : i32
    %dma_start3A_27 = tpu.memref_slice %arg2[%dma_start3A_25, %dma_start3A_26] : memref<10000x128xbf16, #tpu.memory_space<hbm>> -> memref<10000x128xbf16, #tpu.memory_space<hbm>>
    tpu.enqueue_indirect_dma source(%dma_start3A_27 : memref<10000x128xbf16, #tpu.memory_space<hbm>>) target(%arg10 : memref<80x128xbf16, #tpu.memory_space<vmem>>) offsets(%dma_start3A_24 : memref<80xi32, #tpu.memory_space<vmem>>) semaphore(%arg16 : memref<!tpu.dma_semaphore, #tpu.memory_space<semaphore_mem>>)
    %scan3A = arith.constant 0 : i32
    %scan3A_28 = arith.constant 0 : i32
    %scan3A_29 = arith.constant 125 : i32
    %scan3A_30 = arith.addi %scan3A_28, %scan3A_29 : i32
    %scan3A_31 = arith.constant 1 : i32
    scf.for %scan3A_33 = %scan3A_28 to %scan3A_30 step %scan3A_31  : i32 {
      %jit3A = arith.constant 2 : i32
      %eq3A = arith.constant 0 : i32
      %eq3A_34 = arith.cmpi eq, %jit3A, %eq3A : i32
      %jit3A_35 = arith.constant 1 : i32
      %select_n3A = arith.select %eq3A_34, %jit3A_35, %jit3A : i32
      %rem3A = arith.remsi %scan3A_33, %select_n3A : i32
      %ne3A = arith.constant 0 : i32
      %ne3A_36 = arith.cmpi ne, %rem3A, %ne3A : i32
      %lt3A = arith.constant 0 : i32
      %lt3A_37 = arith.cmpi slt, %rem3A, %lt3A : i32
      %lt3A_38 = arith.constant 0 : i32
      %lt3A_39 = arith.cmpi slt, %select_n3A, %lt3A_38 : i32
      %ne3A_40 = arith.xori %lt3A_37, %lt3A_39 : i1
      %and3A = arith.andi %ne3A_40, %ne3A_36 : i1
      %add3A_41 = arith.addi %rem3A, %select_n3A : i32
      %select_n3A_42 = arith.select %and3A, %add3A_41, %rem3A : i32
      %eq3A_43 = arith.constant 0 : i32
      %eq3A_44 = arith.cmpi eq, %select_n3A_42, %eq3A_43 : i32
      %convert_element_type3A = arith.extui %eq3A_44 : i1 to i32
      %cond3A = arith.constant 0 : i32
      %cond3A_45 = arith.cmpi ne, %convert_element_type3A, %cond3A : i32
      scf.if %cond3A_45 {
        %mul3A_67 = arith.constant 80 : i32
        %mul3A_68 = arith.muli %scan3A_33, %mul3A_67 : i32
        %multiple_of3A_69 = tpu.assume_multiple %mul3A_68, 16 : i32
        %dma_wait3A = tpu.memref_slice %arg5[%multiple_of3A_69] : memref<10000xi32, #tpu.memory_space<vmem>> -> memref<80xi32, #tpu.memory_space<vmem>>
        %dma_wait3A_70 = arith.constant 0 : i32
        %dma_wait3A_71 = arith.constant 0 : i32
        %dma_wait3A_72 = tpu.memref_slice %arg2[%dma_wait3A_70, %dma_wait3A_71] : memref<10000x128xbf16, #tpu.memory_space<hbm>> -> memref<10000x128xbf16, #tpu.memory_space<hbm>>
        tpu.wait_indirect_dma semaphore(%arg13 : memref<!tpu.dma_semaphore, #tpu.memory_space<semaphore_mem>>) src(%dma_wait3A_72 : memref<10000x128xbf16, #tpu.memory_space<hbm>>) dst(%arg7 : memref<80x128xbf16, #tpu.memory_space<vmem>>)
        %mul3A_73 = arith.constant 80 : i32
        %mul3A_74 = arith.muli %scan3A_33, %mul3A_73 : i32
        %multiple_of3A_75 = tpu.assume_multiple %mul3A_74, 16 : i32
        %dma_wait3A_76 = tpu.memref_slice %arg6[%multiple_of3A_75] : memref<10000xi32, #tpu.memory_space<vmem>> -> memref<80xi32, #tpu.memory_space<vmem>>
        %dma_wait3A_77 = arith.constant 0 : i32
        %dma_wait3A_78 = arith.constant 0 : i32
        %dma_wait3A_79 = tpu.memref_slice %arg2[%dma_wait3A_77, %dma_wait3A_78] : memref<10000x128xbf16, #tpu.memory_space<hbm>> -> memref<10000x128xbf16, #tpu.memory_space<hbm>>
        tpu.wait_indirect_dma semaphore(%arg15 : memref<!tpu.dma_semaphore, #tpu.memory_space<semaphore_mem>>) src(%dma_wait3A_79 : memref<10000x128xbf16, #tpu.memory_space<hbm>>) dst(%arg9 : memref<80x128xbf16, #tpu.memory_space<vmem>>)
        %scan3A_80 = arith.constant 0 : i32
        %scan3A_81 = arith.constant 0 : i32
        %scan3A_82 = arith.constant 5 : i32
        %scan3A_83 = arith.addi %scan3A_81, %scan3A_82 : i32
        %scan3A_84 = arith.constant 1 : i32
        scf.for %scan3A_93 = %scan3A_81 to %scan3A_83 step %scan3A_84  : i32 {
          %mul3A_94 = arith.constant 16 : i32
          %mul3A_95 = arith.muli %scan3A_93, %mul3A_94 : i32
          %add3A_96 = arith.constant 0 : i32
          %add3A_97 = arith.addi %mul3A_95, %add3A_96 : i32
          %add3A_98 = arith.constant 0 : i32
          %add3A_99 = arith.addi %add3A_97, %add3A_98 : i32
          %get3A = arith.index_cast %add3A_99 : i32 to index
          %get3A_100 = arith.constant 0 : index
          %get3A_101 = tpu.vector_load %arg7[%get3A, %get3A_100] {strides = array<i32>} : memref<80x128xbf16, #tpu.memory_space<vmem>>, vector<32xbf16>,
          %get3A_102 = arith.index_cast %add3A_99 : i32 to index
          %get3A_103 = arith.constant 0 : index
          %get3A_104 = tpu.vector_load %arg9[%get3A_102, %get3A_103] {strides = array<i32>} : memref<80x128xbf16, #tpu.memory_space<vmem>>, vector<32xbf16>,
          %mul3A_105 = arith.mulf %get3A_101, %get3A_104 : vector<32xbf16>
          %add3A_106 = arith.constant 0 : i32
          %add3A_107 = arith.addi %mul3A_95, %add3A_106 : i32
          %add3A_108 = arith.constant 1 : i32
          %add3A_109 = arith.addi %add3A_107, %add3A_108 : i32
          %get3A_110 = arith.index_cast %add3A_109 : i32 to index
          %get3A_111 = arith.constant 0 : index
          %get3A_112 = tpu.vector_load %arg7[%get3A_110, %get3A_111] {strides = array<i32>} : memref<80x128xbf16, #tpu.memory_space<vmem>>, vector<32xbf16>,
          %get3A_113 = arith.index_cast %add3A_109 : i32 to index
          %get3A_114 = arith.constant 0 : index
          %get3A_115 = tpu.vector_load %arg9[%get3A_113, %get3A_114] {strides = array<i32>} : memref<80x128xbf16, #tpu.memory_space<vmem>>, vector<32xbf16>,
          %mul3A_116 = arith.mulf %get3A_112, %get3A_115 : vector<32xbf16>
          %add3A_117 = arith.constant 0 : i32
          %add3A_118 = arith.addi %mul3A_95, %add3A_117 : i32
          %add3A_119 = arith.constant 2 : i32
          %add3A_120 = arith.addi %add3A_118, %add3A_119 : i32
          %get3A_121 = arith.index_cast %add3A_120 : i32 to index
          %get3A_122 = arith.constant 0 : index
          %get3A_123 = tpu.vector_load %arg7[%get3A_121, %get3A_122] {strides = array<i32>} : memref<80x128xbf16, #tpu.memory_space<vmem>>, vector<32xbf16>,
          %get3A_124 = arith.index_cast %add3A_120 : i32 to index
          %get3A_125 = arith.constant 0 : index
          %get3A_126 = tpu.vector_load %arg9[%get3A_124, %get3A_125] {strides = array<i32>} : memref<80x128xbf16, #tpu.memory_space<vmem>>, vector<32xbf16>,
          %mul3A_127 = arith.mulf %get3A_123, %get3A_126 : vector<32xbf16>
          %add3A_128 = arith.constant 0 : i32
          %add3A_129 = arith.addi %mul3A_95, %add3A_128 : i32
          %add3A_130 = arith.constant 3 : i32
          %add3A_131 = arith.addi %add3A_129, %add3A_130 : i32
          %get3A_132 = arith.index_cast %add3A_131 : i32 to index
          %get3A_133 = arith.constant 0 : index
          %get3A_134 = tpu.vector_load %arg7[%get3A_132, %get3A_133] {strides = array<i32>} : memref<80x128xbf16, #tpu.memory_space<vmem>>, vector<32xbf16>,
          %get3A_135 = arith.index_cast %add3A_131 : i32 to index
          %get3A_136 = arith.constant 0 : index
          %get3A_137 = tpu.vector_load %arg9[%get3A_135, %get3A_136] {strides = array<i32>} : memref<80x128xbf16, #tpu.memory_space<vmem>>, vector<32xbf16>,
          %mul3A_138 = arith.mulf %get3A_134, %get3A_137 : vector<32xbf16>
          %add3A_139 = arith.constant 0 : i32
          %add3A_140 = arith.addi %mul3A_95, %add3A_139 : i32
          %add3A_141 = arith.constant 4 : i32
          %add3A_142 = arith.addi %add3A_140, %add3A_141 : i32
          %get3A_143 = arith.index_cast %add3A_142 : i32 to index
          %get3A_144 = arith.constant 0 : index
          %get3A_145 = tpu.vector_load %arg7[%get3A_143, %get3A_144] {strides = array<i32>} : memref<80x128xbf16, #tpu.memory_space<vmem>>, vector<32xbf16>,
          %get3A_146 = arith.index_cast %add3A_142 : i32 to index
          %get3A_147 = arith.constant 0 : index
          %get3A_148 = tpu.vector_load %arg9[%get3A_146, %get3A_147] {strides = array<i32>} : memref<80x128xbf16, #tpu.memory_space<vmem>>, vector<32xbf16>,
          %mul3A_149 = arith.mulf %get3A_145, %get3A_148 : vector<32xbf16>
          %add3A_150 = arith.constant 0 : i32
          %add3A_151 = arith.addi %mul3A_95, %add3A_150 : i32
          %add3A_152 = arith.constant 5 : i32
          %add3A_153 = arith.addi %add3A_151, %add3A_152 : i32
          %get3A_154 = arith.index_cast %add3A_153 : i32 to index
          %get3A_155 = arith.constant 0 : index
          %get3A_156 = tpu.vector_load %arg7[%get3A_154, %get3A_155] {strides = array<i32>} : memref<80x128xbf16, #tpu.memory_space<vmem>>, vector<32xbf16>,
          %get3A_157 = arith.index_cast %add3A_153 : i32 to index
          %get3A_158 = arith.constant 0 : index
          %get3A_159 = tpu.vector_load %arg9[%get3A_157, %get3A_158] {strides = array<i32>} : memref<80x128xbf16, #tpu.memory_space<vmem>>, vector<32xbf16>,
          %mul3A_160 = arith.mulf %get3A_156, %get3A_159 : vector<32xbf16>
          %add3A_161 = arith.constant 0 : i32
          %add3A_162 = arith.addi %mul3A_95, %add3A_161 : i32
          %add3A_163 = arith.constant 6 : i32
          %add3A_164 = arith.addi %add3A_162, %add3A_163 : i32
          %get3A_165 = arith.index_cast %add3A_164 : i32 to index
          %get3A_166 = arith.constant 0 : index
          %get3A_167 = tpu.vector_load %arg7[%get3A_165, %get3A_166] {strides = array<i32>} : memref<80x128xbf16, #tpu.memory_space<vmem>>, vector<32xbf16>,
          %get3A_168 = arith.index_cast %add3A_164 : i32 to index
          %get3A_169 = arith.constant 0 : index
          %get3A_170 = tpu.vector_load %arg9[%get3A_168, %get3A_169] {strides = array<i32>} : memref<80x128xbf16, #tpu.memory_space<vmem>>, vector<32xbf16>,
          %mul3A_171 = arith.mulf %get3A_167, %get3A_170 : vector<32xbf16>
          %add3A_172 = arith.constant 0 : i32
          %add3A_173 = arith.addi %mul3A_95, %add3A_172 : i32
          %add3A_174 = arith.constant 7 : i32
          %add3A_175 = arith.addi %add3A_173, %add3A_174 : i32
          %get3A_176 = arith.index_cast %add3A_175 : i32 to index
          %get3A_177 = arith.constant 0 : index
          %get3A_178 = tpu.vector_load %arg7[%get3A_176, %get3A_177] {strides = array<i32>} : memref<80x128xbf16, #tpu.memory_space<vmem>>, vector<32xbf16>,
          %get3A_179 = arith.index_cast %add3A_175 : i32 to index
          %get3A_180 = arith.constant 0 : index
          %get3A_181 = tpu.vector_load %arg9[%get3A_179, %get3A_180] {strides = array<i32>} : memref<80x128xbf16, #tpu.memory_space<vmem>>, vector<32xbf16>,
          %mul3A_182 = arith.mulf %get3A_178, %get3A_181 : vector<32xbf16>
          %add3A_183 = arith.constant 0 : i32
          %add3A_184 = arith.addi %mul3A_95, %add3A_183 : i32
          %add3A_185 = arith.constant 0 : i32
          %add3A_186 = arith.addi %add3A_184, %add3A_185 : i32
          %get3A_187 = arith.index_cast %add3A_186 : i32 to index
          %get3A_188 = arith.constant 32 : index
          %get3A_189 = tpu.vector_load %arg7[%get3A_187, %get3A_188] {strides = array<i32>} : memref<80x128xbf16, #tpu.memory_space<vmem>>, vector<32xbf16>,
          %get3A_190 = arith.index_cast %add3A_186 : i32 to index
          %get3A_191 = arith.constant 32 : index
          %get3A_192 = tpu.vector_load %arg9[%get3A_190, %get3A_191] {strides = array<i32>} : memref<80x128xbf16, #tpu.memory_space<vmem>>, vector<32xbf16>,
          %mul3A_193 = arith.mulf %get3A_189, %get3A_192 : vector<32xbf16>
          %add3A_194 = arith.constant 0 : i32
          %add3A_195 = arith.addi %mul3A_95, %add3A_194 : i32
          %add3A_196 = arith.constant 1 : i32
          %add3A_197 = arith.addi %add3A_195, %add3A_196 : i32
          %get3A_198 = arith.index_cast %add3A_197 : i32 to index
          %get3A_199 = arith.constant 32 : index
          %get3A_200 = tpu.vector_load %arg7[%get3A_198, %get3A_199] {strides = array<i32>} : memref<80x128xbf16, #tpu.memory_space<vmem>>, vector<32xbf16>,
          %get3A_201 = arith.index_cast %add3A_197 : i32 to index
          %get3A_202 = arith.constant 32 : index
          %get3A_203 = tpu.vector_load %arg9[%get3A_201, %get3A_202] {strides = array<i32>} : memref<80x128xbf16, #tpu.memory_space<vmem>>, vector<32xbf16>,
          %mul3A_204 = arith.mulf %get3A_200, %get3A_203 : vector<32xbf16>
          %add3A_205 = arith.constant 0 : i32
          %add3A_206 = arith.addi %mul3A_95, %add3A_205 : i32
          %add3A_207 = arith.constant 2 : i32
          %add3A_208 = arith.addi %add3A_206, %add3A_207 : i32
          %get3A_209 = arith.index_cast %add3A_208 : i32 to index
          %get3A_210 = arith.constant 32 : index
          %get3A_211 = tpu.vector_load %arg7[%get3A_209, %get3A_210] {strides = array<i32>} : memref<80x128xbf16, #tpu.memory_space<vmem>>, vector<32xbf16>,
          %get3A_212 = arith.index_cast %add3A_208 : i32 to index
          %get3A_213 = arith.constant 32 : index
          %get3A_214 = tpu.vector_load %arg9[%get3A_212, %get3A_213] {strides = array<i32>} : memref<80x128xbf16, #tpu.memory_space<vmem>>, vector<32xbf16>,
          %mul3A_215 = arith.mulf %get3A_211, %get3A_214 : vector<32xbf16>
          %add3A_216 = arith.constant 0 : i32
          %add3A_217 = arith.addi %mul3A_95, %add3A_216 : i32
          %add3A_218 = arith.constant 3 : i32
          %add3A_219 = arith.addi %add3A_217, %add3A_218 : i32
          %get3A_220 = arith.index_cast %add3A_219 : i32 to index
          %get3A_221 = arith.constant 32 : index
          %get3A_222 = tpu.vector_load %arg7[%get3A_220, %get3A_221] {strides = array<i32>} : memref<80x128xbf16, #tpu.memory_space<vmem>>, vector<32xbf16>,
          %get3A_223 = arith.index_cast %add3A_219 : i32 to index
          %get3A_224 = arith.constant 32 : index
          %get3A_225 = tpu.vector_load %arg9[%get3A_223, %get3A_224] {strides = array<i32>} : memref<80x128xbf16, #tpu.memory_space<vmem>>, vector<32xbf16>,
          %mul3A_226 = arith.mulf %get3A_222, %get3A_225 : vector<32xbf16>
          %add3A_227 = arith.constant 0 : i32
          %add3A_228 = arith.addi %mul3A_95, %add3A_227 : i32
          %add3A_229 = arith.constant 4 : i32
          %add3A_230 = arith.addi %add3A_228, %add3A_229 : i32
          %get3A_231 = arith.index_cast %add3A_230 : i32 to index
          %get3A_232 = arith.constant 32 : index
          %get3A_233 = tpu.vector_load %arg7[%get3A_231, %get3A_232] {strides = array<i32>} : memref<80x128xbf16, #tpu.memory_space<vmem>>, vector<32xbf16>,
          %get3A_234 = arith.index_cast %add3A_230 : i32 to index
          %get3A_235 = arith.constant 32 : index
          %get3A_236 = tpu.vector_load %arg9[%get3A_234, %get3A_235] {strides = array<i32>} : memref<80x128xbf16, #tpu.memory_space<vmem>>, vector<32xbf16>,
          %mul3A_237 = arith.mulf %get3A_233, %get3A_236 : vector<32xbf16>
          %add3A_238 = arith.constant 0 : i32
          %add3A_239 = arith.addi %mul3A_95, %add3A_238 : i32
          %add3A_240 = arith.constant 5 : i32
          %add3A_241 = arith.addi %add3A_239, %add3A_240 : i32
          %get3A_242 = arith.index_cast %add3A_241 : i32 to index
          %get3A_243 = arith.constant 32 : index
          %get3A_244 = tpu.vector_load %arg7[%get3A_242, %get3A_243] {strides = array<i32>} : memref<80x128xbf16, #tpu.memory_space<vmem>>, vector<32xbf16>,
          %get3A_245 = arith.index_cast %add3A_241 : i32 to index
          %get3A_246 = arith.constant 32 : index
          %get3A_247 = tpu.vector_load %arg9[%get3A_245, %get3A_246] {strides = array<i32>} : memref<80x128xbf16, #tpu.memory_space<vmem>>, vector<32xbf16>,
          %mul3A_248 = arith.mulf %get3A_244, %get3A_247 : vector<32xbf16>
          %add3A_249 = arith.constant 0 : i32
          %add3A_250 = arith.addi %mul3A_95, %add3A_249 : i32
          %add3A_251 = arith.constant 6 : i32
          %add3A_252 = arith.addi %add3A_250, %add3A_251 : i32
          %get3A_253 = arith.index_cast %add3A_252 : i32 to index
          %get3A_254 = arith.constant 32 : index
          %get3A_255 = tpu.vector_load %arg7[%get3A_253, %get3A_254] {strides = array<i32>} : memref<80x128xbf16, #tpu.memory_space<vmem>>, vector<32xbf16>,
          %get3A_256 = arith.index_cast %add3A_252 : i32 to index
          %get3A_257 = arith.constant 32 : index
          %get3A_258 = tpu.vector_load %arg9[%get3A_256, %get3A_257] {strides = array<i32>} : memref<80x128xbf16, #tpu.memory_space<vmem>>, vector<32xbf16>,
          %mul3A_259 = arith.mulf %get3A_255, %get3A_258 : vector<32xbf16>
          %add3A_260 = arith.constant 0 : i32
          %add3A_261 = arith.addi %mul3A_95, %add3A_260 : i32
          %add3A_262 = arith.constant 7 : i32
          %add3A_263 = arith.addi %add3A_261, %add3A_262 : i32
          %get3A_264 = arith.index_cast %add3A_263 : i32 to index
          %get3A_265 = arith.constant 32 : index
          %get3A_266 = tpu.vector_load %arg7[%get3A_264, %get3A_265] {strides = array<i32>} : memref<80x128xbf16, #tpu.memory_space<vmem>>, vector<32xbf16>,
          %get3A_267 = arith.index_cast %add3A_263 : i32 to index
          %get3A_268 = arith.constant 32 : index
          %get3A_269 = tpu.vector_load %arg9[%get3A_267, %get3A_268] {strides = array<i32>} : memref<80x128xbf16, #tpu.memory_space<vmem>>, vector<32xbf16>,
          %mul3A_270 = arith.mulf %get3A_266, %get3A_269 : vector<32xbf16>
          %add3A_271 = arith.constant 0 : i32
          %add3A_272 = arith.addi %mul3A_95, %add3A_271 : i32
          %add3A_273 = arith.constant 0 : i32
          %add3A_274 = arith.addi %add3A_272, %add3A_273 : i32
          %get3A_275 = arith.index_cast %add3A_274 : i32 to index
          %get3A_276 = arith.constant 64 : index
          %get3A_277 = tpu.vector_load %arg7[%get3A_275, %get3A_276] {strides = array<i32>} : memref<80x128xbf16, #tpu.memory_space<vmem>>, vector<32xbf16>,
          %get3A_278 = arith.index_cast %add3A_274 : i32 to index
          %get3A_279 = arith.constant 64 : index
          %get3A_280 = tpu.vector_load %arg9[%get3A_278, %get3A_279] {strides = array<i32>} : memref<80x128xbf16, #tpu.memory_space<vmem>>, vector<32xbf16>,
          %mul3A_281 = arith.mulf %get3A_277, %get3A_280 : vector<32xbf16>
          %add3A_282 = arith.addf %mul3A_105, %mul3A_281 : vector<32xbf16>
          %add3A_283 = arith.constant 0 : i32
          %add3A_284 = arith.addi %mul3A_95, %add3A_283 : i32
          %add3A_285 = arith.constant 1 : i32
          %add3A_286 = arith.addi %add3A_284, %add3A_285 : i32
          %get3A_287 = arith.index_cast %add3A_286 : i32 to index
          %get3A_288 = arith.constant 64 : index
          %get3A_289 = tpu.vector_load %arg7[%get3A_287, %get3A_288] {strides = array<i32>} : memref<80x128xbf16, #tpu.memory_space<vmem>>, vector<32xbf16>,
          %get3A_290 = arith.index_cast %add3A_286 : i32 to index
          %get3A_291 = arith.constant 64 : index
          %get3A_292 = tpu.vector_load %arg9[%get3A_290, %get3A_291] {strides = array<i32>} : memref<80x128xbf16, #tpu.memory_space<vmem>>, vector<32xbf16>,
          %mul3A_293 = arith.mulf %get3A_289, %get3A_292 : vector<32xbf16>
          %add3A_294 = arith.addf %mul3A_116, %mul3A_293 : vector<32xbf16>
          %add3A_295 = arith.constant 0 : i32
          %add3A_296 = arith.addi %mul3A_95, %add3A_295 : i32
          %add3A_297 = arith.constant 2 : i32
          %add3A_298 = arith.addi %add3A_296, %add3A_297 : i32
          %get3A_299 = arith.index_cast %add3A_298 : i32 to index
          %get3A_300 = arith.constant 64 : index
          %get3A_301 = tpu.vector_load %arg7[%get3A_299, %get3A_300] {strides = array<i32>} : memref<80x128xbf16, #tpu.memory_space<vmem>>, vector<32xbf16>,
          %get3A_302 = arith.index_cast %add3A_298 : i32 to index
          %get3A_303 = arith.constant 64 : index
          %get3A_304 = tpu.vector_load %arg9[%get3A_302, %get3A_303] {strides = array<i32>} : memref<80x128xbf16, #tpu.memory_space<vmem>>, vector<32xbf16>,
          %mul3A_305 = arith.mulf %get3A_301, %get3A_304 : vector<32xbf16>
          %add3A_306 = arith.addf %mul3A_127, %mul3A_305 : vector<32xbf16>
          %add3A_307 = arith.constant 0 : i32
          %add3A_308 = arith.addi %mul3A_95, %add3A_307 : i32
          %add3A_309 = arith.constant 3 : i32
          %add3A_310 = arith.addi %add3A_308, %add3A_309 : i32
          %get3A_311 = arith.index_cast %add3A_310 : i32 to index
          %get3A_312 = arith.constant 64 : index
          %get3A_313 = tpu.vector_load %arg7[%get3A_311, %get3A_312] {strides = array<i32>} : memref<80x128xbf16, #tpu.memory_space<vmem>>, vector<32xbf16>,
          %get3A_314 = arith.index_cast %add3A_310 : i32 to index
          %get3A_315 = arith.constant 64 : index
          %get3A_316 = tpu.vector_load %arg9[%get3A_314, %get3A_315] {strides = array<i32>} : memref<80x128xbf16, #tpu.memory_space<vmem>>, vector<32xbf16>,
          %mul3A_317 = arith.mulf %get3A_313, %get3A_316 : vector<32xbf16>
          %add3A_318 = arith.addf %mul3A_138, %mul3A_317 : vector<32xbf16>
          %add3A_319 = arith.constant 0 : i32
          %add3A_320 = arith.addi %mul3A_95, %add3A_319 : i32
          %add3A_321 = arith.constant 4 : i32
          %add3A_322 = arith.addi %add3A_320, %add3A_321 : i32
          %get3A_323 = arith.index_cast %add3A_322 : i32 to index
          %get3A_324 = arith.constant 64 : index
          %get3A_325 = tpu.vector_load %arg7[%get3A_323, %get3A_324] {strides = array<i32>} : memref<80x128xbf16, #tpu.memory_space<vmem>>, vector<32xbf16>,
          %get3A_326 = arith.index_cast %add3A_322 : i32 to index
          %get3A_327 = arith.constant 64 : index
          %get3A_328 = tpu.vector_load %arg9[%get3A_326, %get3A_327] {strides = array<i32>} : memref<80x128xbf16, #tpu.memory_space<vmem>>, vector<32xbf16>,
          %mul3A_329 = arith.mulf %get3A_325, %get3A_328 : vector<32xbf16>
          %add3A_330 = arith.addf %mul3A_149, %mul3A_329 : vector<32xbf16>
          %add3A_331 = arith.constant 0 : i32
          %add3A_332 = arith.addi %mul3A_95, %add3A_331 : i32
          %add3A_333 = arith.constant 5 : i32
          %add3A_334 = arith.addi %add3A_332, %add3A_333 : i32
          %get3A_335 = arith.index_cast %add3A_334 : i32 to index
          %get3A_336 = arith.constant 64 : index
          %get3A_337 = tpu.vector_load %arg7[%get3A_335, %get3A_336] {strides = array<i32>} : memref<80x128xbf16, #tpu.memory_space<vmem>>, vector<32xbf16>,
          %get3A_338 = arith.index_cast %add3A_334 : i32 to index
          %get3A_339 = arith.constant 64 : index
          %get3A_340 = tpu.vector_load %arg9[%get3A_338, %get3A_339] {strides = array<i32>} : memref<80x128xbf16, #tpu.memory_space<vmem>>, vector<32xbf16>,
          %mul3A_341 = arith.mulf %get3A_337, %get3A_340 : vector<32xbf16>
          %add3A_342 = arith.addf %mul3A_160, %mul3A_341 : vector<32xbf16>
          %add3A_343 = arith.constant 0 : i32
          %add3A_344 = arith.addi %mul3A_95, %add3A_343 : i32
          %add3A_345 = arith.constant 6 : i32
          %add3A_346 = arith.addi %add3A_344, %add3A_345 : i32
          %get3A_347 = arith.index_cast %add3A_346 : i32 to index
          %get3A_348 = arith.constant 64 : index
          %get3A_349 = tpu.vector_load %arg7[%get3A_347, %get3A_348] {strides = array<i32>} : memref<80x128xbf16, #tpu.memory_space<vmem>>, vector<32xbf16>,
          %get3A_350 = arith.index_cast %add3A_346 : i32 to index
          %get3A_351 = arith.constant 64 : index
          %get3A_352 = tpu.vector_load %arg9[%get3A_350, %get3A_351] {strides = array<i32>} : memref<80x128xbf16, #tpu.memory_space<vmem>>, vector<32xbf16>,
          %mul3A_353 = arith.mulf %get3A_349, %get3A_352 : vector<32xbf16>
          %add3A_354 = arith.addf %mul3A_171, %mul3A_353 : vector<32xbf16>
          %add3A_355 = arith.constant 0 : i32
          %add3A_356 = arith.addi %mul3A_95, %add3A_355 : i32
          %add3A_357 = arith.constant 7 : i32
          %add3A_358 = arith.addi %add3A_356, %add3A_357 : i32
          %get3A_359 = arith.index_cast %add3A_358 : i32 to index
          %get3A_360 = arith.constant 64 : index
          %get3A_361 = tpu.vector_load %arg7[%get3A_359, %get3A_360] {strides = array<i32>} : memref<80x128xbf16, #tpu.memory_space<vmem>>, vector<32xbf16>,
          %get3A_362 = arith.index_cast %add3A_358 : i32 to index
          %get3A_363 = arith.constant 64 : index
          %get3A_364 = tpu.vector_load %arg9[%get3A_362, %get3A_363] {strides = array<i32>} : memref<80x128xbf16, #tpu.memory_space<vmem>>, vector<32xbf16>,
          %mul3A_365 = arith.mulf %get3A_361, %get3A_364 : vector<32xbf16>
          %add3A_366 = arith.addf %mul3A_182, %mul3A_365 : vector<32xbf16>
          %add3A_367 = arith.constant 0 : i32
          %add3A_368 = arith.addi %mul3A_95, %add3A_367 : i32
          %add3A_369 = arith.constant 0 : i32
          %add3A_370 = arith.addi %add3A_368, %add3A_369 : i32
          %get3A_371 = arith.index_cast %add3A_370 : i32 to index
          %get3A_372 = arith.constant 96 : index
          %get3A_373 = tpu.vector_load %arg7[%get3A_371, %get3A_372] {strides = array<i32>} : memref<80x128xbf16, #tpu.memory_space<vmem>>, vector<32xbf16>,
          %get3A_374 = arith.index_cast %add3A_370 : i32 to index
          %get3A_375 = arith.constant 96 : index
          %get3A_376 = tpu.vector_load %arg9[%get3A_374, %get3A_375] {strides = array<i32>} : memref<80x128xbf16, #tpu.memory_space<vmem>>, vector<32xbf16>,
          %mul3A_377 = arith.mulf %get3A_373, %get3A_376 : vector<32xbf16>
          %add3A_378 = arith.addf %mul3A_193, %mul3A_377 : vector<32xbf16>
          %add3A_379 = arith.constant 0 : i32
          %add3A_380 = arith.addi %mul3A_95, %add3A_379 : i32
          %add3A_381 = arith.constant 1 : i32
          %add3A_382 = arith.addi %add3A_380, %add3A_381 : i32
          %get3A_383 = arith.index_cast %add3A_382 : i32 to index
          %get3A_384 = arith.constant 96 : index
          %get3A_385 = tpu.vector_load %arg7[%get3A_383, %get3A_384] {strides = array<i32>} : memref<80x128xbf16, #tpu.memory_space<vmem>>, vector<32xbf16>,
          %get3A_386 = arith.index_cast %add3A_382 : i32 to index
          %get3A_387 = arith.constant 96 : index
          %get3A_388 = tpu.vector_load %arg9[%get3A_386, %get3A_387] {strides = array<i32>} : memref<80x128xbf16, #tpu.memory_space<vmem>>, vector<32xbf16>,
          %mul3A_389 = arith.mulf %get3A_385, %get3A_388 : vector<32xbf16>
          %add3A_390 = arith.addf %mul3A_204, %mul3A_389 : vector<32xbf16>
          %add3A_391 = arith.constant 0 : i32
          %add3A_392 = arith.addi %mul3A_95, %add3A_391 : i32
          %add3A_393 = arith.constant 2 : i32
          %add3A_394 = arith.addi %add3A_392, %add3A_393 : i32
          %get3A_395 = arith.index_cast %add3A_394 : i32 to index
          %get3A_396 = arith.constant 96 : index
          %get3A_397 = tpu.vector_load %arg7[%get3A_395, %get3A_396] {strides = array<i32>} : memref<80x128xbf16, #tpu.memory_space<vmem>>, vector<32xbf16>,
          %get3A_398 = arith.index_cast %add3A_394 : i32 to index
          %get3A_399 = arith.constant 96 : index
          %get3A_400 = tpu.vector_load %arg9[%get3A_398, %get3A_399] {strides = array<i32>} : memref<80x128xbf16, #tpu.memory_space<vmem>>, vector<32xbf16>,
          %mul3A_401 = arith.mulf %get3A_397, %get3A_400 : vector<32xbf16>
          %add3A_402 = arith.addf %mul3A_215, %mul3A_401 : vector<32xbf16>
          %add3A_403 = arith.constant 0 : i32
          %add3A_404 = arith.addi %mul3A_95, %add3A_403 : i32
          %add3A_405 = arith.constant 3 : i32
          %add3A_406 = arith.addi %add3A_404, %add3A_405 : i32
          %get3A_407 = arith.index_cast %add3A_406 : i32 to index
          %get3A_408 = arith.constant 96 : index
          %get3A_409 = tpu.vector_load %arg7[%get3A_407, %get3A_408] {strides = array<i32>} : memref<80x128xbf16, #tpu.memory_space<vmem>>, vector<32xbf16>,
          %get3A_410 = arith.index_cast %add3A_406 : i32 to index
          %get3A_411 = arith.constant 96 : index
          %get3A_412 = tpu.vector_load %arg9[%get3A_410, %get3A_411] {strides = array<i32>} : memref<80x128xbf16, #tpu.memory_space<vmem>>, vector<32xbf16>,
          %mul3A_413 = arith.mulf %get3A_409, %get3A_412 : vector<32xbf16>
          %add3A_414 = arith.addf %mul3A_226, %mul3A_413 : vector<32xbf16>
          %add3A_415 = arith.constant 0 : i32
          %add3A_416 = arith.addi %mul3A_95, %add3A_415 : i32
          %add3A_417 = arith.constant 4 : i32
          %add3A_418 = arith.addi %add3A_416, %add3A_417 : i32
          %get3A_419 = arith.index_cast %add3A_418 : i32 to index
          %get3A_420 = arith.constant 96 : index
          %get3A_421 = tpu.vector_load %arg7[%get3A_419, %get3A_420] {strides = array<i32>} : memref<80x128xbf16, #tpu.memory_space<vmem>>, vector<32xbf16>,
          %get3A_422 = arith.index_cast %add3A_418 : i32 to index
          %get3A_423 = arith.constant 96 : index
          %get3A_424 = tpu.vector_load %arg9[%get3A_422, %get3A_423] {strides = array<i32>} : memref<80x128xbf16, #tpu.memory_space<vmem>>, vector<32xbf16>,
          %mul3A_425 = arith.mulf %get3A_421, %get3A_424 : vector<32xbf16>
          %add3A_426 = arith.addf %mul3A_237, %mul3A_425 : vector<32xbf16>
          %add3A_427 = arith.constant 0 : i32
          %add3A_428 = arith.addi %mul3A_95, %add3A_427 : i32
          %add3A_429 = arith.constant 5 : i32
          %add3A_430 = arith.addi %add3A_428, %add3A_429 : i32
          %get3A_431 = arith.index_cast %add3A_430 : i32 to index
          %get3A_432 = arith.constant 96 : index
          %get3A_433 = tpu.vector_load %arg7[%get3A_431, %get3A_432] {strides = array<i32>} : memref<80x128xbf16, #tpu.memory_space<vmem>>, vector<32xbf16>,
          %get3A_434 = arith.index_cast %add3A_430 : i32 to index
          %get3A_435 = arith.constant 96 : index
          %get3A_436 = tpu.vector_load %arg9[%get3A_434, %get3A_435] {strides = array<i32>} : memref<80x128xbf16, #tpu.memory_space<vmem>>, vector<32xbf16>,
          %mul3A_437 = arith.mulf %get3A_433, %get3A_436 : vector<32xbf16>
          %add3A_438 = arith.addf %mul3A_248, %mul3A_437 : vector<32xbf16>
          %add3A_439 = arith.constant 0 : i32
          %add3A_440 = arith.addi %mul3A_95, %add3A_439 : i32
          %add3A_441 = arith.constant 6 : i32
          %add3A_442 = arith.addi %add3A_440, %add3A_441 : i32
          %get3A_443 = arith.index_cast %add3A_442 : i32 to index
          %get3A_444 = arith.constant 96 : index
          %get3A_445 = tpu.vector_load %arg7[%get3A_443, %get3A_444] {strides = array<i32>} : memref<80x128xbf16, #tpu.memory_space<vmem>>, vector<32xbf16>,
          %get3A_446 = arith.index_cast %add3A_442 : i32 to index
          %get3A_447 = arith.constant 96 : index
          %get3A_448 = tpu.vector_load %arg9[%get3A_446, %get3A_447] {strides = array<i32>} : memref<80x128xbf16, #tpu.memory_space<vmem>>, vector<32xbf16>,
          %mul3A_449 = arith.mulf %get3A_445, %get3A_448 : vector<32xbf16>
          %add3A_450 = arith.addf %mul3A_259, %mul3A_449 : vector<32xbf16>
          %add3A_451 = arith.constant 0 : i32
          %add3A_452 = arith.addi %mul3A_95, %add3A_451 : i32
          %add3A_453 = arith.constant 7 : i32
          %add3A_454 = arith.addi %add3A_452, %add3A_453 : i32
          %get3A_455 = arith.index_cast %add3A_454 : i32 to index
          %get3A_456 = arith.constant 96 : index
          %get3A_457 = tpu.vector_load %arg7[%get3A_455, %get3A_456] {strides = array<i32>} : memref<80x128xbf16, #tpu.memory_space<vmem>>, vector<32xbf16>,
          %get3A_458 = arith.index_cast %add3A_454 : i32 to index
          %get3A_459 = arith.constant 96 : index
          %get3A_460 = tpu.vector_load %arg9[%get3A_458, %get3A_459] {strides = array<i32>} : memref<80x128xbf16, #tpu.memory_space<vmem>>, vector<32xbf16>,
          %mul3A_461 = arith.mulf %get3A_457, %get3A_460 : vector<32xbf16>
          %add3A_462 = arith.addf %mul3A_270, %mul3A_461 : vector<32xbf16>
          %add3A_463 = arith.addf %add3A_282, %add3A_378 : vector<32xbf16>
          %unpack3A = tpu.unpack_subelements %add3A_463, 0 {pack_format = #tpu.pack_format<interleaved>} : vector<32xbf16> -> vector<16xf32>
          %unpack3A_464 = tpu.unpack_subelements %add3A_463, 1 {pack_format = #tpu.pack_format<interleaved>} : vector<32xbf16> -> vector<16xf32>
          %add3A_465 = arith.addf %unpack3A, %unpack3A_464 : vector<16xf32>
          %add3A_466 = arith.constant 0 : i32
          %add3A_467 = arith.addi %mul3A_95, %add3A_466 : i32
          %add3A_468 = arith.constant 0 : i32
          %add3A_469 = arith.addi %add3A_467, %add3A_468 : i32
          %mul3A_470 = arith.constant 16 : i32
          %mul3A_471 = arith.muli %add3A_469, %mul3A_470 : i32
          %swap3A = arith.index_cast %mul3A_471 : i32 to index
          %swap3A_472 = tpu.vector_load %arg11[%swap3A] {strides = array<i32>} : memref<1280xf32, #tpu.memory_space<vmem>>, vector<16xf32>,
          tpu.vector_store %arg11[%swap3A], %add3A_465 {strides = array<i32>} : memref<1280xf32, #tpu.memory_space<vmem>>, vector<16xf32>,
          %add3A_473 = arith.addf %add3A_294, %add3A_390 : vector<32xbf16>
          %unpack3A_474 = tpu.unpack_subelements %add3A_473, 0 {pack_format = #tpu.pack_format<interleaved>} : vector<32xbf16> -> vector<16xf32>
          %unpack3A_475 = tpu.unpack_subelements %add3A_473, 1 {pack_format = #tpu.pack_format<interleaved>} : vector<32xbf16> -> vector<16xf32>
          %add3A_476 = arith.addf %unpack3A_474, %unpack3A_475 : vector<16xf32>
          %add3A_477 = arith.constant 0 : i32
          %add3A_478 = arith.addi %mul3A_95, %add3A_477 : i32
          %add3A_479 = arith.constant 1 : i32
          %add3A_480 = arith.addi %add3A_478, %add3A_479 : i32
          %mul3A_481 = arith.constant 16 : i32
          %mul3A_482 = arith.muli %add3A_480, %mul3A_481 : i32
          %swap3A_483 = arith.index_cast %mul3A_482 : i32 to index
          %swap3A_484 = tpu.vector_load %arg11[%swap3A_483] {strides = array<i32>} : memref<1280xf32, #tpu.memory_space<vmem>>, vector<16xf32>,
          tpu.vector_store %arg11[%swap3A_483], %add3A_476 {strides = array<i32>} : memref<1280xf32, #tpu.memory_space<vmem>>, vector<16xf32>,
          %add3A_485 = arith.addf %add3A_306, %add3A_402 : vector<32xbf16>
          %unpack3A_486 = tpu.unpack_subelements %add3A_485, 0 {pack_format = #tpu.pack_format<interleaved>} : vector<32xbf16> -> vector<16xf32>
          %unpack3A_487 = tpu.unpack_subelements %add3A_485, 1 {pack_format = #tpu.pack_format<interleaved>} : vector<32xbf16> -> vector<16xf32>
          %add3A_488 = arith.addf %unpack3A_486, %unpack3A_487 : vector<16xf32>
          %add3A_489 = arith.constant 0 : i32
          %add3A_490 = arith.addi %mul3A_95, %add3A_489 : i32
          %add3A_491 = arith.constant 2 : i32
          %add3A_492 = arith.addi %add3A_490, %add3A_491 : i32
          %mul3A_493 = arith.constant 16 : i32
          %mul3A_494 = arith.muli %add3A_492, %mul3A_493 : i32
          %swap3A_495 = arith.index_cast %mul3A_494 : i32 to index
          %swap3A_496 = tpu.vector_load %arg11[%swap3A_495] {strides = array<i32>} : memref<1280xf32, #tpu.memory_space<vmem>>, vector<16xf32>,
          tpu.vector_store %arg11[%swap3A_495], %add3A_488 {strides = array<i32>} : memref<1280xf32, #tpu.memory_space<vmem>>, vector<16xf32>,
          %add3A_497 = arith.addf %add3A_318, %add3A_414 : vector<32xbf16>
          %unpack3A_498 = tpu.unpack_subelements %add3A_497, 0 {pack_format = #tpu.pack_format<interleaved>} : vector<32xbf16> -> vector<16xf32>
          %unpack3A_499 = tpu.unpack_subelements %add3A_497, 1 {pack_format = #tpu.pack_format<interleaved>} : vector<32xbf16> -> vector<16xf32>
          %add3A_500 = arith.addf %unpack3A_498, %unpack3A_499 : vector<16xf32>
          %add3A_501 = arith.constant 0 : i32
          %add3A_502 = arith.addi %mul3A_95, %add3A_501 : i32
          %add3A_503 = arith.constant 3 : i32
          %add3A_504 = arith.addi %add3A_502, %add3A_503 : i32
          %mul3A_505 = arith.constant 16 : i32
          %mul3A_506 = arith.muli %add3A_504, %mul3A_505 : i32
          %swap3A_507 = arith.index_cast %mul3A_506 : i32 to index
          %swap3A_508 = tpu.vector_load %arg11[%swap3A_507] {strides = array<i32>} : memref<1280xf32, #tpu.memory_space<vmem>>, vector<16xf32>,
          tpu.vector_store %arg11[%swap3A_507], %add3A_500 {strides = array<i32>} : memref<1280xf32, #tpu.memory_space<vmem>>, vector<16xf32>,
          %add3A_509 = arith.addf %add3A_330, %add3A_426 : vector<32xbf16>
          %unpack3A_510 = tpu.unpack_subelements %add3A_509, 0 {pack_format = #tpu.pack_format<interleaved>} : vector<32xbf16> -> vector<16xf32>
          %unpack3A_511 = tpu.unpack_subelements %add3A_509, 1 {pack_format = #tpu.pack_format<interleaved>} : vector<32xbf16> -> vector<16xf32>
          %add3A_512 = arith.addf %unpack3A_510, %unpack3A_511 : vector<16xf32>
          %add3A_513 = arith.constant 0 : i32
          %add3A_514 = arith.addi %mul3A_95, %add3A_513 : i32
          %add3A_515 = arith.constant 4 : i32
          %add3A_516 = arith.addi %add3A_514, %add3A_515 : i32
          %mul3A_517 = arith.constant 16 : i32
          %mul3A_518 = arith.muli %add3A_516, %mul3A_517 : i32
          %swap3A_519 = arith.index_cast %mul3A_518 : i32 to index
          %swap3A_520 = tpu.vector_load %arg11[%swap3A_519] {strides = array<i32>} : memref<1280xf32, #tpu.memory_space<vmem>>, vector<16xf32>,
          tpu.vector_store %arg11[%swap3A_519], %add3A_512 {strides = array<i32>} : memref<1280xf32, #tpu.memory_space<vmem>>, vector<16xf32>,
          %add3A_521 = arith.addf %add3A_342, %add3A_438 : vector<32xbf16>
          %unpack3A_522 = tpu.unpack_subelements %add3A_521, 0 {pack_format = #tpu.pack_format<interleaved>} : vector<32xbf16> -> vector<16xf32>
          %unpack3A_523 = tpu.unpack_subelements %add3A_521, 1 {pack_format = #tpu.pack_format<interleaved>} : vector<32xbf16> -> vector<16xf32>
          %add3A_524 = arith.addf %unpack3A_522, %unpack3A_523 : vector<16xf32>
          %add3A_525 = arith.constant 0 : i32
          %add3A_526 = arith.addi %mul3A_95, %add3A_525 : i32
          %add3A_527 = arith.constant 5 : i32
          %add3A_528 = arith.addi %add3A_526, %add3A_527 : i32
          %mul3A_529 = arith.constant 16 : i32
          %mul3A_530 = arith.muli %add3A_528, %mul3A_529 : i32
          %swap3A_531 = arith.index_cast %mul3A_530 : i32 to index
          %swap3A_532 = tpu.vector_load %arg11[%swap3A_531] {strides = array<i32>} : memref<1280xf32, #tpu.memory_space<vmem>>, vector<16xf32>,
          tpu.vector_store %arg11[%swap3A_531], %add3A_524 {strides = array<i32>} : memref<1280xf32, #tpu.memory_space<vmem>>, vector<16xf32>,
          %add3A_533 = arith.addf %add3A_354, %add3A_450 : vector<32xbf16>
          %unpack3A_534 = tpu.unpack_subelements %add3A_533, 0 {pack_format = #tpu.pack_format<interleaved>} : vector<32xbf16> -> vector<16xf32>
          %unpack3A_535 = tpu.unpack_subelements %add3A_533, 1 {pack_format = #tpu.pack_format<interleaved>} : vector<32xbf16> -> vector<16xf32>
          %add3A_536 = arith.addf %unpack3A_534, %unpack3A_535 : vector<16xf32>
          %add3A_537 = arith.constant 0 : i32
          %add3A_538 = arith.addi %mul3A_95, %add3A_537 : i32
          %add3A_539 = arith.constant 6 : i32
          %add3A_540 = arith.addi %add3A_538, %add3A_539 : i32
          %mul3A_541 = arith.constant 16 : i32
          %mul3A_542 = arith.muli %add3A_540, %mul3A_541 : i32
          %swap3A_543 = arith.index_cast %mul3A_542 : i32 to index
          %swap3A_544 = tpu.vector_load %arg11[%swap3A_543] {strides = array<i32>} : memref<1280xf32, #tpu.memory_space<vmem>>, vector<16xf32>,
          tpu.vector_store %arg11[%swap3A_543], %add3A_536 {strides = array<i32>} : memref<1280xf32, #tpu.memory_space<vmem>>, vector<16xf32>,
          %add3A_545 = arith.addf %add3A_366, %add3A_462 : vector<32xbf16>
          %unpack3A_546 = tpu.unpack_subelements %add3A_545, 0 {pack_format = #tpu.pack_format<interleaved>} : vector<32xbf16> -> vector<16xf32>
          %unpack3A_547 = tpu.unpack_subelements %add3A_545, 1 {pack_format = #tpu.pack_format<interleaved>} : vector<32xbf16> -> vector<16xf32>
          %add3A_548 = arith.addf %unpack3A_546, %unpack3A_547 : vector<16xf32>
          %add3A_549 = arith.constant 0 : i32
          %add3A_550 = arith.addi %mul3A_95, %add3A_549 : i32
          %add3A_551 = arith.constant 7 : i32
          %add3A_552 = arith.addi %add3A_550, %add3A_551 : i32
          %mul3A_553 = arith.constant 16 : i32
          %mul3A_554 = arith.muli %add3A_552, %mul3A_553 : i32
          %swap3A_555 = arith.index_cast %mul3A_554 : i32 to index
          %swap3A_556 = tpu.vector_load %arg11[%swap3A_555] {strides = array<i32>} : memref<1280xf32, #tpu.memory_space<vmem>>, vector<16xf32>,
          tpu.vector_store %arg11[%swap3A_555], %add3A_548 {strides = array<i32>} : memref<1280xf32, #tpu.memory_space<vmem>>, vector<16xf32>,
          %add3A_557 = arith.constant 8 : i32
          %add3A_558 = arith.addi %mul3A_95, %add3A_557 : i32
          %add3A_559 = arith.constant 0 : i32
          %add3A_560 = arith.addi %add3A_558, %add3A_559 : i32
          %get3A_561 = arith.index_cast %add3A_560 : i32 to index
          %get3A_562 = arith.constant 0 : index
          %get3A_563 = tpu.vector_load %arg7[%get3A_561, %get3A_562] {strides = array<i32>} : memref<80x128xbf16, #tpu.memory_space<vmem>>, vector<32xbf16>,
          %get3A_564 = arith.index_cast %add3A_560 : i32 to index
          %get3A_565 = arith.constant 0 : index
          %get3A_566 = tpu.vector_load %arg9[%get3A_564, %get3A_565] {strides = array<i32>} : memref<80x128xbf16, #tpu.memory_space<vmem>>, vector<32xbf16>,
          %mul3A_567 = arith.mulf %get3A_563, %get3A_566 : vector<32xbf16>
          %add3A_568 = arith.constant 8 : i32
          %add3A_569 = arith.addi %mul3A_95, %add3A_568 : i32
          %add3A_570 = arith.constant 1 : i32
          %add3A_571 = arith.addi %add3A_569, %add3A_570 : i32
          %get3A_572 = arith.index_cast %add3A_571 : i32 to index
          %get3A_573 = arith.constant 0 : index
          %get3A_574 = tpu.vector_load %arg7[%get3A_572, %get3A_573] {strides = array<i32>} : memref<80x128xbf16, #tpu.memory_space<vmem>>, vector<32xbf16>,
          %get3A_575 = arith.index_cast %add3A_571 : i32 to index
          %get3A_576 = arith.constant 0 : index
          %get3A_577 = tpu.vector_load %arg9[%get3A_575, %get3A_576] {strides = array<i32>} : memref<80x128xbf16, #tpu.memory_space<vmem>>, vector<32xbf16>,
          %mul3A_578 = arith.mulf %get3A_574, %get3A_577 : vector<32xbf16>
          %add3A_579 = arith.constant 8 : i32
          %add3A_580 = arith.addi %mul3A_95, %add3A_579 : i32
          %add3A_581 = arith.constant 2 : i32
          %add3A_582 = arith.addi %add3A_580, %add3A_581 : i32
          %get3A_583 = arith.index_cast %add3A_582 : i32 to index
          %get3A_584 = arith.constant 0 : index
          %get3A_585 = tpu.vector_load %arg7[%get3A_583, %get3A_584] {strides = array<i32>} : memref<80x128xbf16, #tpu.memory_space<vmem>>, vector<32xbf16>,
          %get3A_586 = arith.index_cast %add3A_582 : i32 to index
          %get3A_587 = arith.constant 0 : index
          %get3A_588 = tpu.vector_load %arg9[%get3A_586, %get3A_587] {strides = array<i32>} : memref<80x128xbf16, #tpu.memory_space<vmem>>, vector<32xbf16>,
          %mul3A_589 = arith.mulf %get3A_585, %get3A_588 : vector<32xbf16>
          %add3A_590 = arith.constant 8 : i32
          %add3A_591 = arith.addi %mul3A_95, %add3A_590 : i32
          %add3A_592 = arith.constant 3 : i32
          %add3A_593 = arith.addi %add3A_591, %add3A_592 : i32
          %get3A_594 = arith.index_cast %add3A_593 : i32 to index
          %get3A_595 = arith.constant 0 : index
          %get3A_596 = tpu.vector_load %arg7[%get3A_594, %get3A_595] {strides = array<i32>} : memref<80x128xbf16, #tpu.memory_space<vmem>>, vector<32xbf16>,
          %get3A_597 = arith.index_cast %add3A_593 : i32 to index
          %get3A_598 = arith.constant 0 : index
          %get3A_599 = tpu.vector_load %arg9[%get3A_597, %get3A_598] {strides = array<i32>} : memref<80x128xbf16, #tpu.memory_space<vmem>>, vector<32xbf16>,
          %mul3A_600 = arith.mulf %get3A_596, %get3A_599 : vector<32xbf16>
          %add3A_601 = arith.constant 8 : i32
          %add3A_602 = arith.addi %mul3A_95, %add3A_601 : i32
          %add3A_603 = arith.constant 4 : i32
          %add3A_604 = arith.addi %add3A_602, %add3A_603 : i32
          %get3A_605 = arith.index_cast %add3A_604 : i32 to index
          %get3A_606 = arith.constant 0 : index
          %get3A_607 = tpu.vector_load %arg7[%get3A_605, %get3A_606] {strides = array<i32>} : memref<80x128xbf16, #tpu.memory_space<vmem>>, vector<32xbf16>,
          %get3A_608 = arith.index_cast %add3A_604 : i32 to index
          %get3A_609 = arith.constant 0 : index
          %get3A_610 = tpu.vector_load %arg9[%get3A_608, %get3A_609] {strides = array<i32>} : memref<80x128xbf16, #tpu.memory_space<vmem>>, vector<32xbf16>,
          %mul3A_611 = arith.mulf %get3A_607, %get3A_610 : vector<32xbf16>
          %add3A_612 = arith.constant 8 : i32
          %add3A_613 = arith.addi %mul3A_95, %add3A_612 : i32
          %add3A_614 = arith.constant 5 : i32
          %add3A_615 = arith.addi %add3A_613, %add3A_614 : i32
          %get3A_616 = arith.index_cast %add3A_615 : i32 to index
          %get3A_617 = arith.constant 0 : index
          %get3A_618 = tpu.vector_load %arg7[%get3A_616, %get3A_617] {strides = array<i32>} : memref<80x128xbf16, #tpu.memory_space<vmem>>, vector<32xbf16>,
          %get3A_619 = arith.index_cast %add3A_615 : i32 to index
          %get3A_620 = arith.constant 0 : index
          %get3A_621 = tpu.vector_load %arg9[%get3A_619, %get3A_620] {strides = array<i32>} : memref<80x128xbf16, #tpu.memory_space<vmem>>, vector<32xbf16>,
          %mul3A_622 = arith.mulf %get3A_618, %get3A_621 : vector<32xbf16>
          %add3A_623 = arith.constant 8 : i32
          %add3A_624 = arith.addi %mul3A_95, %add3A_623 : i32
          %add3A_625 = arith.constant 6 : i32
          %add3A_626 = arith.addi %add3A_624, %add3A_625 : i32
          %get3A_627 = arith.index_cast %add3A_626 : i32 to index
          %get3A_628 = arith.constant 0 : index
          %get3A_629 = tpu.vector_load %arg7[%get3A_627, %get3A_628] {strides = array<i32>} : memref<80x128xbf16, #tpu.memory_space<vmem>>, vector<32xbf16>,
          %get3A_630 = arith.index_cast %add3A_626 : i32 to index
          %get3A_631 = arith.constant 0 : index
          %get3A_632 = tpu.vector_load %arg9[%get3A_630, %get3A_631] {strides = array<i32>} : memref<80x128xbf16, #tpu.memory_space<vmem>>, vector<32xbf16>,
          %mul3A_633 = arith.mulf %get3A_629, %get3A_632 : vector<32xbf16>
          %add3A_634 = arith.constant 8 : i32
          %add3A_635 = arith.addi %mul3A_95, %add3A_634 : i32
          %add3A_636 = arith.constant 7 : i32
          %add3A_637 = arith.addi %add3A_635, %add3A_636 : i32
          %get3A_638 = arith.index_cast %add3A_637 : i32 to index
          %get3A_639 = arith.constant 0 : index
          %get3A_640 = tpu.vector_load %arg7[%get3A_638, %get3A_639] {strides = array<i32>} : memref<80x128xbf16, #tpu.memory_space<vmem>>, vector<32xbf16>,
          %get3A_641 = arith.index_cast %add3A_637 : i32 to index
          %get3A_642 = arith.constant 0 : index
          %get3A_643 = tpu.vector_load %arg9[%get3A_641, %get3A_642] {strides = array<i32>} : memref<80x128xbf16, #tpu.memory_space<vmem>>, vector<32xbf16>,
          %mul3A_644 = arith.mulf %get3A_640, %get3A_643 : vector<32xbf16>
          %add3A_645 = arith.constant 8 : i32
          %add3A_646 = arith.addi %mul3A_95, %add3A_645 : i32
          %add3A_647 = arith.constant 0 : i32
          %add3A_648 = arith.addi %add3A_646, %add3A_647 : i32
          %get3A_649 = arith.index_cast %add3A_648 : i32 to index
          %get3A_650 = arith.constant 32 : index
          %get3A_651 = tpu.vector_load %arg7[%get3A_649, %get3A_650] {strides = array<i32>} : memref<80x128xbf16, #tpu.memory_space<vmem>>, vector<32xbf16>,
          %get3A_652 = arith.index_cast %add3A_648 : i32 to index
          %get3A_653 = arith.constant 32 : index
          %get3A_654 = tpu.vector_load %arg9[%get3A_652, %get3A_653] {strides = array<i32>} : memref<80x128xbf16, #tpu.memory_space<vmem>>, vector<32xbf16>,
          %mul3A_655 = arith.mulf %get3A_651, %get3A_654 : vector<32xbf16>
          %add3A_656 = arith.constant 8 : i32
          %add3A_657 = arith.addi %mul3A_95, %add3A_656 : i32
          %add3A_658 = arith.constant 1 : i32
          %add3A_659 = arith.addi %add3A_657, %add3A_658 : i32
          %get3A_660 = arith.index_cast %add3A_659 : i32 to index
          %get3A_661 = arith.constant 32 : index
          %get3A_662 = tpu.vector_load %arg7[%get3A_660, %get3A_661] {strides = array<i32>} : memref<80x128xbf16, #tpu.memory_space<vmem>>, vector<32xbf16>,
          %get3A_663 = arith.index_cast %add3A_659 : i32 to index
          %get3A_664 = arith.constant 32 : index
          %get3A_665 = tpu.vector_load %arg9[%get3A_663, %get3A_664] {strides = array<i32>} : memref<80x128xbf16, #tpu.memory_space<vmem>>, vector<32xbf16>,
          %mul3A_666 = arith.mulf %get3A_662, %get3A_665 : vector<32xbf16>
          %add3A_667 = arith.constant 8 : i32
          %add3A_668 = arith.addi %mul3A_95, %add3A_667 : i32
          %add3A_669 = arith.constant 2 : i32
          %add3A_670 = arith.addi %add3A_668, %add3A_669 : i32
          %get3A_671 = arith.index_cast %add3A_670 : i32 to index
          %get3A_672 = arith.constant 32 : index
          %get3A_673 = tpu.vector_load %arg7[%get3A_671, %get3A_672] {strides = array<i32>} : memref<80x128xbf16, #tpu.memory_space<vmem>>, vector<32xbf16>,
          %get3A_674 = arith.index_cast %add3A_670 : i32 to index
          %get3A_675 = arith.constant 32 : index
          %get3A_676 = tpu.vector_load %arg9[%get3A_674, %get3A_675] {strides = array<i32>} : memref<80x128xbf16, #tpu.memory_space<vmem>>, vector<32xbf16>,
          %mul3A_677 = arith.mulf %get3A_673, %get3A_676 : vector<32xbf16>
          %add3A_678 = arith.constant 8 : i32
          %add3A_679 = arith.addi %mul3A_95, %add3A_678 : i32
          %add3A_680 = arith.constant 3 : i32
          %add3A_681 = arith.addi %add3A_679, %add3A_680 : i32
          %get3A_682 = arith.index_cast %add3A_681 : i32 to index
          %get3A_683 = arith.constant 32 : index
          %get3A_684 = tpu.vector_load %arg7[%get3A_682, %get3A_683] {strides = array<i32>} : memref<80x128xbf16, #tpu.memory_space<vmem>>, vector<32xbf16>,
          %get3A_685 = arith.index_cast %add3A_681 : i32 to index
          %get3A_686 = arith.constant 32 : index
          %get3A_687 = tpu.vector_load %arg9[%get3A_685, %get3A_686] {strides = array<i32>} : memref<80x128xbf16, #tpu.memory_space<vmem>>, vector<32xbf16>,
          %mul3A_688 = arith.mulf %get3A_684, %get3A_687 : vector<32xbf16>
          %add3A_689 = arith.constant 8 : i32
          %add3A_690 = arith.addi %mul3A_95, %add3A_689 : i32
          %add3A_691 = arith.constant 4 : i32
          %add3A_692 = arith.addi %add3A_690, %add3A_691 : i32
          %get3A_693 = arith.index_cast %add3A_692 : i32 to index
          %get3A_694 = arith.constant 32 : index
          %get3A_695 = tpu.vector_load %arg7[%get3A_693, %get3A_694] {strides = array<i32>} : memref<80x128xbf16, #tpu.memory_space<vmem>>, vector<32xbf16>,
          %get3A_696 = arith.index_cast %add3A_692 : i32 to index
          %get3A_697 = arith.constant 32 : index
          %get3A_698 = tpu.vector_load %arg9[%get3A_696, %get3A_697] {strides = array<i32>} : memref<80x128xbf16, #tpu.memory_space<vmem>>, vector<32xbf16>,
          %mul3A_699 = arith.mulf %get3A_695, %get3A_698 : vector<32xbf16>
          %add3A_700 = arith.constant 8 : i32
          %add3A_701 = arith.addi %mul3A_95, %add3A_700 : i32
          %add3A_702 = arith.constant 5 : i32
          %add3A_703 = arith.addi %add3A_701, %add3A_702 : i32
          %get3A_704 = arith.index_cast %add3A_703 : i32 to index
          %get3A_705 = arith.constant 32 : index
          %get3A_706 = tpu.vector_load %arg7[%get3A_704, %get3A_705] {strides = array<i32>} : memref<80x128xbf16, #tpu.memory_space<vmem>>, vector<32xbf16>,
          %get3A_707 = arith.index_cast %add3A_703 : i32 to index
          %get3A_708 = arith.constant 32 : index
          %get3A_709 = tpu.vector_load %arg9[%get3A_707, %get3A_708] {strides = array<i32>} : memref<80x128xbf16, #tpu.memory_space<vmem>>, vector<32xbf16>,
          %mul3A_710 = arith.mulf %get3A_706, %get3A_709 : vector<32xbf16>
          %add3A_711 = arith.constant 8 : i32
          %add3A_712 = arith.addi %mul3A_95, %add3A_711 : i32
          %add3A_713 = arith.constant 6 : i32
          %add3A_714 = arith.addi %add3A_712, %add3A_713 : i32
          %get3A_715 = arith.index_cast %add3A_714 : i32 to index
          %get3A_716 = arith.constant 32 : index
          %get3A_717 = tpu.vector_load %arg7[%get3A_715, %get3A_716] {strides = array<i32>} : memref<80x128xbf16, #tpu.memory_space<vmem>>, vector<32xbf16>,
          %get3A_718 = arith.index_cast %add3A_714 : i32 to index
          %get3A_719 = arith.constant 32 : index
          %get3A_720 = tpu.vector_load %arg9[%get3A_718, %get3A_719] {strides = array<i32>} : memref<80x128xbf16, #tpu.memory_space<vmem>>, vector<32xbf16>,
          %mul3A_721 = arith.mulf %get3A_717, %get3A_720 : vector<32xbf16>
          %add3A_722 = arith.constant 8 : i32
          %add3A_723 = arith.addi %mul3A_95, %add3A_722 : i32
          %add3A_724 = arith.constant 7 : i32
          %add3A_725 = arith.addi %add3A_723, %add3A_724 : i32
          %get3A_726 = arith.index_cast %add3A_725 : i32 to index
          %get3A_727 = arith.constant 32 : index
          %get3A_728 = tpu.vector_load %arg7[%get3A_726, %get3A_727] {strides = array<i32>} : memref<80x128xbf16, #tpu.memory_space<vmem>>, vector<32xbf16>,
          %get3A_729 = arith.index_cast %add3A_725 : i32 to index
          %get3A_730 = arith.constant 32 : index
          %get3A_731 = tpu.vector_load %arg9[%get3A_729, %get3A_730] {strides = array<i32>} : memref<80x128xbf16, #tpu.memory_space<vmem>>, vector<32xbf16>,
          %mul3A_732 = arith.mulf %get3A_728, %get3A_731 : vector<32xbf16>
          %add3A_733 = arith.constant 8 : i32
          %add3A_734 = arith.addi %mul3A_95, %add3A_733 : i32
          %add3A_735 = arith.constant 0 : i32
          %add3A_736 = arith.addi %add3A_734, %add3A_735 : i32
          %get3A_737 = arith.index_cast %add3A_736 : i32 to index
          %get3A_738 = arith.constant 64 : index
          %get3A_739 = tpu.vector_load %arg7[%get3A_737, %get3A_738] {strides = array<i32>} : memref<80x128xbf16, #tpu.memory_space<vmem>>, vector<32xbf16>,
          %get3A_740 = arith.index_cast %add3A_736 : i32 to index
          %get3A_741 = arith.constant 64 : index
          %get3A_742 = tpu.vector_load %arg9[%get3A_740, %get3A_741] {strides = array<i32>} : memref<80x128xbf16, #tpu.memory_space<vmem>>, vector<32xbf16>,
          %mul3A_743 = arith.mulf %get3A_739, %get3A_742 : vector<32xbf16>
          %add3A_744 = arith.addf %mul3A_567, %mul3A_743 : vector<32xbf16>
          %add3A_745 = arith.constant 8 : i32
          %add3A_746 = arith.addi %mul3A_95, %add3A_745 : i32
          %add3A_747 = arith.constant 1 : i32
          %add3A_748 = arith.addi %add3A_746, %add3A_747 : i32
          %get3A_749 = arith.index_cast %add3A_748 : i32 to index
          %get3A_750 = arith.constant 64 : index
          %get3A_751 = tpu.vector_load %arg7[%get3A_749, %get3A_750] {strides = array<i32>} : memref<80x128xbf16, #tpu.memory_space<vmem>>, vector<32xbf16>,
          %get3A_752 = arith.index_cast %add3A_748 : i32 to index
          %get3A_753 = arith.constant 64 : index
          %get3A_754 = tpu.vector_load %arg9[%get3A_752, %get3A_753] {strides = array<i32>} : memref<80x128xbf16, #tpu.memory_space<vmem>>, vector<32xbf16>,
          %mul3A_755 = arith.mulf %get3A_751, %get3A_754 : vector<32xbf16>
          %add3A_756 = arith.addf %mul3A_578, %mul3A_755 : vector<32xbf16>
          %add3A_757 = arith.constant 8 : i32
          %add3A_758 = arith.addi %mul3A_95, %add3A_757 : i32
          %add3A_759 = arith.constant 2 : i32
          %add3A_760 = arith.addi %add3A_758, %add3A_759 : i32
          %get3A_761 = arith.index_cast %add3A_760 : i32 to index
          %get3A_762 = arith.constant 64 : index
          %get3A_763 = tpu.vector_load %arg7[%get3A_761, %get3A_762] {strides = array<i32>} : memref<80x128xbf16, #tpu.memory_space<vmem>>, vector<32xbf16>,
          %get3A_764 = arith.index_cast %add3A_760 : i32 to index
          %get3A_765 = arith.constant 64 : index
          %get3A_766 = tpu.vector_load %arg9[%get3A_764, %get3A_765] {strides = array<i32>} : memref<80x128xbf16, #tpu.memory_space<vmem>>, vector<32xbf16>,
          %mul3A_767 = arith.mulf %get3A_763, %get3A_766 : vector<32xbf16>
          %add3A_768 = arith.addf %mul3A_589, %mul3A_767 : vector<32xbf16>
          %add3A_769 = arith.constant 8 : i32
          %add3A_770 = arith.addi %mul3A_95, %add3A_769 : i32
          %add3A_771 = arith.constant 3 : i32
          %add3A_772 = arith.addi %add3A_770, %add3A_771 : i32
          %get3A_773 = arith.index_cast %add3A_772 : i32 to index
          %get3A_774 = arith.constant 64 : index
          %get3A_775 = tpu.vector_load %arg7[%get3A_773, %get3A_774] {strides = array<i32>} : memref<80x128xbf16, #tpu.memory_space<vmem>>, vector<32xbf16>,
          %get3A_776 = arith.index_cast %add3A_772 : i32 to index
          %get3A_777 = arith.constant 64 : index
          %get3A_778 = tpu.vector_load %arg9[%get3A_776, %get3A_777] {strides = array<i32>} : memref<80x128xbf16, #tpu.memory_space<vmem>>, vector<32xbf16>,
          %mul3A_779 = arith.mulf %get3A_775, %get3A_778 : vector<32xbf16>
          %add3A_780 = arith.addf %mul3A_600, %mul3A_779 : vector<32xbf16>
          %add3A_781 = arith.constant 8 : i32
          %add3A_782 = arith.addi %mul3A_95, %add3A_781 : i32
          %add3A_783 = arith.constant 4 : i32
          %add3A_784 = arith.addi %add3A_782, %add3A_783 : i32
          %get3A_785 = arith.index_cast %add3A_784 : i32 to index
          %get3A_786 = arith.constant 64 : index
          %get3A_787 = tpu.vector_load %arg7[%get3A_785, %get3A_786] {strides = array<i32>} : memref<80x128xbf16, #tpu.memory_space<vmem>>, vector<32xbf16>,
          %get3A_788 = arith.index_cast %add3A_784 : i32 to index
          %get3A_789 = arith.constant 64 : index
          %get3A_790 = tpu.vector_load %arg9[%get3A_788, %get3A_789] {strides = array<i32>} : memref<80x128xbf16, #tpu.memory_space<vmem>>, vector<32xbf16>,
          %mul3A_791 = arith.mulf %get3A_787, %get3A_790 : vector<32xbf16>
          %add3A_792 = arith.addf %mul3A_611, %mul3A_791 : vector<32xbf16>
          %add3A_793 = arith.constant 8 : i32
          %add3A_794 = arith.addi %mul3A_95, %add3A_793 : i32
          %add3A_795 = arith.constant 5 : i32
          %add3A_796 = arith.addi %add3A_794, %add3A_795 : i32
          %get3A_797 = arith.index_cast %add3A_796 : i32 to index
          %get3A_798 = arith.constant 64 : index
          %get3A_799 = tpu.vector_load %arg7[%get3A_797, %get3A_798] {strides = array<i32>} : memref<80x128xbf16, #tpu.memory_space<vmem>>, vector<32xbf16>,
          %get3A_800 = arith.index_cast %add3A_796 : i32 to index
          %get3A_801 = arith.constant 64 : index
          %get3A_802 = tpu.vector_load %arg9[%get3A_800, %get3A_801] {strides = array<i32>} : memref<80x128xbf16, #tpu.memory_space<vmem>>, vector<32xbf16>,
          %mul3A_803 = arith.mulf %get3A_799, %get3A_802 : vector<32xbf16>
          %add3A_804 = arith.addf %mul3A_622, %mul3A_803 : vector<32xbf16>
          %add3A_805 = arith.constant 8 : i32
          %add3A_806 = arith.addi %mul3A_95, %add3A_805 : i32
          %add3A_807 = arith.constant 6 : i32
          %add3A_808 = arith.addi %add3A_806, %add3A_807 : i32
          %get3A_809 = arith.index_cast %add3A_808 : i32 to index
          %get3A_810 = arith.constant 64 : index
          %get3A_811 = tpu.vector_load %arg7[%get3A_809, %get3A_810] {strides = array<i32>} : memref<80x128xbf16, #tpu.memory_space<vmem>>, vector<32xbf16>,
          %get3A_812 = arith.index_cast %add3A_808 : i32 to index
          %get3A_813 = arith.constant 64 : index
          %get3A_814 = tpu.vector_load %arg9[%get3A_812, %get3A_813] {strides = array<i32>} : memref<80x128xbf16, #tpu.memory_space<vmem>>, vector<32xbf16>,
          %mul3A_815 = arith.mulf %get3A_811, %get3A_814 : vector<32xbf16>
          %add3A_816 = arith.addf %mul3A_633, %mul3A_815 : vector<32xbf16>
          %add3A_817 = arith.constant 8 : i32
          %add3A_818 = arith.addi %mul3A_95, %add3A_817 : i32
          %add3A_819 = arith.constant 7 : i32
          %add3A_820 = arith.addi %add3A_818, %add3A_819 : i32
          %get3A_821 = arith.index_cast %add3A_820 : i32 to index
          %get3A_822 = arith.constant 64 : index
          %get3A_823 = tpu.vector_load %arg7[%get3A_821, %get3A_822] {strides = array<i32>} : memref<80x128xbf16, #tpu.memory_space<vmem>>, vector<32xbf16>,
          %get3A_824 = arith.index_cast %add3A_820 : i32 to index
          %get3A_825 = arith.constant 64 : index
          %get3A_826 = tpu.vector_load %arg9[%get3A_824, %get3A_825] {strides = array<i32>} : memref<80x128xbf16, #tpu.memory_space<vmem>>, vector<32xbf16>,
          %mul3A_827 = arith.mulf %get3A_823, %get3A_826 : vector<32xbf16>
          %add3A_828 = arith.addf %mul3A_644, %mul3A_827 : vector<32xbf16>
          %add3A_829 = arith.constant 8 : i32
          %add3A_830 = arith.addi %mul3A_95, %add3A_829 : i32
          %add3A_831 = arith.constant 0 : i32
          %add3A_832 = arith.addi %add3A_830, %add3A_831 : i32
          %get3A_833 = arith.index_cast %add3A_832 : i32 to index
          %get3A_834 = arith.constant 96 : index
          %get3A_835 = tpu.vector_load %arg7[%get3A_833, %get3A_834] {strides = array<i32>} : memref<80x128xbf16, #tpu.memory_space<vmem>>, vector<32xbf16>,
          %get3A_836 = arith.index_cast %add3A_832 : i32 to index
          %get3A_837 = arith.constant 96 : index
          %get3A_838 = tpu.vector_load %arg9[%get3A_836, %get3A_837] {strides = array<i32>} : memref<80x128xbf16, #tpu.memory_space<vmem>>, vector<32xbf16>,
          %mul3A_839 = arith.mulf %get3A_835, %get3A_838 : vector<32xbf16>
          %add3A_840 = arith.addf %mul3A_655, %mul3A_839 : vector<32xbf16>
          %add3A_841 = arith.constant 8 : i32
          %add3A_842 = arith.addi %mul3A_95, %add3A_841 : i32
          %add3A_843 = arith.constant 1 : i32
          %add3A_844 = arith.addi %add3A_842, %add3A_843 : i32
          %get3A_845 = arith.index_cast %add3A_844 : i32 to index
          %get3A_846 = arith.constant 96 : index
          %get3A_847 = tpu.vector_load %arg7[%get3A_845, %get3A_846] {strides = array<i32>} : memref<80x128xbf16, #tpu.memory_space<vmem>>, vector<32xbf16>,
          %get3A_848 = arith.index_cast %add3A_844 : i32 to index
          %get3A_849 = arith.constant 96 : index
          %get3A_850 = tpu.vector_load %arg9[%get3A_848, %get3A_849] {strides = array<i32>} : memref<80x128xbf16, #tpu.memory_space<vmem>>, vector<32xbf16>,
          %mul3A_851 = arith.mulf %get3A_847, %get3A_850 : vector<32xbf16>
          %add3A_852 = arith.addf %mul3A_666, %mul3A_851 : vector<32xbf16>
          %add3A_853 = arith.constant 8 : i32
          %add3A_854 = arith.addi %mul3A_95, %add3A_853 : i32
          %add3A_855 = arith.constant 2 : i32
          %add3A_856 = arith.addi %add3A_854, %add3A_855 : i32
          %get3A_857 = arith.index_cast %add3A_856 : i32 to index
          %get3A_858 = arith.constant 96 : index
          %get3A_859 = tpu.vector_load %arg7[%get3A_857, %get3A_858] {strides = array<i32>} : memref<80x128xbf16, #tpu.memory_space<vmem>>, vector<32xbf16>,
          %get3A_860 = arith.index_cast %add3A_856 : i32 to index
          %get3A_861 = arith.constant 96 : index
          %get3A_862 = tpu.vector_load %arg9[%get3A_860, %get3A_861] {strides = array<i32>} : memref<80x128xbf16, #tpu.memory_space<vmem>>, vector<32xbf16>,
          %mul3A_863 = arith.mulf %get3A_859, %get3A_862 : vector<32xbf16>
          %add3A_864 = arith.addf %mul3A_677, %mul3A_863 : vector<32xbf16>
          %add3A_865 = arith.constant 8 : i32
          %add3A_866 = arith.addi %mul3A_95, %add3A_865 : i32
          %add3A_867 = arith.constant 3 : i32
          %add3A_868 = arith.addi %add3A_866, %add3A_867 : i32
          %get3A_869 = arith.index_cast %add3A_868 : i32 to index
          %get3A_870 = arith.constant 96 : index
          %get3A_871 = tpu.vector_load %arg7[%get3A_869, %get3A_870] {strides = array<i32>} : memref<80x128xbf16, #tpu.memory_space<vmem>>, vector<32xbf16>,
          %get3A_872 = arith.index_cast %add3A_868 : i32 to index
          %get3A_873 = arith.constant 96 : index
          %get3A_874 = tpu.vector_load %arg9[%get3A_872, %get3A_873] {strides = array<i32>} : memref<80x128xbf16, #tpu.memory_space<vmem>>, vector<32xbf16>,
          %mul3A_875 = arith.mulf %get3A_871, %get3A_874 : vector<32xbf16>
          %add3A_876 = arith.addf %mul3A_688, %mul3A_875 : vector<32xbf16>
          %add3A_877 = arith.constant 8 : i32
          %add3A_878 = arith.addi %mul3A_95, %add3A_877 : i32
          %add3A_879 = arith.constant 4 : i32
          %add3A_880 = arith.addi %add3A_878, %add3A_879 : i32
          %get3A_881 = arith.index_cast %add3A_880 : i32 to index
          %get3A_882 = arith.constant 96 : index
          %get3A_883 = tpu.vector_load %arg7[%get3A_881, %get3A_882] {strides = array<i32>} : memref<80x128xbf16, #tpu.memory_space<vmem>>, vector<32xbf16>,
          %get3A_884 = arith.index_cast %add3A_880 : i32 to index
          %get3A_885 = arith.constant 96 : index
          %get3A_886 = tpu.vector_load %arg9[%get3A_884, %get3A_885] {strides = array<i32>} : memref<80x128xbf16, #tpu.memory_space<vmem>>, vector<32xbf16>,
          %mul3A_887 = arith.mulf %get3A_883, %get3A_886 : vector<32xbf16>
          %add3A_888 = arith.addf %mul3A_699, %mul3A_887 : vector<32xbf16>
          %add3A_889 = arith.constant 8 : i32
          %add3A_890 = arith.addi %mul3A_95, %add3A_889 : i32
          %add3A_891 = arith.constant 5 : i32
          %add3A_892 = arith.addi %add3A_890, %add3A_891 : i32
          %get3A_893 = arith.index_cast %add3A_892 : i32 to index
          %get3A_894 = arith.constant 96 : index
          %get3A_895 = tpu.vector_load %arg7[%get3A_893, %get3A_894] {strides = array<i32>} : memref<80x128xbf16, #tpu.memory_space<vmem>>, vector<32xbf16>,
          %get3A_896 = arith.index_cast %add3A_892 : i32 to index
          %get3A_897 = arith.constant 96 : index
          %get3A_898 = tpu.vector_load %arg9[%get3A_896, %get3A_897] {strides = array<i32>} : memref<80x128xbf16, #tpu.memory_space<vmem>>, vector<32xbf16>,
          %mul3A_899 = arith.mulf %get3A_895, %get3A_898 : vector<32xbf16>
          %add3A_900 = arith.addf %mul3A_710, %mul3A_899 : vector<32xbf16>
          %add3A_901 = arith.constant 8 : i32
          %add3A_902 = arith.addi %mul3A_95, %add3A_901 : i32
          %add3A_903 = arith.constant 6 : i32
          %add3A_904 = arith.addi %add3A_902, %add3A_903 : i32
          %get3A_905 = arith.index_cast %add3A_904 : i32 to index
          %get3A_906 = arith.constant 96 : index
          %get3A_907 = tpu.vector_load %arg7[%get3A_905, %get3A_906] {strides = array<i32>} : memref<80x128xbf16, #tpu.memory_space<vmem>>, vector<32xbf16>,
          %get3A_908 = arith.index_cast %add3A_904 : i32 to index
          %get3A_909 = arith.constant 96 : index
          %get3A_910 = tpu.vector_load %arg9[%get3A_908, %get3A_909] {strides = array<i32>} : memref<80x128xbf16, #tpu.memory_space<vmem>>, vector<32xbf16>,
          %mul3A_911 = arith.mulf %get3A_907, %get3A_910 : vector<32xbf16>
          %add3A_912 = arith.addf %mul3A_721, %mul3A_911 : vector<32xbf16>
          %add3A_913 = arith.constant 8 : i32
          %add3A_914 = arith.addi %mul3A_95, %add3A_913 : i32
          %add3A_915 = arith.constant 7 : i32
          %add3A_916 = arith.addi %add3A_914, %add3A_915 : i32
          %get3A_917 = arith.index_cast %add3A_916 : i32 to index
          %get3A_918 = arith.constant 96 : index
          %get3A_919 = tpu.vector_load %arg7[%get3A_917, %get3A_918] {strides = array<i32>} : memref<80x128xbf16, #tpu.memory_space<vmem>>, vector<32xbf16>,
          %get3A_920 = arith.index_cast %add3A_916 : i32 to index
          %get3A_921 = arith.constant 96 : index
          %get3A_922 = tpu.vector_load %arg9[%get3A_920, %get3A_921] {strides = array<i32>} : memref<80x128xbf16, #tpu.memory_space<vmem>>, vector<32xbf16>,
          %mul3A_923 = arith.mulf %get3A_919, %get3A_922 : vector<32xbf16>
          %add3A_924 = arith.addf %mul3A_732, %mul3A_923 : vector<32xbf16>
          %add3A_925 = arith.addf %add3A_744, %add3A_840 : vector<32xbf16>
          %unpack3A_926 = tpu.unpack_subelements %add3A_925, 0 {pack_format = #tpu.pack_format<interleaved>} : vector<32xbf16> -> vector<16xf32>
          %unpack3A_927 = tpu.unpack_subelements %add3A_925, 1 {pack_format = #tpu.pack_format<interleaved>} : vector<32xbf16> -> vector<16xf32>
          %add3A_928 = arith.addf %unpack3A_926, %unpack3A_927 : vector<16xf32>
          %add3A_929 = arith.constant 8 : i32
          %add3A_930 = arith.addi %mul3A_95, %add3A_929 : i32
          %add3A_931 = arith.constant 0 : i32
          %add3A_932 = arith.addi %add3A_930, %add3A_931 : i32
          %mul3A_933 = arith.constant 16 : i32
          %mul3A_934 = arith.muli %add3A_932, %mul3A_933 : i32
          %swap3A_935 = arith.index_cast %mul3A_934 : i32 to index
          %swap3A_936 = tpu.vector_load %arg11[%swap3A_935] {strides = array<i32>} : memref<1280xf32, #tpu.memory_space<vmem>>, vector<16xf32>,
          tpu.vector_store %arg11[%swap3A_935], %add3A_928 {strides = array<i32>} : memref<1280xf32, #tpu.memory_space<vmem>>, vector<16xf32>,
          %add3A_937 = arith.addf %add3A_756, %add3A_852 : vector<32xbf16>
          %unpack3A_938 = tpu.unpack_subelements %add3A_937, 0 {pack_format = #tpu.pack_format<interleaved>} : vector<32xbf16> -> vector<16xf32>
          %unpack3A_939 = tpu.unpack_subelements %add3A_937, 1 {pack_format = #tpu.pack_format<interleaved>} : vector<32xbf16> -> vector<16xf32>
          %add3A_940 = arith.addf %unpack3A_938, %unpack3A_939 : vector<16xf32>
          %add3A_941 = arith.constant 8 : i32
          %add3A_942 = arith.addi %mul3A_95, %add3A_941 : i32
          %add3A_943 = arith.constant 1 : i32
          %add3A_944 = arith.addi %add3A_942, %add3A_943 : i32
          %mul3A_945 = arith.constant 16 : i32
          %mul3A_946 = arith.muli %add3A_944, %mul3A_945 : i32
          %swap3A_947 = arith.index_cast %mul3A_946 : i32 to index
          %swap3A_948 = tpu.vector_load %arg11[%swap3A_947] {strides = array<i32>} : memref<1280xf32, #tpu.memory_space<vmem>>, vector<16xf32>,
          tpu.vector_store %arg11[%swap3A_947], %add3A_940 {strides = array<i32>} : memref<1280xf32, #tpu.memory_space<vmem>>, vector<16xf32>,
          %add3A_949 = arith.addf %add3A_768, %add3A_864 : vector<32xbf16>
          %unpack3A_950 = tpu.unpack_subelements %add3A_949, 0 {pack_format = #tpu.pack_format<interleaved>} : vector<32xbf16> -> vector<16xf32>
          %unpack3A_951 = tpu.unpack_subelements %add3A_949, 1 {pack_format = #tpu.pack_format<interleaved>} : vector<32xbf16> -> vector<16xf32>
          %add3A_952 = arith.addf %unpack3A_950, %unpack3A_951 : vector<16xf32>
          %add3A_953 = arith.constant 8 : i32
          %add3A_954 = arith.addi %mul3A_95, %add3A_953 : i32
          %add3A_955 = arith.constant 2 : i32
          %add3A_956 = arith.addi %add3A_954, %add3A_955 : i32
          %mul3A_957 = arith.constant 16 : i32
          %mul3A_958 = arith.muli %add3A_956, %mul3A_957 : i32
          %swap3A_959 = arith.index_cast %mul3A_958 : i32 to index
          %swap3A_960 = tpu.vector_load %arg11[%swap3A_959] {strides = array<i32>} : memref<1280xf32, #tpu.memory_space<vmem>>, vector<16xf32>,
          tpu.vector_store %arg11[%swap3A_959], %add3A_952 {strides = array<i32>} : memref<1280xf32, #tpu.memory_space<vmem>>, vector<16xf32>,
          %add3A_961 = arith.addf %add3A_780, %add3A_876 : vector<32xbf16>
          %unpack3A_962 = tpu.unpack_subelements %add3A_961, 0 {pack_format = #tpu.pack_format<interleaved>} : vector<32xbf16> -> vector<16xf32>
          %unpack3A_963 = tpu.unpack_subelements %add3A_961, 1 {pack_format = #tpu.pack_format<interleaved>} : vector<32xbf16> -> vector<16xf32>
          %add3A_964 = arith.addf %unpack3A_962, %unpack3A_963 : vector<16xf32>
          %add3A_965 = arith.constant 8 : i32
          %add3A_966 = arith.addi %mul3A_95, %add3A_965 : i32
          %add3A_967 = arith.constant 3 : i32
          %add3A_968 = arith.addi %add3A_966, %add3A_967 : i32
          %mul3A_969 = arith.constant 16 : i32
          %mul3A_970 = arith.muli %add3A_968, %mul3A_969 : i32
          %swap3A_971 = arith.index_cast %mul3A_970 : i32 to index
          %swap3A_972 = tpu.vector_load %arg11[%swap3A_971] {strides = array<i32>} : memref<1280xf32, #tpu.memory_space<vmem>>, vector<16xf32>,
          tpu.vector_store %arg11[%swap3A_971], %add3A_964 {strides = array<i32>} : memref<1280xf32, #tpu.memory_space<vmem>>, vector<16xf32>,
          %add3A_973 = arith.addf %add3A_792, %add3A_888 : vector<32xbf16>
          %unpack3A_974 = tpu.unpack_subelements %add3A_973, 0 {pack_format = #tpu.pack_format<interleaved>} : vector<32xbf16> -> vector<16xf32>
          %unpack3A_975 = tpu.unpack_subelements %add3A_973, 1 {pack_format = #tpu.pack_format<interleaved>} : vector<32xbf16> -> vector<16xf32>
          %add3A_976 = arith.addf %unpack3A_974, %unpack3A_975 : vector<16xf32>
          %add3A_977 = arith.constant 8 : i32
          %add3A_978 = arith.addi %mul3A_95, %add3A_977 : i32
          %add3A_979 = arith.constant 4 : i32
          %add3A_980 = arith.addi %add3A_978, %add3A_979 : i32
          %mul3A_981 = arith.constant 16 : i32
          %mul3A_982 = arith.muli %add3A_980, %mul3A_981 : i32
          %swap3A_983 = arith.index_cast %mul3A_982 : i32 to index
          %swap3A_984 = tpu.vector_load %arg11[%swap3A_983] {strides = array<i32>} : memref<1280xf32, #tpu.memory_space<vmem>>, vector<16xf32>,
          tpu.vector_store %arg11[%swap3A_983], %add3A_976 {strides = array<i32>} : memref<1280xf32, #tpu.memory_space<vmem>>, vector<16xf32>,
          %add3A_985 = arith.addf %add3A_804, %add3A_900 : vector<32xbf16>
          %unpack3A_986 = tpu.unpack_subelements %add3A_985, 0 {pack_format = #tpu.pack_format<interleaved>} : vector<32xbf16> -> vector<16xf32>
          %unpack3A_987 = tpu.unpack_subelements %add3A_985, 1 {pack_format = #tpu.pack_format<interleaved>} : vector<32xbf16> -> vector<16xf32>
          %add3A_988 = arith.addf %unpack3A_986, %unpack3A_987 : vector<16xf32>
          %add3A_989 = arith.constant 8 : i32
          %add3A_990 = arith.addi %mul3A_95, %add3A_989 : i32
          %add3A_991 = arith.constant 5 : i32
          %add3A_992 = arith.addi %add3A_990, %add3A_991 : i32
          %mul3A_993 = arith.constant 16 : i32
          %mul3A_994 = arith.muli %add3A_992, %mul3A_993 : i32
          %swap3A_995 = arith.index_cast %mul3A_994 : i32 to index
          %swap3A_996 = tpu.vector_load %arg11[%swap3A_995] {strides = array<i32>} : memref<1280xf32, #tpu.memory_space<vmem>>, vector<16xf32>,
          tpu.vector_store %arg11[%swap3A_995], %add3A_988 {strides = array<i32>} : memref<1280xf32, #tpu.memory_space<vmem>>, vector<16xf32>,
          %add3A_997 = arith.addf %add3A_816, %add3A_912 : vector<32xbf16>
          %unpack3A_998 = tpu.unpack_subelements %add3A_997, 0 {pack_format = #tpu.pack_format<interleaved>} : vector<32xbf16> -> vector<16xf32>
          %unpack3A_999 = tpu.unpack_subelements %add3A_997, 1 {pack_format = #tpu.pack_format<interleaved>} : vector<32xbf16> -> vector<16xf32>
          %add3A_1000 = arith.addf %unpack3A_998, %unpack3A_999 : vector<16xf32>
          %add3A_1001 = arith.constant 8 : i32
          %add3A_1002 = arith.addi %mul3A_95, %add3A_1001 : i32
          %add3A_1003 = arith.constant 6 : i32
          %add3A_1004 = arith.addi %add3A_1002, %add3A_1003 : i32
          %mul3A_1005 = arith.constant 16 : i32
          %mul3A_1006 = arith.muli %add3A_1004, %mul3A_1005 : i32
          %swap3A_1007 = arith.index_cast %mul3A_1006 : i32 to index
          %swap3A_1008 = tpu.vector_load %arg11[%swap3A_1007] {strides = array<i32>} : memref<1280xf32, #tpu.memory_space<vmem>>, vector<16xf32>,
          tpu.vector_store %arg11[%swap3A_1007], %add3A_1000 {strides = array<i32>} : memref<1280xf32, #tpu.memory_space<vmem>>, vector<16xf32>,
          %add3A_1009 = arith.addf %add3A_828, %add3A_924 : vector<32xbf16>
          %unpack3A_1010 = tpu.unpack_subelements %add3A_1009, 0 {pack_format = #tpu.pack_format<interleaved>} : vector<32xbf16> -> vector<16xf32>
          %unpack3A_1011 = tpu.unpack_subelements %add3A_1009, 1 {pack_format = #tpu.pack_format<interleaved>} : vector<32xbf16> -> vector<16xf32>
          %add3A_1012 = arith.addf %unpack3A_1010, %unpack3A_1011 : vector<16xf32>
          %add3A_1013 = arith.constant 8 : i32
          %add3A_1014 = arith.addi %mul3A_95, %add3A_1013 : i32
          %add3A_1015 = arith.constant 7 : i32
          %add3A_1016 = arith.addi %add3A_1014, %add3A_1015 : i32
          %mul3A_1017 = arith.constant 16 : i32
          %mul3A_1018 = arith.muli %add3A_1016, %mul3A_1017 : i32
          %swap3A_1019 = arith.index_cast %mul3A_1018 : i32 to index
          %swap3A_1020 = tpu.vector_load %arg11[%swap3A_1019] {strides = array<i32>} : memref<1280xf32, #tpu.memory_space<vmem>>, vector<16xf32>,
          tpu.vector_store %arg11[%swap3A_1019], %add3A_1012 {strides = array<i32>} : memref<1280xf32, #tpu.memory_space<vmem>>, vector<16xf32>,
          %mul3A_1021 = arith.constant 16 : i32
          %mul3A_1022 = arith.muli %scan3A_93, %mul3A_1021 : i32
          %mul3A_1023 = arith.constant 16 : i32
          %mul3A_1024 = arith.muli %mul3A_1022, %mul3A_1023 : i32
          %mul3A_1025 = arith.constant 16 : i32
          %mul3A_1026 = vector.broadcast %mul3A_1025 : i32 to vector<16xi32>
          %mul3A_1027 = arith.muli %iota3A, %mul3A_1026 : vector<16xi32>
          %add3A_1028 = vector.broadcast %mul3A_1024 : i32 to vector<16xi32>
          %add3A_1029 = arith.addi %mul3A_1027, %add3A_1028 : vector<16xi32>
          %add3A_1030 = arith.constant 0 : i32
          %add3A_1031 = vector.broadcast %add3A_1030 : i32 to vector<16xi32>
          %add3A_1032 = arith.addi %add3A_1029, %add3A_1031 : vector<16xi32>
          %gather3A = tpu.vector_load_idx %arg11[%add3A_1032] : memref<1280xf32, #tpu.memory_space<vmem>>[vector<16xi32>], vector<16xf32>,
          %mul3A_1033 = arith.constant 16 : i32
          %mul3A_1034 = vector.broadcast %mul3A_1033 : i32 to vector<16xi32>
          %mul3A_1035 = arith.muli %iota3A, %mul3A_1034 : vector<16xi32>
          %add3A_1036 = vector.broadcast %mul3A_1024 : i32 to vector<16xi32>
          %add3A_1037 = arith.addi %mul3A_1035, %add3A_1036 : vector<16xi32>
          %add3A_1038 = arith.constant 1 : i32
          %add3A_1039 = vector.broadcast %add3A_1038 : i32 to vector<16xi32>
          %add3A_1040 = arith.addi %add3A_1037, %add3A_1039 : vector<16xi32>
          %gather3A_1041 = tpu.vector_load_idx %arg11[%add3A_1040] : memref<1280xf32, #tpu.memory_space<vmem>>[vector<16xi32>], vector<16xf32>,
          %mul3A_1042 = arith.constant 16 : i32
          %mul3A_1043 = vector.broadcast %mul3A_1042 : i32 to vector<16xi32>
          %mul3A_1044 = arith.muli %iota3A, %mul3A_1043 : vector<16xi32>
          %add3A_1045 = vector.broadcast %mul3A_1024 : i32 to vector<16xi32>
          %add3A_1046 = arith.addi %mul3A_1044, %add3A_1045 : vector<16xi32>
          %add3A_1047 = arith.constant 2 : i32
          %add3A_1048 = vector.broadcast %add3A_1047 : i32 to vector<16xi32>
          %add3A_1049 = arith.addi %add3A_1046, %add3A_1048 : vector<16xi32>
          %gather3A_1050 = tpu.vector_load_idx %arg11[%add3A_1049] : memref<1280xf32, #tpu.memory_space<vmem>>[vector<16xi32>], vector<16xf32>,
          %mul3A_1051 = arith.constant 16 : i32
          %mul3A_1052 = vector.broadcast %mul3A_1051 : i32 to vector<16xi32>
          %mul3A_1053 = arith.muli %iota3A, %mul3A_1052 : vector<16xi32>
          %add3A_1054 = vector.broadcast %mul3A_1024 : i32 to vector<16xi32>
          %add3A_1055 = arith.addi %mul3A_1053, %add3A_1054 : vector<16xi32>
          %add3A_1056 = arith.constant 3 : i32
          %add3A_1057 = vector.broadcast %add3A_1056 : i32 to vector<16xi32>
          %add3A_1058 = arith.addi %add3A_1055, %add3A_1057 : vector<16xi32>
          %gather3A_1059 = tpu.vector_load_idx %arg11[%add3A_1058] : memref<1280xf32, #tpu.memory_space<vmem>>[vector<16xi32>], vector<16xf32>,
          %mul3A_1060 = arith.constant 16 : i32
          %mul3A_1061 = vector.broadcast %mul3A_1060 : i32 to vector<16xi32>
          %mul3A_1062 = arith.muli %iota3A, %mul3A_1061 : vector<16xi32>
          %add3A_1063 = vector.broadcast %mul3A_1024 : i32 to vector<16xi32>
          %add3A_1064 = arith.addi %mul3A_1062, %add3A_1063 : vector<16xi32>
          %add3A_1065 = arith.constant 4 : i32
          %add3A_1066 = vector.broadcast %add3A_1065 : i32 to vector<16xi32>
          %add3A_1067 = arith.addi %add3A_1064, %add3A_1066 : vector<16xi32>
          %gather3A_1068 = tpu.vector_load_idx %arg11[%add3A_1067] : memref<1280xf32, #tpu.memory_space<vmem>>[vector<16xi32>], vector<16xf32>,
          %mul3A_1069 = arith.constant 16 : i32
          %mul3A_1070 = vector.broadcast %mul3A_1069 : i32 to vector<16xi32>
          %mul3A_1071 = arith.muli %iota3A, %mul3A_1070 : vector<16xi32>
          %add3A_1072 = vector.broadcast %mul3A_1024 : i32 to vector<16xi32>
          %add3A_1073 = arith.addi %mul3A_1071, %add3A_1072 : vector<16xi32>
          %add3A_1074 = arith.constant 5 : i32
          %add3A_1075 = vector.broadcast %add3A_1074 : i32 to vector<16xi32>
          %add3A_1076 = arith.addi %add3A_1073, %add3A_1075 : vector<16xi32>
          %gather3A_1077 = tpu.vector_load_idx %arg11[%add3A_1076] : memref<1280xf32, #tpu.memory_space<vmem>>[vector<16xi32>], vector<16xf32>,
          %mul3A_1078 = arith.constant 16 : i32
          %mul3A_1079 = vector.broadcast %mul3A_1078 : i32 to vector<16xi32>
          %mul3A_1080 = arith.muli %iota3A, %mul3A_1079 : vector<16xi32>
          %add3A_1081 = vector.broadcast %mul3A_1024 : i32 to vector<16xi32>
          %add3A_1082 = arith.addi %mul3A_1080, %add3A_1081 : vector<16xi32>
          %add3A_1083 = arith.constant 6 : i32
          %add3A_1084 = vector.broadcast %add3A_1083 : i32 to vector<16xi32>
          %add3A_1085 = arith.addi %add3A_1082, %add3A_1084 : vector<16xi32>
          %gather3A_1086 = tpu.vector_load_idx %arg11[%add3A_1085] : memref<1280xf32, #tpu.memory_space<vmem>>[vector<16xi32>], vector<16xf32>,
          %mul3A_1087 = arith.constant 16 : i32
          %mul3A_1088 = vector.broadcast %mul3A_1087 : i32 to vector<16xi32>
          %mul3A_1089 = arith.muli %iota3A, %mul3A_1088 : vector<16xi32>
          %add3A_1090 = vector.broadcast %mul3A_1024 : i32 to vector<16xi32>
          %add3A_1091 = arith.addi %mul3A_1089, %add3A_1090 : vector<16xi32>
          %add3A_1092 = arith.constant 7 : i32
          %add3A_1093 = vector.broadcast %add3A_1092 : i32 to vector<16xi32>
          %add3A_1094 = arith.addi %add3A_1091, %add3A_1093 : vector<16xi32>
          %gather3A_1095 = tpu.vector_load_idx %arg11[%add3A_1094] : memref<1280xf32, #tpu.memory_space<vmem>>[vector<16xi32>], vector<16xf32>,
          %mul3A_1096 = arith.constant 16 : i32
          %mul3A_1097 = vector.broadcast %mul3A_1096 : i32 to vector<16xi32>
          %mul3A_1098 = arith.muli %iota3A, %mul3A_1097 : vector<16xi32>
          %add3A_1099 = vector.broadcast %mul3A_1024 : i32 to vector<16xi32>
          %add3A_1100 = arith.addi %mul3A_1098, %add3A_1099 : vector<16xi32>
          %add3A_1101 = arith.constant 8 : i32
          %add3A_1102 = vector.broadcast %add3A_1101 : i32 to vector<16xi32>
          %add3A_1103 = arith.addi %add3A_1100, %add3A_1102 : vector<16xi32>
          %gather3A_1104 = tpu.vector_load_idx %arg11[%add3A_1103] : memref<1280xf32, #tpu.memory_space<vmem>>[vector<16xi32>], vector<16xf32>,
          %mul3A_1105 = arith.constant 16 : i32
          %mul3A_1106 = vector.broadcast %mul3A_1105 : i32 to vector<16xi32>
          %mul3A_1107 = arith.muli %iota3A, %mul3A_1106 : vector<16xi32>
          %add3A_1108 = vector.broadcast %mul3A_1024 : i32 to vector<16xi32>
          %add3A_1109 = arith.addi %mul3A_1107, %add3A_1108 : vector<16xi32>
          %add3A_1110 = arith.constant 9 : i32
          %add3A_1111 = vector.broadcast %add3A_1110 : i32 to vector<16xi32>
          %add3A_1112 = arith.addi %add3A_1109, %add3A_1111 : vector<16xi32>
          %gather3A_1113 = tpu.vector_load_idx %arg11[%add3A_1112] : memref<1280xf32, #tpu.memory_space<vmem>>[vector<16xi32>], vector<16xf32>,
          %mul3A_1114 = arith.constant 16 : i32
          %mul3A_1115 = vector.broadcast %mul3A_1114 : i32 to vector<16xi32>
          %mul3A_1116 = arith.muli %iota3A, %mul3A_1115 : vector<16xi32>
          %add3A_1117 = vector.broadcast %mul3A_1024 : i32 to vector<16xi32>
          %add3A_1118 = arith.addi %mul3A_1116, %add3A_1117 : vector<16xi32>
          %add3A_1119 = arith.constant 10 : i32
          %add3A_1120 = vector.broadcast %add3A_1119 : i32 to vector<16xi32>
          %add3A_1121 = arith.addi %add3A_1118, %add3A_1120 : vector<16xi32>
          %gather3A_1122 = tpu.vector_load_idx %arg11[%add3A_1121] : memref<1280xf32, #tpu.memory_space<vmem>>[vector<16xi32>], vector<16xf32>,
          %mul3A_1123 = arith.constant 16 : i32
          %mul3A_1124 = vector.broadcast %mul3A_1123 : i32 to vector<16xi32>
          %mul3A_1125 = arith.muli %iota3A, %mul3A_1124 : vector<16xi32>
          %add3A_1126 = vector.broadcast %mul3A_1024 : i32 to vector<16xi32>
          %add3A_1127 = arith.addi %mul3A_1125, %add3A_1126 : vector<16xi32>
          %add3A_1128 = arith.constant 11 : i32
          %add3A_1129 = vector.broadcast %add3A_1128 : i32 to vector<16xi32>
          %add3A_1130 = arith.addi %add3A_1127, %add3A_1129 : vector<16xi32>
          %gather3A_1131 = tpu.vector_load_idx %arg11[%add3A_1130] : memref<1280xf32, #tpu.memory_space<vmem>>[vector<16xi32>], vector<16xf32>,
          %mul3A_1132 = arith.constant 16 : i32
          %mul3A_1133 = vector.broadcast %mul3A_1132 : i32 to vector<16xi32>
          %mul3A_1134 = arith.muli %iota3A, %mul3A_1133 : vector<16xi32>
          %add3A_1135 = vector.broadcast %mul3A_1024 : i32 to vector<16xi32>
          %add3A_1136 = arith.addi %mul3A_1134, %add3A_1135 : vector<16xi32>
          %add3A_1137 = arith.constant 12 : i32
          %add3A_1138 = vector.broadcast %add3A_1137 : i32 to vector<16xi32>
          %add3A_1139 = arith.addi %add3A_1136, %add3A_1138 : vector<16xi32>
          %gather3A_1140 = tpu.vector_load_idx %arg11[%add3A_1139] : memref<1280xf32, #tpu.memory_space<vmem>>[vector<16xi32>], vector<16xf32>,
          %mul3A_1141 = arith.constant 16 : i32
          %mul3A_1142 = vector.broadcast %mul3A_1141 : i32 to vector<16xi32>
          %mul3A_1143 = arith.muli %iota3A, %mul3A_1142 : vector<16xi32>
          %add3A_1144 = vector.broadcast %mul3A_1024 : i32 to vector<16xi32>
          %add3A_1145 = arith.addi %mul3A_1143, %add3A_1144 : vector<16xi32>
          %add3A_1146 = arith.constant 13 : i32
          %add3A_1147 = vector.broadcast %add3A_1146 : i32 to vector<16xi32>
          %add3A_1148 = arith.addi %add3A_1145, %add3A_1147 : vector<16xi32>
          %gather3A_1149 = tpu.vector_load_idx %arg11[%add3A_1148] : memref<1280xf32, #tpu.memory_space<vmem>>[vector<16xi32>], vector<16xf32>,
          %mul3A_1150 = arith.constant 16 : i32
          %mul3A_1151 = vector.broadcast %mul3A_1150 : i32 to vector<16xi32>
          %mul3A_1152 = arith.muli %iota3A, %mul3A_1151 : vector<16xi32>
          %add3A_1153 = vector.broadcast %mul3A_1024 : i32 to vector<16xi32>
          %add3A_1154 = arith.addi %mul3A_1152, %add3A_1153 : vector<16xi32>
          %add3A_1155 = arith.constant 14 : i32
          %add3A_1156 = vector.broadcast %add3A_1155 : i32 to vector<16xi32>
          %add3A_1157 = arith.addi %add3A_1154, %add3A_1156 : vector<16xi32>
          %gather3A_1158 = tpu.vector_load_idx %arg11[%add3A_1157] : memref<1280xf32, #tpu.memory_space<vmem>>[vector<16xi32>], vector<16xf32>,
          %mul3A_1159 = arith.constant 16 : i32
          %mul3A_1160 = vector.broadcast %mul3A_1159 : i32 to vector<16xi32>
          %mul3A_1161 = arith.muli %iota3A, %mul3A_1160 : vector<16xi32>
          %add3A_1162 = vector.broadcast %mul3A_1024 : i32 to vector<16xi32>
          %add3A_1163 = arith.addi %mul3A_1161, %add3A_1162 : vector<16xi32>
          %add3A_1164 = arith.constant 15 : i32
          %add3A_1165 = vector.broadcast %add3A_1164 : i32 to vector<16xi32>
          %add3A_1166 = arith.addi %add3A_1163, %add3A_1165 : vector<16xi32>
          %gather3A_1167 = tpu.vector_load_idx %arg11[%add3A_1166] : memref<1280xf32, #tpu.memory_space<vmem>>[vector<16xi32>], vector<16xf32>,
          %add3A_1168 = arith.addf %gather3A, %gather3A_1041 : vector<16xf32>
          %add3A_1169 = arith.addf %gather3A_1050, %gather3A_1059 : vector<16xf32>
          %add3A_1170 = arith.addf %gather3A_1068, %gather3A_1077 : vector<16xf32>
          %add3A_1171 = arith.addf %gather3A_1086, %gather3A_1095 : vector<16xf32>
          %add3A_1172 = arith.addf %gather3A_1104, %gather3A_1113 : vector<16xf32>
          %add3A_1173 = arith.addf %gather3A_1122, %gather3A_1131 : vector<16xf32>
          %add3A_1174 = arith.addf %gather3A_1140, %gather3A_1149 : vector<16xf32>
          %add3A_1175 = arith.addf %gather3A_1158, %gather3A_1167 : vector<16xf32>
          %add3A_1176 = arith.addf %add3A_1168, %add3A_1169 : vector<16xf32>
          %add3A_1177 = arith.addf %add3A_1170, %add3A_1171 : vector<16xf32>
          %add3A_1178 = arith.addf %add3A_1172, %add3A_1173 : vector<16xf32>
          %add3A_1179 = arith.addf %add3A_1174, %add3A_1175 : vector<16xf32>
          %add3A_1180 = arith.addf %add3A_1176, %add3A_1177 : vector<16xf32>
          %add3A_1181 = arith.addf %add3A_1178, %add3A_1179 : vector<16xf32>
          %add3A_1182 = arith.addf %add3A_1180, %add3A_1181 : vector<16xf32>
          %mul3A_1183 = arith.constant 80 : i32
          %mul3A_1184 = arith.muli %scan3A_33, %mul3A_1183 : i32
          %mul3A_1185 = arith.constant 16 : i32
          %mul3A_1186 = arith.muli %scan3A_93, %mul3A_1185 : i32
          %add3A_1187 = arith.addi %mul3A_1184, %mul3A_1186 : i32
          %multiple_of3A_1188 = tpu.assume_multiple %add3A_1187, 16 : i32
          %swap3A_1189 = arith.index_cast %multiple_of3A_1188 : i32 to index
          %swap3A_1190 = tpu.vector_load %arg12[%swap3A_1189] {strides = array<i32>} : memref<10000xf32, #tpu.memory_space<vmem>>, vector<16xf32>,
          tpu.vector_store %arg12[%swap3A_1189], %add3A_1182 {strides = array<i32>} : memref<10000xf32, #tpu.memory_space<vmem>>, vector<16xf32>,
        }
        %scan3A_85 = arith.constant 5 : i32
        %add3A_86 = arith.constant 2 : i32
        %add3A_87 = arith.addi %scan3A_33, %add3A_86 : i32
        %lt3A_88 = arith.constant 125 : i32
        %lt3A_89 = arith.cmpi slt, %add3A_87, %lt3A_88 : i32
        %convert_element_type3A_90 = arith.extui %lt3A_89 : i1 to i32
        %cond3A_91 = arith.constant 0 : i32
        %cond3A_92 = arith.cmpi ne, %convert_element_type3A_90, %cond3A_91 : i32
        scf.if %cond3A_92 {
          %add3A_93 = arith.constant 2 : i32
          %add3A_94 = arith.addi %scan3A_33, %add3A_93 : i32
          %mul3A_95 = arith.constant 80 : i32
          %mul3A_96 = arith.muli %add3A_94, %mul3A_95 : i32
          %multiple_of3A_97 = tpu.assume_multiple %mul3A_96, 16 : i32
          %dma_start3A_98 = tpu.memref_slice %arg5[%multiple_of3A_97] : memref<10000xi32, #tpu.memory_space<vmem>> -> memref<80xi32, #tpu.memory_space<vmem>>
          %dma_start3A_99 = arith.constant 0 : i32
          %dma_start3A_100 = arith.constant 0 : i32
          %dma_start3A_101 = tpu.memref_slice %arg2[%dma_start3A_99, %dma_start3A_100] : memref<10000x128xbf16, #tpu.memory_space<hbm>> -> memref<10000x128xbf16, #tpu.memory_space<hbm>>
          tpu.enqueue_indirect_dma source(%dma_start3A_101 : memref<10000x128xbf16, #tpu.memory_space<hbm>>) target(%arg7 : memref<80x128xbf16, #tpu.memory_space<vmem>>) offsets(%dma_start3A_98 : memref<80xi32, #tpu.memory_space<vmem>>) semaphore(%arg13 : memref<!tpu.dma_semaphore, #tpu.memory_space<semaphore_mem>>)
          %add3A_102 = arith.constant 2 : i32
          %add3A_103 = arith.addi %scan3A_33, %add3A_102 : i32
          %mul3A_104 = arith.constant 80 : i32
          %mul3A_105 = arith.muli %add3A_103, %mul3A_104 : i32
          %multiple_of3A_106 = tpu.assume_multiple %mul3A_105, 16 : i32
          %dma_start3A_107 = tpu.memref_slice %arg6[%multiple_of3A_106] : memref<10000xi32, #tpu.memory_space<vmem>> -> memref<80xi32, #tpu.memory_space<vmem>>
          %dma_start3A_108 = arith.constant 0 : i32
          %dma_start3A_109 = arith.constant 0 : i32
          %dma_start3A_110 = tpu.memref_slice %arg2[%dma_start3A_108, %dma_start3A_109] : memref<10000x128xbf16, #tpu.memory_space<hbm>> -> memref<10000x128xbf16, #tpu.memory_space<hbm>>
          tpu.enqueue_indirect_dma source(%dma_start3A_110 : memref<10000x128xbf16, #tpu.memory_space<hbm>>) target(%arg9 : memref<80x128xbf16, #tpu.memory_space<vmem>>) offsets(%dma_start3A_107 : memref<80xi32, #tpu.memory_space<vmem>>) semaphore(%arg15 : memref<!tpu.dma_semaphore, #tpu.memory_space<semaphore_mem>>)
        } else {
        }
      } else {
      }
      %jit3A_46 = arith.constant 2 : i32
      %eq3A_47 = arith.constant 0 : i32
      %eq3A_48 = arith.cmpi eq, %jit3A_46, %eq3A_47 : i32
      %jit3A_49 = arith.constant 1 : i32
      %select_n3A_50 = arith.select %eq3A_48, %jit3A_49, %jit3A_46 : i32
      %rem3A_51 = arith.remsi %scan3A_33, %select_n3A_50 : i32
      %ne3A_52 = arith.constant 0 : i32
      %ne3A_53 = arith.cmpi ne, %rem3A_51, %ne3A_52 : i32
      %lt3A_54 = arith.constant 0 : i32
      %lt3A_55 = arith.cmpi slt, %rem3A_51, %lt3A_54 : i32
      %lt3A_56 = arith.constant 0 : i32
      %lt3A_57 = arith.cmpi slt, %select_n3A_50, %lt3A_56 : i32
      %ne3A_58 = arith.xori %lt3A_55, %lt3A_57 : i1
      %and3A_59 = arith.andi %ne3A_58, %ne3A_53 : i1
      %add3A_60 = arith.addi %rem3A_51, %select_n3A_50 : i32
      %select_n3A_61 = arith.select %and3A_59, %add3A_60, %rem3A_51 : i32
      %eq3A_62 = arith.constant 1 : i32
      %eq3A_63 = arith.cmpi eq, %select_n3A_61, %eq3A_62 : i32
      %convert_element_type3A_64 = arith.extui %eq3A_63 : i1 to i32
      %cond3A_65 = arith.constant 0 : i32
      %cond3A_66 = arith.cmpi ne, %convert_element_type3A_64, %cond3A_65 : i32
      scf.if %cond3A_66 {
        %mul3A_67 = arith.constant 80 : i32
        %mul3A_68 = arith.muli %scan3A_33, %mul3A_67 : i32
        %multiple_of3A_69 = tpu.assume_multiple %mul3A_68, 16 : i32
        %dma_wait3A = tpu.memref_slice %arg5[%multiple_of3A_69] : memref<10000xi32, #tpu.memory_space<vmem>> -> memref<80xi32, #tpu.memory_space<vmem>>
        %dma_wait3A_70 = arith.constant 0 : i32
        %dma_wait3A_71 = arith.constant 0 : i32
        %dma_wait3A_72 = tpu.memref_slice %arg2[%dma_wait3A_70, %dma_wait3A_71] : memref<10000x128xbf16, #tpu.memory_space<hbm>> -> memref<10000x128xbf16, #tpu.memory_space<hbm>>
        tpu.wait_indirect_dma semaphore(%arg14 : memref<!tpu.dma_semaphore, #tpu.memory_space<semaphore_mem>>) src(%dma_wait3A_72 : memref<10000x128xbf16, #tpu.memory_space<hbm>>) dst(%arg8 : memref<80x128xbf16, #tpu.memory_space<vmem>>)
        %mul3A_73 = arith.constant 80 : i32
        %mul3A_74 = arith.muli %scan3A_33, %mul3A_73 : i32
        %multiple_of3A_75 = tpu.assume_multiple %mul3A_74, 16 : i32
        %dma_wait3A_76 = tpu.memref_slice %arg6[%multiple_of3A_75] : memref<10000xi32, #tpu.memory_space<vmem>> -> memref<80xi32, #tpu.memory_space<vmem>>
        %dma_wait3A_77 = arith.constant 0 : i32
        %dma_wait3A_78 = arith.constant 0 : i32
        %dma_wait3A_79 = tpu.memref_slice %arg2[%dma_wait3A_77, %dma_wait3A_78] : memref<10000x128xbf16, #tpu.memory_space<hbm>> -> memref<10000x128xbf16, #tpu.memory_space<hbm>>
        tpu.wait_indirect_dma semaphore(%arg16 : memref<!tpu.dma_semaphore, #tpu.memory_space<semaphore_mem>>) src(%dma_wait3A_79 : memref<10000x128xbf16, #tpu.memory_space<hbm>>) dst(%arg10 : memref<80x128xbf16, #tpu.memory_space<vmem>>)
        %scan3A_80 = arith.constant 0 : i32
        %scan3A_81 = arith.constant 0 : i32
        %scan3A_82 = arith.constant 5 : i32
        %scan3A_83 = arith.addi %scan3A_81, %scan3A_82 : i32
        %scan3A_84 = arith.constant 1 : i32
        scf.for %scan3A_93 = %scan3A_81 to %scan3A_83 step %scan3A_84  : i32 {
          %mul3A_94 = arith.constant 16 : i32
          %mul3A_95 = arith.muli %scan3A_93, %mul3A_94 : i32
          %add3A_96 = arith.constant 0 : i32
          %add3A_97 = arith.addi %mul3A_95, %add3A_96 : i32
          %add3A_98 = arith.constant 0 : i32
          %add3A_99 = arith.addi %add3A_97, %add3A_98 : i32
          %get3A = arith.index_cast %add3A_99 : i32 to index
          %get3A_100 = arith.constant 0 : index
          %get3A_101 = tpu.vector_load %arg8[%get3A, %get3A_100] {strides = array<i32>} : memref<80x128xbf16, #tpu.memory_space<vmem>>, vector<32xbf16>,
          %get3A_102 = arith.index_cast %add3A_99 : i32 to index
          %get3A_103 = arith.constant 0 : index
          %get3A_104 = tpu.vector_load %arg10[%get3A_102, %get3A_103] {strides = array<i32>} : memref<80x128xbf16, #tpu.memory_space<vmem>>, vector<32xbf16>,
          %mul3A_105 = arith.mulf %get3A_101, %get3A_104 : vector<32xbf16>
          %add3A_106 = arith.constant 0 : i32
          %add3A_107 = arith.addi %mul3A_95, %add3A_106 : i32
          %add3A_108 = arith.constant 1 : i32
          %add3A_109 = arith.addi %add3A_107, %add3A_108 : i32
          %get3A_110 = arith.index_cast %add3A_109 : i32 to index
          %get3A_111 = arith.constant 0 : index
          %get3A_112 = tpu.vector_load %arg8[%get3A_110, %get3A_111] {strides = array<i32>} : memref<80x128xbf16, #tpu.memory_space<vmem>>, vector<32xbf16>,
          %get3A_113 = arith.index_cast %add3A_109 : i32 to index
          %get3A_114 = arith.constant 0 : index
          %get3A_115 = tpu.vector_load %arg10[%get3A_113, %get3A_114] {strides = array<i32>} : memref<80x128xbf16, #tpu.memory_space<vmem>>, vector<32xbf16>,
          %mul3A_116 = arith.mulf %get3A_112, %get3A_115 : vector<32xbf16>
          %add3A_117 = arith.constant 0 : i32
          %add3A_118 = arith.addi %mul3A_95, %add3A_117 : i32
          %add3A_119 = arith.constant 2 : i32
          %add3A_120 = arith.addi %add3A_118, %add3A_119 : i32
          %get3A_121 = arith.index_cast %add3A_120 : i32 to index
          %get3A_122 = arith.constant 0 : index
          %get3A_123 = tpu.vector_load %arg8[%get3A_121, %get3A_122] {strides = array<i32>} : memref<80x128xbf16, #tpu.memory_space<vmem>>, vector<32xbf16>,
          %get3A_124 = arith.index_cast %add3A_120 : i32 to index
          %get3A_125 = arith.constant 0 : index
          %get3A_126 = tpu.vector_load %arg10[%get3A_124, %get3A_125] {strides = array<i32>} : memref<80x128xbf16, #tpu.memory_space<vmem>>, vector<32xbf16>,
          %mul3A_127 = arith.mulf %get3A_123, %get3A_126 : vector<32xbf16>
          %add3A_128 = arith.constant 0 : i32
          %add3A_129 = arith.addi %mul3A_95, %add3A_128 : i32
          %add3A_130 = arith.constant 3 : i32
          %add3A_131 = arith.addi %add3A_129, %add3A_130 : i32
          %get3A_132 = arith.index_cast %add3A_131 : i32 to index
          %get3A_133 = arith.constant 0 : index
          %get3A_134 = tpu.vector_load %arg8[%get3A_132, %get3A_133] {strides = array<i32>} : memref<80x128xbf16, #tpu.memory_space<vmem>>, vector<32xbf16>,
          %get3A_135 = arith.index_cast %add3A_131 : i32 to index
          %get3A_136 = arith.constant 0 : index
          %get3A_137 = tpu.vector_load %arg10[%get3A_135, %get3A_136] {strides = array<i32>} : memref<80x128xbf16, #tpu.memory_space<vmem>>, vector<32xbf16>,
          %mul3A_138 = arith.mulf %get3A_134, %get3A_137 : vector<32xbf16>
          %add3A_139 = arith.constant 0 : i32
          %add3A_140 = arith.addi %mul3A_95, %add3A_139 : i32
          %add3A_141 = arith.constant 4 : i32
          %add3A_142 = arith.addi %add3A_140, %add3A_141 : i32
          %get3A_143 = arith.index_cast %add3A_142 : i32 to index
          %get3A_144 = arith.constant 0 : index
          %get3A_145 = tpu.vector_load %arg8[%get3A_143, %get3A_144] {strides = array<i32>} : memref<80x128xbf16, #tpu.memory_space<vmem>>, vector<32xbf16>,
          %get3A_146 = arith.index_cast %add3A_142 : i32 to index
          %get3A_147 = arith.constant 0 : index
          %get3A_148 = tpu.vector_load %arg10[%get3A_146, %get3A_147] {strides = array<i32>} : memref<80x128xbf16, #tpu.memory_space<vmem>>, vector<32xbf16>,
          %mul3A_149 = arith.mulf %get3A_145, %get3A_148 : vector<32xbf16>
          %add3A_150 = arith.constant 0 : i32
          %add3A_151 = arith.addi %mul3A_95, %add3A_150 : i32
          %add3A_152 = arith.constant 5 : i32
          %add3A_153 = arith.addi %add3A_151, %add3A_152 : i32
          %get3A_154 = arith.index_cast %add3A_153 : i32 to index
          %get3A_155 = arith.constant 0 : index
          %get3A_156 = tpu.vector_load %arg8[%get3A_154, %get3A_155] {strides = array<i32>} : memref<80x128xbf16, #tpu.memory_space<vmem>>, vector<32xbf16>,
          %get3A_157 = arith.index_cast %add3A_153 : i32 to index
          %get3A_158 = arith.constant 0 : index
          %get3A_159 = tpu.vector_load %arg10[%get3A_157, %get3A_158] {strides = array<i32>} : memref<80x128xbf16, #tpu.memory_space<vmem>>, vector<32xbf16>,
          %mul3A_160 = arith.mulf %get3A_156, %get3A_159 : vector<32xbf16>
          %add3A_161 = arith.constant 0 : i32
          %add3A_162 = arith.addi %mul3A_95, %add3A_161 : i32
          %add3A_163 = arith.constant 6 : i32
          %add3A_164 = arith.addi %add3A_162, %add3A_163 : i32
          %get3A_165 = arith.index_cast %add3A_164 : i32 to index
          %get3A_166 = arith.constant 0 : index
          %get3A_167 = tpu.vector_load %arg8[%get3A_165, %get3A_166] {strides = array<i32>} : memref<80x128xbf16, #tpu.memory_space<vmem>>, vector<32xbf16>,
          %get3A_168 = arith.index_cast %add3A_164 : i32 to index
          %get3A_169 = arith.constant 0 : index
          %get3A_170 = tpu.vector_load %arg10[%get3A_168, %get3A_169] {strides = array<i32>} : memref<80x128xbf16, #tpu.memory_space<vmem>>, vector<32xbf16>,
          %mul3A_171 = arith.mulf %get3A_167, %get3A_170 : vector<32xbf16>
          %add3A_172 = arith.constant 0 : i32
          %add3A_173 = arith.addi %mul3A_95, %add3A_172 : i32
          %add3A_174 = arith.constant 7 : i32
          %add3A_175 = arith.addi %add3A_173, %add3A_174 : i32
          %get3A_176 = arith.index_cast %add3A_175 : i32 to index
          %get3A_177 = arith.constant 0 : index
          %get3A_178 = tpu.vector_load %arg8[%get3A_176, %get3A_177] {strides = array<i32>} : memref<80x128xbf16, #tpu.memory_space<vmem>>, vector<32xbf16>,
          %get3A_179 = arith.index_cast %add3A_175 : i32 to index
          %get3A_180 = arith.constant 0 : index
          %get3A_181 = tpu.vector_load %arg10[%get3A_179, %get3A_180] {strides = array<i32>} : memref<80x128xbf16, #tpu.memory_space<vmem>>, vector<32xbf16>,
          %mul3A_182 = arith.mulf %get3A_178, %get3A_181 : vector<32xbf16>
          %add3A_183 = arith.constant 0 : i32
          %add3A_184 = arith.addi %mul3A_95, %add3A_183 : i32
          %add3A_185 = arith.constant 0 : i32
          %add3A_186 = arith.addi %add3A_184, %add3A_185 : i32
          %get3A_187 = arith.index_cast %add3A_186 : i32 to index
          %get3A_188 = arith.constant 32 : index
          %get3A_189 = tpu.vector_load %arg8[%get3A_187, %get3A_188] {strides = array<i32>} : memref<80x128xbf16, #tpu.memory_space<vmem>>, vector<32xbf16>,
          %get3A_190 = arith.index_cast %add3A_186 : i32 to index
          %get3A_191 = arith.constant 32 : index
          %get3A_192 = tpu.vector_load %arg10[%get3A_190, %get3A_191] {strides = array<i32>} : memref<80x128xbf16, #tpu.memory_space<vmem>>, vector<32xbf16>,
          %mul3A_193 = arith.mulf %get3A_189, %get3A_192 : vector<32xbf16>
          %add3A_194 = arith.constant 0 : i32
          %add3A_195 = arith.addi %mul3A_95, %add3A_194 : i32
          %add3A_196 = arith.constant 1 : i32
          %add3A_197 = arith.addi %add3A_195, %add3A_196 : i32
          %get3A_198 = arith.index_cast %add3A_197 : i32 to index
          %get3A_199 = arith.constant 32 : index
          %get3A_200 = tpu.vector_load %arg8[%get3A_198, %get3A_199] {strides = array<i32>} : memref<80x128xbf16, #tpu.memory_space<vmem>>, vector<32xbf16>,
          %get3A_201 = arith.index_cast %add3A_197 : i32 to index
          %get3A_202 = arith.constant 32 : index
          %get3A_203 = tpu.vector_load %arg10[%get3A_201, %get3A_202] {strides = array<i32>} : memref<80x128xbf16, #tpu.memory_space<vmem>>, vector<32xbf16>,
          %mul3A_204 = arith.mulf %get3A_200, %get3A_203 : vector<32xbf16>
          %add3A_205 = arith.constant 0 : i32
          %add3A_206 = arith.addi %mul3A_95, %add3A_205 : i32
          %add3A_207 = arith.constant 2 : i32
          %add3A_208 = arith.addi %add3A_206, %add3A_207 : i32
          %get3A_209 = arith.index_cast %add3A_208 : i32 to index
          %get3A_210 = arith.constant 32 : index
          %get3A_211 = tpu.vector_load %arg8[%get3A_209, %get3A_210] {strides = array<i32>} : memref<80x128xbf16, #tpu.memory_space<vmem>>, vector<32xbf16>,
          %get3A_212 = arith.index_cast %add3A_208 : i32 to index
          %get3A_213 = arith.constant 32 : index
          %get3A_214 = tpu.vector_load %arg10[%get3A_212, %get3A_213] {strides = array<i32>} : memref<80x128xbf16, #tpu.memory_space<vmem>>, vector<32xbf16>,
          %mul3A_215 = arith.mulf %get3A_211, %get3A_214 : vector<32xbf16>
          %add3A_216 = arith.constant 0 : i32
          %add3A_217 = arith.addi %mul3A_95, %add3A_216 : i32
          %add3A_218 = arith.constant 3 : i32
          %add3A_219 = arith.addi %add3A_217, %add3A_218 : i32
          %get3A_220 = arith.index_cast %add3A_219 : i32 to index
          %get3A_221 = arith.constant 32 : index
          %get3A_222 = tpu.vector_load %arg8[%get3A_220, %get3A_221] {strides = array<i32>} : memref<80x128xbf16, #tpu.memory_space<vmem>>, vector<32xbf16>,
          %get3A_223 = arith.index_cast %add3A_219 : i32 to index
          %get3A_224 = arith.constant 32 : index
          %get3A_225 = tpu.vector_load %arg10[%get3A_223, %get3A_224] {strides = array<i32>} : memref<80x128xbf16, #tpu.memory_space<vmem>>, vector<32xbf16>,
          %mul3A_226 = arith.mulf %get3A_222, %get3A_225 : vector<32xbf16>
          %add3A_227 = arith.constant 0 : i32
          %add3A_228 = arith.addi %mul3A_95, %add3A_227 : i32
          %add3A_229 = arith.constant 4 : i32
          %add3A_230 = arith.addi %add3A_228, %add3A_229 : i32
          %get3A_231 = arith.index_cast %add3A_230 : i32 to index
          %get3A_232 = arith.constant 32 : index
          %get3A_233 = tpu.vector_load %arg8[%get3A_231, %get3A_232] {strides = array<i32>} : memref<80x128xbf16, #tpu.memory_space<vmem>>, vector<32xbf16>,
          %get3A_234 = arith.index_cast %add3A_230 : i32 to index
          %get3A_235 = arith.constant 32 : index
          %get3A_236 = tpu.vector_load %arg10[%get3A_234, %get3A_235] {strides = array<i32>} : memref<80x128xbf16, #tpu.memory_space<vmem>>, vector<32xbf16>,
          %mul3A_237 = arith.mulf %get3A_233, %get3A_236 : vector<32xbf16>
          %add3A_238 = arith.constant 0 : i32
          %add3A_239 = arith.addi %mul3A_95, %add3A_238 : i32
          %add3A_240 = arith.constant 5 : i32
          %add3A_241 = arith.addi %add3A_239, %add3A_240 : i32
          %get3A_242 = arith.index_cast %add3A_241 : i32 to index
          %get3A_243 = arith.constant 32 : index
          %get3A_244 = tpu.vector_load %arg8[%get3A_242, %get3A_243] {strides = array<i32>} : memref<80x128xbf16, #tpu.memory_space<vmem>>, vector<32xbf16>,
          %get3A_245 = arith.index_cast %add3A_241 : i32 to index
          %get3A_246 = arith.constant 32 : index
          %get3A_247 = tpu.vector_load %arg10[%get3A_245, %get3A_246] {strides = array<i32>} : memref<80x128xbf16, #tpu.memory_space<vmem>>, vector<32xbf16>,
          %mul3A_248 = arith.mulf %get3A_244, %get3A_247 : vector<32xbf16>
          %add3A_249 = arith.constant 0 : i32
          %add3A_250 = arith.addi %mul3A_95, %add3A_249 : i32
          %add3A_251 = arith.constant 6 : i32
          %add3A_252 = arith.addi %add3A_250, %add3A_251 : i32
          %get3A_253 = arith.index_cast %add3A_252 : i32 to index
          %get3A_254 = arith.constant 32 : index
          %get3A_255 = tpu.vector_load %arg8[%get3A_253, %get3A_254] {strides = array<i32>} : memref<80x128xbf16, #tpu.memory_space<vmem>>, vector<32xbf16>,
          %get3A_256 = arith.index_cast %add3A_252 : i32 to index
          %get3A_257 = arith.constant 32 : index
          %get3A_258 = tpu.vector_load %arg10[%get3A_256, %get3A_257] {strides = array<i32>} : memref<80x128xbf16, #tpu.memory_space<vmem>>, vector<32xbf16>,
          %mul3A_259 = arith.mulf %get3A_255, %get3A_258 : vector<32xbf16>
          %add3A_260 = arith.constant 0 : i32
          %add3A_261 = arith.addi %mul3A_95, %add3A_260 : i32
          %add3A_262 = arith.constant 7 : i32
          %add3A_263 = arith.addi %add3A_261, %add3A_262 : i32
          %get3A_264 = arith.index_cast %add3A_263 : i32 to index
          %get3A_265 = arith.constant 32 : index
          %get3A_266 = tpu.vector_load %arg8[%get3A_264, %get3A_265] {strides = array<i32>} : memref<80x128xbf16, #tpu.memory_space<vmem>>, vector<32xbf16>,
          %get3A_267 = arith.index_cast %add3A_263 : i32 to index
          %get3A_268 = arith.constant 32 : index
          %get3A_269 = tpu.vector_load %arg10[%get3A_267, %get3A_268] {strides = array<i32>} : memref<80x128xbf16, #tpu.memory_space<vmem>>, vector<32xbf16>,
          %mul3A_270 = arith.mulf %get3A_266, %get3A_269 : vector<32xbf16>
          %add3A_271 = arith.constant 0 : i32
          %add3A_272 = arith.addi %mul3A_95, %add3A_271 : i32
          %add3A_273 = arith.constant 0 : i32
          %add3A_274 = arith.addi %add3A_272, %add3A_273 : i32
          %get3A_275 = arith.index_cast %add3A_274 : i32 to index
          %get3A_276 = arith.constant 64 : index
          %get3A_277 = tpu.vector_load %arg8[%get3A_275, %get3A_276] {strides = array<i32>} : memref<80x128xbf16, #tpu.memory_space<vmem>>, vector<32xbf16>,
          %get3A_278 = arith.index_cast %add3A_274 : i32 to index
          %get3A_279 = arith.constant 64 : index
          %get3A_280 = tpu.vector_load %arg10[%get3A_278, %get3A_279] {strides = array<i32>} : memref<80x128xbf16, #tpu.memory_space<vmem>>, vector<32xbf16>,
          %mul3A_281 = arith.mulf %get3A_277, %get3A_280 : vector<32xbf16>
          %add3A_282 = arith.addf %mul3A_105, %mul3A_281 : vector<32xbf16>
          %add3A_283 = arith.constant 0 : i32
          %add3A_284 = arith.addi %mul3A_95, %add3A_283 : i32
          %add3A_285 = arith.constant 1 : i32
          %add3A_286 = arith.addi %add3A_284, %add3A_285 : i32
          %get3A_287 = arith.index_cast %add3A_286 : i32 to index
          %get3A_288 = arith.constant 64 : index
          %get3A_289 = tpu.vector_load %arg8[%get3A_287, %get3A_288] {strides = array<i32>} : memref<80x128xbf16, #tpu.memory_space<vmem>>, vector<32xbf16>,
          %get3A_290 = arith.index_cast %add3A_286 : i32 to index
          %get3A_291 = arith.constant 64 : index
          %get3A_292 = tpu.vector_load %arg10[%get3A_290, %get3A_291] {strides = array<i32>} : memref<80x128xbf16, #tpu.memory_space<vmem>>, vector<32xbf16>,
          %mul3A_293 = arith.mulf %get3A_289, %get3A_292 : vector<32xbf16>
          %add3A_294 = arith.addf %mul3A_116, %mul3A_293 : vector<32xbf16>
          %add3A_295 = arith.constant 0 : i32
          %add3A_296 = arith.addi %mul3A_95, %add3A_295 : i32
          %add3A_297 = arith.constant 2 : i32
          %add3A_298 = arith.addi %add3A_296, %add3A_297 : i32
          %get3A_299 = arith.index_cast %add3A_298 : i32 to index
          %get3A_300 = arith.constant 64 : index
          %get3A_301 = tpu.vector_load %arg8[%get3A_299, %get3A_300] {strides = array<i32>} : memref<80x128xbf16, #tpu.memory_space<vmem>>, vector<32xbf16>,
          %get3A_302 = arith.index_cast %add3A_298 : i32 to index
          %get3A_303 = arith.constant 64 : index
          %get3A_304 = tpu.vector_load %arg10[%get3A_302, %get3A_303] {strides = array<i32>} : memref<80x128xbf16, #tpu.memory_space<vmem>>, vector<32xbf16>,
          %mul3A_305 = arith.mulf %get3A_301, %get3A_304 : vector<32xbf16>
          %add3A_306 = arith.addf %mul3A_127, %mul3A_305 : vector<32xbf16>
          %add3A_307 = arith.constant 0 : i32
          %add3A_308 = arith.addi %mul3A_95, %add3A_307 : i32
          %add3A_309 = arith.constant 3 : i32
          %add3A_310 = arith.addi %add3A_308, %add3A_309 : i32
          %get3A_311 = arith.index_cast %add3A_310 : i32 to index
          %get3A_312 = arith.constant 64 : index
          %get3A_313 = tpu.vector_load %arg8[%get3A_311, %get3A_312] {strides = array<i32>} : memref<80x128xbf16, #tpu.memory_space<vmem>>, vector<32xbf16>,
          %get3A_314 = arith.index_cast %add3A_310 : i32 to index
          %get3A_315 = arith.constant 64 : index
          %get3A_316 = tpu.vector_load %arg10[%get3A_314, %get3A_315] {strides = array<i32>} : memref<80x128xbf16, #tpu.memory_space<vmem>>, vector<32xbf16>,
          %mul3A_317 = arith.mulf %get3A_313, %get3A_316 : vector<32xbf16>
          %add3A_318 = arith.addf %mul3A_138, %mul3A_317 : vector<32xbf16>
          %add3A_319 = arith.constant 0 : i32
          %add3A_320 = arith.addi %mul3A_95, %add3A_319 : i32
          %add3A_321 = arith.constant 4 : i32
          %add3A_322 = arith.addi %add3A_320, %add3A_321 : i32
          %get3A_323 = arith.index_cast %add3A_322 : i32 to index
          %get3A_324 = arith.constant 64 : index
          %get3A_325 = tpu.vector_load %arg8[%get3A_323, %get3A_324] {strides = array<i32>} : memref<80x128xbf16, #tpu.memory_space<vmem>>, vector<32xbf16>,
          %get3A_326 = arith.index_cast %add3A_322 : i32 to index
          %get3A_327 = arith.constant 64 : index
          %get3A_328 = tpu.vector_load %arg10[%get3A_326, %get3A_327] {strides = array<i32>} : memref<80x128xbf16, #tpu.memory_space<vmem>>, vector<32xbf16>,
          %mul3A_329 = arith.mulf %get3A_325, %get3A_328 : vector<32xbf16>
          %add3A_330 = arith.addf %mul3A_149, %mul3A_329 : vector<32xbf16>
          %add3A_331 = arith.constant 0 : i32
          %add3A_332 = arith.addi %mul3A_95, %add3A_331 : i32
          %add3A_333 = arith.constant 5 : i32
          %add3A_334 = arith.addi %add3A_332, %add3A_333 : i32
          %get3A_335 = arith.index_cast %add3A_334 : i32 to index
          %get3A_336 = arith.constant 64 : index
          %get3A_337 = tpu.vector_load %arg8[%get3A_335, %get3A_336] {strides = array<i32>} : memref<80x128xbf16, #tpu.memory_space<vmem>>, vector<32xbf16>,
          %get3A_338 = arith.index_cast %add3A_334 : i32 to index
          %get3A_339 = arith.constant 64 : index
          %get3A_340 = tpu.vector_load %arg10[%get3A_338, %get3A_339] {strides = array<i32>} : memref<80x128xbf16, #tpu.memory_space<vmem>>, vector<32xbf16>,
          %mul3A_341 = arith.mulf %get3A_337, %get3A_340 : vector<32xbf16>
          %add3A_342 = arith.addf %mul3A_160, %mul3A_341 : vector<32xbf16>
          %add3A_343 = arith.constant 0 : i32
          %add3A_344 = arith.addi %mul3A_95, %add3A_343 : i32
          %add3A_345 = arith.constant 6 : i32
          %add3A_346 = arith.addi %add3A_344, %add3A_345 : i32
          %get3A_347 = arith.index_cast %add3A_346 : i32 to index
          %get3A_348 = arith.constant 64 : index
          %get3A_349 = tpu.vector_load %arg8[%get3A_347, %get3A_348] {strides = array<i32>} : memref<80x128xbf16, #tpu.memory_space<vmem>>, vector<32xbf16>,
          %get3A_350 = arith.index_cast %add3A_346 : i32 to index
          %get3A_351 = arith.constant 64 : index
          %get3A_352 = tpu.vector_load %arg10[%get3A_350, %get3A_351] {strides = array<i32>} : memref<80x128xbf16, #tpu.memory_space<vmem>>, vector<32xbf16>,
          %mul3A_353 = arith.mulf %get3A_349, %get3A_352 : vector<32xbf16>
          %add3A_354 = arith.addf %mul3A_171, %mul3A_353 : vector<32xbf16>
          %add3A_355 = arith.constant 0 : i32
          %add3A_356 = arith.addi %mul3A_95, %add3A_355 : i32
          %add3A_357 = arith.constant 7 : i32
          %add3A_358 = arith.addi %add3A_356, %add3A_357 : i32
          %get3A_359 = arith.index_cast %add3A_358 : i32 to index
          %get3A_360 = arith.constant 64 : index
          %get3A_361 = tpu.vector_load %arg8[%get3A_359, %get3A_360] {strides = array<i32>} : memref<80x128xbf16, #tpu.memory_space<vmem>>, vector<32xbf16>,
          %get3A_362 = arith.index_cast %add3A_358 : i32 to index
          %get3A_363 = arith.constant 64 : index
          %get3A_364 = tpu.vector_load %arg10[%get3A_362, %get3A_363] {strides = array<i32>} : memref<80x128xbf16, #tpu.memory_space<vmem>>, vector<32xbf16>,
          %mul3A_365 = arith.mulf %get3A_361, %get3A_364 : vector<32xbf16>
          %add3A_366 = arith.addf %mul3A_182, %mul3A_365 : vector<32xbf16>
          %add3A_367 = arith.constant 0 : i32
          %add3A_368 = arith.addi %mul3A_95, %add3A_367 : i32
          %add3A_369 = arith.constant 0 : i32
          %add3A_370 = arith.addi %add3A_368, %add3A_369 : i32
          %get3A_371 = arith.index_cast %add3A_370 : i32 to index
          %get3A_372 = arith.constant 96 : index
          %get3A_373 = tpu.vector_load %arg8[%get3A_371, %get3A_372] {strides = array<i32>} : memref<80x128xbf16, #tpu.memory_space<vmem>>, vector<32xbf16>,
          %get3A_374 = arith.index_cast %add3A_370 : i32 to index
          %get3A_375 = arith.constant 96 : index
          %get3A_376 = tpu.vector_load %arg10[%get3A_374, %get3A_375] {strides = array<i32>} : memref<80x128xbf16, #tpu.memory_space<vmem>>, vector<32xbf16>,
          %mul3A_377 = arith.mulf %get3A_373, %get3A_376 : vector<32xbf16>
          %add3A_378 = arith.addf %mul3A_193, %mul3A_377 : vector<32xbf16>
          %add3A_379 = arith.constant 0 : i32
          %add3A_380 = arith.addi %mul3A_95, %add3A_379 : i32
          %add3A_381 = arith.constant 1 : i32
          %add3A_382 = arith.addi %add3A_380, %add3A_381 : i32
          %get3A_383 = arith.index_cast %add3A_382 : i32 to index
          %get3A_384 = arith.constant 96 : index
          %get3A_385 = tpu.vector_load %arg8[%get3A_383, %get3A_384] {strides = array<i32>} : memref<80x128xbf16, #tpu.memory_space<vmem>>, vector<32xbf16>,
          %get3A_386 = arith.index_cast %add3A_382 : i32 to index
          %get3A_387 = arith.constant 96 : index
          %get3A_388 = tpu.vector_load %arg10[%get3A_386, %get3A_387] {strides = array<i32>} : memref<80x128xbf16, #tpu.memory_space<vmem>>, vector<32xbf16>,
          %mul3A_389 = arith.mulf %get3A_385, %get3A_388 : vector<32xbf16>
          %add3A_390 = arith.addf %mul3A_204, %mul3A_389 : vector<32xbf16>
          %add3A_391 = arith.constant 0 : i32
          %add3A_392 = arith.addi %mul3A_95, %add3A_391 : i32
          %add3A_393 = arith.constant 2 : i32
          %add3A_394 = arith.addi %add3A_392, %add3A_393 : i32
          %get3A_395 = arith.index_cast %add3A_394 : i32 to index
          %get3A_396 = arith.constant 96 : index
          %get3A_397 = tpu.vector_load %arg8[%get3A_395, %get3A_396] {strides = array<i32>} : memref<80x128xbf16, #tpu.memory_space<vmem>>, vector<32xbf16>,
          %get3A_398 = arith.index_cast %add3A_394 : i32 to index
          %get3A_399 = arith.constant 96 : index
          %get3A_400 = tpu.vector_load %arg10[%get3A_398, %get3A_399] {strides = array<i32>} : memref<80x128xbf16, #tpu.memory_space<vmem>>, vector<32xbf16>,
          %mul3A_401 = arith.mulf %get3A_397, %get3A_400 : vector<32xbf16>
          %add3A_402 = arith.addf %mul3A_215, %mul3A_401 : vector<32xbf16>
          %add3A_403 = arith.constant 0 : i32
          %add3A_404 = arith.addi %mul3A_95, %add3A_403 : i32
          %add3A_405 = arith.constant 3 : i32
          %add3A_406 = arith.addi %add3A_404, %add3A_405 : i32
          %get3A_407 = arith.index_cast %add3A_406 : i32 to index
          %get3A_408 = arith.constant 96 : index
          %get3A_409 = tpu.vector_load %arg8[%get3A_407, %get3A_408] {strides = array<i32>} : memref<80x128xbf16, #tpu.memory_space<vmem>>, vector<32xbf16>,
          %get3A_410 = arith.index_cast %add3A_406 : i32 to index
          %get3A_411 = arith.constant 96 : index
          %get3A_412 = tpu.vector_load %arg10[%get3A_410, %get3A_411] {strides = array<i32>} : memref<80x128xbf16, #tpu.memory_space<vmem>>, vector<32xbf16>,
          %mul3A_413 = arith.mulf %get3A_409, %get3A_412 : vector<32xbf16>
          %add3A_414 = arith.addf %mul3A_226, %mul3A_413 : vector<32xbf16>
          %add3A_415 = arith.constant 0 : i32
          %add3A_416 = arith.addi %mul3A_95, %add3A_415 : i32
          %add3A_417 = arith.constant 4 : i32
          %add3A_418 = arith.addi %add3A_416, %add3A_417 : i32
          %get3A_419 = arith.index_cast %add3A_418 : i32 to index
          %get3A_420 = arith.constant 96 : index
          %get3A_421 = tpu.vector_load %arg8[%get3A_419, %get3A_420] {strides = array<i32>} : memref<80x128xbf16, #tpu.memory_space<vmem>>, vector<32xbf16>,
          %get3A_422 = arith.index_cast %add3A_418 : i32 to index
          %get3A_423 = arith.constant 96 : index
          %get3A_424 = tpu.vector_load %arg10[%get3A_422, %get3A_423] {strides = array<i32>} : memref<80x128xbf16, #tpu.memory_space<vmem>>, vector<32xbf16>,
          %mul3A_425 = arith.mulf %get3A_421, %get3A_424 : vector<32xbf16>
          %add3A_426 = arith.addf %mul3A_237, %mul3A_425 : vector<32xbf16>
          %add3A_427 = arith.constant 0 : i32
          %add3A_428 = arith.addi %mul3A_95, %add3A_427 : i32
          %add3A_429 = arith.constant 5 : i32
          %add3A_430 = arith.addi %add3A_428, %add3A_429 : i32
          %get3A_431 = arith.index_cast %add3A_430 : i32 to index
          %get3A_432 = arith.constant 96 : index
          %get3A_433 = tpu.vector_load %arg8[%get3A_431, %get3A_432] {strides = array<i32>} : memref<80x128xbf16, #tpu.memory_space<vmem>>, vector<32xbf16>,
          %get3A_434 = arith.index_cast %add3A_430 : i32 to index
          %get3A_435 = arith.constant 96 : index
          %get3A_436 = tpu.vector_load %arg10[%get3A_434, %get3A_435] {strides = array<i32>} : memref<80x128xbf16, #tpu.memory_space<vmem>>, vector<32xbf16>,
          %mul3A_437 = arith.mulf %get3A_433, %get3A_436 : vector<32xbf16>
          %add3A_438 = arith.addf %mul3A_248, %mul3A_437 : vector<32xbf16>
          %add3A_439 = arith.constant 0 : i32
          %add3A_440 = arith.addi %mul3A_95, %add3A_439 : i32
          %add3A_441 = arith.constant 6 : i32
          %add3A_442 = arith.addi %add3A_440, %add3A_441 : i32
          %get3A_443 = arith.index_cast %add3A_442 : i32 to index
          %get3A_444 = arith.constant 96 : index
          %get3A_445 = tpu.vector_load %arg8[%get3A_443, %get3A_444] {strides = array<i32>} : memref<80x128xbf16, #tpu.memory_space<vmem>>, vector<32xbf16>,
          %get3A_446 = arith.index_cast %add3A_442 : i32 to index
          %get3A_447 = arith.constant 96 : index
          %get3A_448 = tpu.vector_load %arg10[%get3A_446, %get3A_447] {strides = array<i32>} : memref<80x128xbf16, #tpu.memory_space<vmem>>, vector<32xbf16>,
          %mul3A_449 = arith.mulf %get3A_445, %get3A_448 : vector<32xbf16>
          %add3A_450 = arith.addf %mul3A_259, %mul3A_449 : vector<32xbf16>
          %add3A_451 = arith.constant 0 : i32
          %add3A_452 = arith.addi %mul3A_95, %add3A_451 : i32
          %add3A_453 = arith.constant 7 : i32
          %add3A_454 = arith.addi %add3A_452, %add3A_453 : i32
          %get3A_455 = arith.index_cast %add3A_454 : i32 to index
          %get3A_456 = arith.constant 96 : index
          %get3A_457 = tpu.vector_load %arg8[%get3A_455, %get3A_456] {strides = array<i32>} : memref<80x128xbf16, #tpu.memory_space<vmem>>, vector<32xbf16>,
          %get3A_458 = arith.index_cast %add3A_454 : i32 to index
          %get3A_459 = arith.constant 96 : index
          %get3A_460 = tpu.vector_load %arg10[%get3A_458, %get3A_459] {strides = array<i32>} : memref<80x128xbf16, #tpu.memory_space<vmem>>, vector<32xbf16>,
          %mul3A_461 = arith.mulf %get3A_457, %get3A_460 : vector<32xbf16>
          %add3A_462 = arith.addf %mul3A_270, %mul3A_461 : vector<32xbf16>
          %add3A_463 = arith.addf %add3A_282, %add3A_378 : vector<32xbf16>
          %unpack3A = tpu.unpack_subelements %add3A_463, 0 {pack_format = #tpu.pack_format<interleaved>} : vector<32xbf16> -> vector<16xf32>
          %unpack3A_464 = tpu.unpack_subelements %add3A_463, 1 {pack_format = #tpu.pack_format<interleaved>} : vector<32xbf16> -> vector<16xf32>
          %add3A_465 = arith.addf %unpack3A, %unpack3A_464 : vector<16xf32>
          %add3A_466 = arith.constant 0 : i32
          %add3A_467 = arith.addi %mul3A_95, %add3A_466 : i32
          %add3A_468 = arith.constant 0 : i32
          %add3A_469 = arith.addi %add3A_467, %add3A_468 : i32
          %mul3A_470 = arith.constant 16 : i32
          %mul3A_471 = arith.muli %add3A_469, %mul3A_470 : i32
          %swap3A = arith.index_cast %mul3A_471 : i32 to index
          %swap3A_472 = tpu.vector_load %arg11[%swap3A] {strides = array<i32>} : memref<1280xf32, #tpu.memory_space<vmem>>, vector<16xf32>,
          tpu.vector_store %arg11[%swap3A], %add3A_465 {strides = array<i32>} : memref<1280xf32, #tpu.memory_space<vmem>>, vector<16xf32>,
          %add3A_473 = arith.addf %add3A_294, %add3A_390 : vector<32xbf16>
          %unpack3A_474 = tpu.unpack_subelements %add3A_473, 0 {pack_format = #tpu.pack_format<interleaved>} : vector<32xbf16> -> vector<16xf32>
          %unpack3A_475 = tpu.unpack_subelements %add3A_473, 1 {pack_format = #tpu.pack_format<interleaved>} : vector<32xbf16> -> vector<16xf32>
          %add3A_476 = arith.addf %unpack3A_474, %unpack3A_475 : vector<16xf32>
          %add3A_477 = arith.constant 0 : i32
          %add3A_478 = arith.addi %mul3A_95, %add3A_477 : i32
          %add3A_479 = arith.constant 1 : i32
          %add3A_480 = arith.addi %add3A_478, %add3A_479 : i32
          %mul3A_481 = arith.constant 16 : i32
          %mul3A_482 = arith.muli %add3A_480, %mul3A_481 : i32
          %swap3A_483 = arith.index_cast %mul3A_482 : i32 to index
          %swap3A_484 = tpu.vector_load %arg11[%swap3A_483] {strides = array<i32>} : memref<1280xf32, #tpu.memory_space<vmem>>, vector<16xf32>,
          tpu.vector_store %arg11[%swap3A_483], %add3A_476 {strides = array<i32>} : memref<1280xf32, #tpu.memory_space<vmem>>, vector<16xf32>,
          %add3A_485 = arith.addf %add3A_306, %add3A_402 : vector<32xbf16>
          %unpack3A_486 = tpu.unpack_subelements %add3A_485, 0 {pack_format = #tpu.pack_format<interleaved>} : vector<32xbf16> -> vector<16xf32>
          %unpack3A_487 = tpu.unpack_subelements %add3A_485, 1 {pack_format = #tpu.pack_format<interleaved>} : vector<32xbf16> -> vector<16xf32>
          %add3A_488 = arith.addf %unpack3A_486, %unpack3A_487 : vector<16xf32>
          %add3A_489 = arith.constant 0 : i32
          %add3A_490 = arith.addi %mul3A_95, %add3A_489 : i32
          %add3A_491 = arith.constant 2 : i32
          %add3A_492 = arith.addi %add3A_490, %add3A_491 : i32
          %mul3A_493 = arith.constant 16 : i32
          %mul3A_494 = arith.muli %add3A_492, %mul3A_493 : i32
          %swap3A_495 = arith.index_cast %mul3A_494 : i32 to index
          %swap3A_496 = tpu.vector_load %arg11[%swap3A_495] {strides = array<i32>} : memref<1280xf32, #tpu.memory_space<vmem>>, vector<16xf32>,
          tpu.vector_store %arg11[%swap3A_495], %add3A_488 {strides = array<i32>} : memref<1280xf32, #tpu.memory_space<vmem>>, vector<16xf32>,
          %add3A_497 = arith.addf %add3A_318, %add3A_414 : vector<32xbf16>
          %unpack3A_498 = tpu.unpack_subelements %add3A_497, 0 {pack_format = #tpu.pack_format<interleaved>} : vector<32xbf16> -> vector<16xf32>
          %unpack3A_499 = tpu.unpack_subelements %add3A_497, 1 {pack_format = #tpu.pack_format<interleaved>} : vector<32xbf16> -> vector<16xf32>
          %add3A_500 = arith.addf %unpack3A_498, %unpack3A_499 : vector<16xf32>
          %add3A_501 = arith.constant 0 : i32
          %add3A_502 = arith.addi %mul3A_95, %add3A_501 : i32
          %add3A_503 = arith.constant 3 : i32
          %add3A_504 = arith.addi %add3A_502, %add3A_503 : i32
          %mul3A_505 = arith.constant 16 : i32
          %mul3A_506 = arith.muli %add3A_504, %mul3A_505 : i32
          %swap3A_507 = arith.index_cast %mul3A_506 : i32 to index
          %swap3A_508 = tpu.vector_load %arg11[%swap3A_507] {strides = array<i32>} : memref<1280xf32, #tpu.memory_space<vmem>>, vector<16xf32>,
          tpu.vector_store %arg11[%swap3A_507], %add3A_500 {strides = array<i32>} : memref<1280xf32, #tpu.memory_space<vmem>>, vector<16xf32>,
          %add3A_509 = arith.addf %add3A_330, %add3A_426 : vector<32xbf16>
          %unpack3A_510 = tpu.unpack_subelements %add3A_509, 0 {pack_format = #tpu.pack_format<interleaved>} : vector<32xbf16> -> vector<16xf32>
          %unpack3A_511 = tpu.unpack_subelements %add3A_509, 1 {pack_format = #tpu.pack_format<interleaved>} : vector<32xbf16> -> vector<16xf32>
          %add3A_512 = arith.addf %unpack3A_510, %unpack3A_511 : vector<16xf32>
          %add3A_513 = arith.constant 0 : i32
          %add3A_514 = arith.addi %mul3A_95, %add3A_513 : i32
          %add3A_515 = arith.constant 4 : i32
          %add3A_516 = arith.addi %add3A_514, %add3A_515 : i32
          %mul3A_517 = arith.constant 16 : i32
          %mul3A_518 = arith.muli %add3A_516, %mul3A_517 : i32
          %swap3A_519 = arith.index_cast %mul3A_518 : i32 to index
          %swap3A_520 = tpu.vector_load %arg11[%swap3A_519] {strides = array<i32>} : memref<1280xf32, #tpu.memory_space<vmem>>, vector<16xf32>,
          tpu.vector_store %arg11[%swap3A_519], %add3A_512 {strides = array<i32>} : memref<1280xf32, #tpu.memory_space<vmem>>, vector<16xf32>,
          %add3A_521 = arith.addf %add3A_342, %add3A_438 : vector<32xbf16>
          %unpack3A_522 = tpu.unpack_subelements %add3A_521, 0 {pack_format = #tpu.pack_format<interleaved>} : vector<32xbf16> -> vector<16xf32>
          %unpack3A_523 = tpu.unpack_subelements %add3A_521, 1 {pack_format = #tpu.pack_format<interleaved>} : vector<32xbf16> -> vector<16xf32>
          %add3A_524 = arith.addf %unpack3A_522, %unpack3A_523 : vector<16xf32>
          %add3A_525 = arith.constant 0 : i32
          %add3A_526 = arith.addi %mul3A_95, %add3A_525 : i32
          %add3A_527 = arith.constant 5 : i32
          %add3A_528 = arith.addi %add3A_526, %add3A_527 : i32
          %mul3A_529 = arith.constant 16 : i32
          %mul3A_530 = arith.muli %add3A_528, %mul3A_529 : i32
          %swap3A_531 = arith.index_cast %mul3A_530 : i32 to index
          %swap3A_532 = tpu.vector_load %arg11[%swap3A_531] {strides = array<i32>} : memref<1280xf32, #tpu.memory_space<vmem>>, vector<16xf32>,
          tpu.vector_store %arg11[%swap3A_531], %add3A_524 {strides = array<i32>} : memref<1280xf32, #tpu.memory_space<vmem>>, vector<16xf32>,
          %add3A_533 = arith.addf %add3A_354, %add3A_450 : vector<32xbf16>
          %unpack3A_534 = tpu.unpack_subelements %add3A_533, 0 {pack_format = #tpu.pack_format<interleaved>} : vector<32xbf16> -> vector<16xf32>
          %unpack3A_535 = tpu.unpack_subelements %add3A_533, 1 {pack_format = #tpu.pack_format<interleaved>} : vector<32xbf16> -> vector<16xf32>
          %add3A_536 = arith.addf %unpack3A_534, %unpack3A_535 : vector<16xf32>
          %add3A_537 = arith.constant 0 : i32
          %add3A_538 = arith.addi %mul3A_95, %add3A_537 : i32
          %add3A_539 = arith.constant 6 : i32
          %add3A_540 = arith.addi %add3A_538, %add3A_539 : i32
          %mul3A_541 = arith.constant 16 : i32
          %mul3A_542 = arith.muli %add3A_540, %mul3A_541 : i32
          %swap3A_543 = arith.index_cast %mul3A_542 : i32 to index
          %swap3A_544 = tpu.vector_load %arg11[%swap3A_543] {strides = array<i32>} : memref<1280xf32, #tpu.memory_space<vmem>>, vector<16xf32>,
          tpu.vector_store %arg11[%swap3A_543], %add3A_536 {strides = array<i32>} : memref<1280xf32, #tpu.memory_space<vmem>>, vector<16xf32>,
          %add3A_545 = arith.addf %add3A_366, %add3A_462 : vector<32xbf16>
          %unpack3A_546 = tpu.unpack_subelements %add3A_545, 0 {pack_format = #tpu.pack_format<interleaved>} : vector<32xbf16> -> vector<16xf32>
          %unpack3A_547 = tpu.unpack_subelements %add3A_545, 1 {pack_format = #tpu.pack_format<interleaved>} : vector<32xbf16> -> vector<16xf32>
          %add3A_548 = arith.addf %unpack3A_546, %unpack3A_547 : vector<16xf32>
          %add3A_549 = arith.constant 0 : i32
          %add3A_550 = arith.addi %mul3A_95, %add3A_549 : i32
          %add3A_551 = arith.constant 7 : i32
          %add3A_552 = arith.addi %add3A_550, %add3A_551 : i32
          %mul3A_553 = arith.constant 16 : i32
          %mul3A_554 = arith.muli %add3A_552, %mul3A_553 : i32
          %swap3A_555 = arith.index_cast %mul3A_554 : i32 to index
          %swap3A_556 = tpu.vector_load %arg11[%swap3A_555] {strides = array<i32>} : memref<1280xf32, #tpu.memory_space<vmem>>, vector<16xf32>,
          tpu.vector_store %arg11[%swap3A_555], %add3A_548 {strides = array<i32>} : memref<1280xf32, #tpu.memory_space<vmem>>, vector<16xf32>,
          %add3A_557 = arith.constant 8 : i32
          %add3A_558 = arith.addi %mul3A_95, %add3A_557 : i32
          %add3A_559 = arith.constant 0 : i32
          %add3A_560 = arith.addi %add3A_558, %add3A_559 : i32
          %get3A_561 = arith.index_cast %add3A_560 : i32 to index
          %get3A_562 = arith.constant 0 : index
          %get3A_563 = tpu.vector_load %arg8[%get3A_561, %get3A_562] {strides = array<i32>} : memref<80x128xbf16, #tpu.memory_space<vmem>>, vector<32xbf16>,
          %get3A_564 = arith.index_cast %add3A_560 : i32 to index
          %get3A_565 = arith.constant 0 : index
          %get3A_566 = tpu.vector_load %arg10[%get3A_564, %get3A_565] {strides = array<i32>} : memref<80x128xbf16, #tpu.memory_space<vmem>>, vector<32xbf16>,
          %mul3A_567 = arith.mulf %get3A_563, %get3A_566 : vector<32xbf16>
          %add3A_568 = arith.constant 8 : i32
          %add3A_569 = arith.addi %mul3A_95, %add3A_568 : i32
          %add3A_570 = arith.constant 1 : i32
          %add3A_571 = arith.addi %add3A_569, %add3A_570 : i32
          %get3A_572 = arith.index_cast %add3A_571 : i32 to index
          %get3A_573 = arith.constant 0 : index
          %get3A_574 = tpu.vector_load %arg8[%get3A_572, %get3A_573] {strides = array<i32>} : memref<80x128xbf16, #tpu.memory_space<vmem>>, vector<32xbf16>,
          %get3A_575 = arith.index_cast %add3A_571 : i32 to index
          %get3A_576 = arith.constant 0 : index
          %get3A_577 = tpu.vector_load %arg10[%get3A_575, %get3A_576] {strides = array<i32>} : memref<80x128xbf16, #tpu.memory_space<vmem>>, vector<32xbf16>,
          %mul3A_578 = arith.mulf %get3A_574, %get3A_577 : vector<32xbf16>
          %add3A_579 = arith.constant 8 : i32
          %add3A_580 = arith.addi %mul3A_95, %add3A_579 : i32
          %add3A_581 = arith.constant 2 : i32
          %add3A_582 = arith.addi %add3A_580, %add3A_581 : i32
          %get3A_583 = arith.index_cast %add3A_582 : i32 to index
          %get3A_584 = arith.constant 0 : index
          %get3A_585 = tpu.vector_load %arg8[%get3A_583, %get3A_584] {strides = array<i32>} : memref<80x128xbf16, #tpu.memory_space<vmem>>, vector<32xbf16>,
          %get3A_586 = arith.index_cast %add3A_582 : i32 to index
          %get3A_587 = arith.constant 0 : index
          %get3A_588 = tpu.vector_load %arg10[%get3A_586, %get3A_587] {strides = array<i32>} : memref<80x128xbf16, #tpu.memory_space<vmem>>, vector<32xbf16>,
          %mul3A_589 = arith.mulf %get3A_585, %get3A_588 : vector<32xbf16>
          %add3A_590 = arith.constant 8 : i32
          %add3A_591 = arith.addi %mul3A_95, %add3A_590 : i32
          %add3A_592 = arith.constant 3 : i32
          %add3A_593 = arith.addi %add3A_591, %add3A_592 : i32
          %get3A_594 = arith.index_cast %add3A_593 : i32 to index
          %get3A_595 = arith.constant 0 : index
          %get3A_596 = tpu.vector_load %arg8[%get3A_594, %get3A_595] {strides = array<i32>} : memref<80x128xbf16, #tpu.memory_space<vmem>>, vector<32xbf16>,
          %get3A_597 = arith.index_cast %add3A_593 : i32 to index
          %get3A_598 = arith.constant 0 : index
          %get3A_599 = tpu.vector_load %arg10[%get3A_597, %get3A_598] {strides = array<i32>} : memref<80x128xbf16, #tpu.memory_space<vmem>>, vector<32xbf16>,
          %mul3A_600 = arith.mulf %get3A_596, %get3A_599 : vector<32xbf16>
          %add3A_601 = arith.constant 8 : i32
          %add3A_602 = arith.addi %mul3A_95, %add3A_601 : i32
          %add3A_603 = arith.constant 4 : i32
          %add3A_604 = arith.addi %add3A_602, %add3A_603 : i32
          %get3A_605 = arith.index_cast %add3A_604 : i32 to index
          %get3A_606 = arith.constant 0 : index
          %get3A_607 = tpu.vector_load %arg8[%get3A_605, %get3A_606] {strides = array<i32>} : memref<80x128xbf16, #tpu.memory_space<vmem>>, vector<32xbf16>,
          %get3A_608 = arith.index_cast %add3A_604 : i32 to index
          %get3A_609 = arith.constant 0 : index
          %get3A_610 = tpu.vector_load %arg10[%get3A_608, %get3A_609] {strides = array<i32>} : memref<80x128xbf16, #tpu.memory_space<vmem>>, vector<32xbf16>,
          %mul3A_611 = arith.mulf %get3A_607, %get3A_610 : vector<32xbf16>
          %add3A_612 = arith.constant 8 : i32
          %add3A_613 = arith.addi %mul3A_95, %add3A_612 : i32
          %add3A_614 = arith.constant 5 : i32
          %add3A_615 = arith.addi %add3A_613, %add3A_614 : i32
          %get3A_616 = arith.index_cast %add3A_615 : i32 to index
          %get3A_617 = arith.constant 0 : index
          %get3A_618 = tpu.vector_load %arg8[%get3A_616, %get3A_617] {strides = array<i32>} : memref<80x128xbf16, #tpu.memory_space<vmem>>, vector<32xbf16>,
          %get3A_619 = arith.index_cast %add3A_615 : i32 to index
          %get3A_620 = arith.constant 0 : index
          %get3A_621 = tpu.vector_load %arg10[%get3A_619, %get3A_620] {strides = array<i32>} : memref<80x128xbf16, #tpu.memory_space<vmem>>, vector<32xbf16>,
          %mul3A_622 = arith.mulf %get3A_618, %get3A_621 : vector<32xbf16>
          %add3A_623 = arith.constant 8 : i32
          %add3A_624 = arith.addi %mul3A_95, %add3A_623 : i32
          %add3A_625 = arith.constant 6 : i32
          %add3A_626 = arith.addi %add3A_624, %add3A_625 : i32
          %get3A_627 = arith.index_cast %add3A_626 : i32 to index
          %get3A_628 = arith.constant 0 : index
          %get3A_629 = tpu.vector_load %arg8[%get3A_627, %get3A_628] {strides = array<i32>} : memref<80x128xbf16, #tpu.memory_space<vmem>>, vector<32xbf16>,
          %get3A_630 = arith.index_cast %add3A_626 : i32 to index
          %get3A_631 = arith.constant 0 : index
          %get3A_632 = tpu.vector_load %arg10[%get3A_630, %get3A_631] {strides = array<i32>} : memref<80x128xbf16, #tpu.memory_space<vmem>>, vector<32xbf16>,
          %mul3A_633 = arith.mulf %get3A_629, %get3A_632 : vector<32xbf16>
          %add3A_634 = arith.constant 8 : i32
          %add3A_635 = arith.addi %mul3A_95, %add3A_634 : i32
          %add3A_636 = arith.constant 7 : i32
          %add3A_637 = arith.addi %add3A_635, %add3A_636 : i32
          %get3A_638 = arith.index_cast %add3A_637 : i32 to index
          %get3A_639 = arith.constant 0 : index
          %get3A_640 = tpu.vector_load %arg8[%get3A_638, %get3A_639] {strides = array<i32>} : memref<80x128xbf16, #tpu.memory_space<vmem>>, vector<32xbf16>,
          %get3A_641 = arith.index_cast %add3A_637 : i32 to index
          %get3A_642 = arith.constant 0 : index
          %get3A_643 = tpu.vector_load %arg10[%get3A_641, %get3A_642] {strides = array<i32>} : memref<80x128xbf16, #tpu.memory_space<vmem>>, vector<32xbf16>,
          %mul3A_644 = arith.mulf %get3A_640, %get3A_643 : vector<32xbf16>
          %add3A_645 = arith.constant 8 : i32
          %add3A_646 = arith.addi %mul3A_95, %add3A_645 : i32
          %add3A_647 = arith.constant 0 : i32
          %add3A_648 = arith.addi %add3A_646, %add3A_647 : i32
          %get3A_649 = arith.index_cast %add3A_648 : i32 to index
          %get3A_650 = arith.constant 32 : index
          %get3A_651 = tpu.vector_load %arg8[%get3A_649, %get3A_650] {strides = array<i32>} : memref<80x128xbf16, #tpu.memory_space<vmem>>, vector<32xbf16>,
          %get3A_652 = arith.index_cast %add3A_648 : i32 to index
          %get3A_653 = arith.constant 32 : index
          %get3A_654 = tpu.vector_load %arg10[%get3A_652, %get3A_653] {strides = array<i32>} : memref<80x128xbf16, #tpu.memory_space<vmem>>, vector<32xbf16>,
          %mul3A_655 = arith.mulf %get3A_651, %get3A_654 : vector<32xbf16>
          %add3A_656 = arith.constant 8 : i32
          %add3A_657 = arith.addi %mul3A_95, %add3A_656 : i32
          %add3A_658 = arith.constant 1 : i32
          %add3A_659 = arith.addi %add3A_657, %add3A_658 : i32
          %get3A_660 = arith.index_cast %add3A_659 : i32 to index
          %get3A_661 = arith.constant 32 : index
          %get3A_662 = tpu.vector_load %arg8[%get3A_660, %get3A_661] {strides = array<i32>} : memref<80x128xbf16, #tpu.memory_space<vmem>>, vector<32xbf16>,
          %get3A_663 = arith.index_cast %add3A_659 : i32 to index
          %get3A_664 = arith.constant 32 : index
          %get3A_665 = tpu.vector_load %arg10[%get3A_663, %get3A_664] {strides = array<i32>} : memref<80x128xbf16, #tpu.memory_space<vmem>>, vector<32xbf16>,
          %mul3A_666 = arith.mulf %get3A_662, %get3A_665 : vector<32xbf16>
          %add3A_667 = arith.constant 8 : i32
          %add3A_668 = arith.addi %mul3A_95, %add3A_667 : i32
          %add3A_669 = arith.constant 2 : i32
          %add3A_670 = arith.addi %add3A_668, %add3A_669 : i32
          %get3A_671 = arith.index_cast %add3A_670 : i32 to index
          %get3A_672 = arith.constant 32 : index
          %get3A_673 = tpu.vector_load %arg8[%get3A_671, %get3A_672] {strides = array<i32>} : memref<80x128xbf16, #tpu.memory_space<vmem>>, vector<32xbf16>,
          %get3A_674 = arith.index_cast %add3A_670 : i32 to index
          %get3A_675 = arith.constant 32 : index
          %get3A_676 = tpu.vector_load %arg10[%get3A_674, %get3A_675] {strides = array<i32>} : memref<80x128xbf16, #tpu.memory_space<vmem>>, vector<32xbf16>,
          %mul3A_677 = arith.mulf %get3A_673, %get3A_676 : vector<32xbf16>
          %add3A_678 = arith.constant 8 : i32
          %add3A_679 = arith.addi %mul3A_95, %add3A_678 : i32
          %add3A_680 = arith.constant 3 : i32
          %add3A_681 = arith.addi %add3A_679, %add3A_680 : i32
          %get3A_682 = arith.index_cast %add3A_681 : i32 to index
          %get3A_683 = arith.constant 32 : index
          %get3A_684 = tpu.vector_load %arg8[%get3A_682, %get3A_683] {strides = array<i32>} : memref<80x128xbf16, #tpu.memory_space<vmem>>, vector<32xbf16>,
          %get3A_685 = arith.index_cast %add3A_681 : i32 to index
          %get3A_686 = arith.constant 32 : index
          %get3A_687 = tpu.vector_load %arg10[%get3A_685, %get3A_686] {strides = array<i32>} : memref<80x128xbf16, #tpu.memory_space<vmem>>, vector<32xbf16>,
          %mul3A_688 = arith.mulf %get3A_684, %get3A_687 : vector<32xbf16>
          %add3A_689 = arith.constant 8 : i32
          %add3A_690 = arith.addi %mul3A_95, %add3A_689 : i32
          %add3A_691 = arith.constant 4 : i32
          %add3A_692 = arith.addi %add3A_690, %add3A_691 : i32
          %get3A_693 = arith.index_cast %add3A_692 : i32 to index
          %get3A_694 = arith.constant 32 : index
          %get3A_695 = tpu.vector_load %arg8[%get3A_693, %get3A_694] {strides = array<i32>} : memref<80x128xbf16, #tpu.memory_space<vmem>>, vector<32xbf16>,
          %get3A_696 = arith.index_cast %add3A_692 : i32 to index
          %get3A_697 = arith.constant 32 : index
          %get3A_698 = tpu.vector_load %arg10[%get3A_696, %get3A_697] {strides = array<i32>} : memref<80x128xbf16, #tpu.memory_space<vmem>>, vector<32xbf16>,
          %mul3A_699 = arith.mulf %get3A_695, %get3A_698 : vector<32xbf16>
          %add3A_700 = arith.constant 8 : i32
          %add3A_701 = arith.addi %mul3A_95, %add3A_700 : i32
          %add3A_702 = arith.constant 5 : i32
          %add3A_703 = arith.addi %add3A_701, %add3A_702 : i32
          %get3A_704 = arith.index_cast %add3A_703 : i32 to index
          %get3A_705 = arith.constant 32 : index
          %get3A_706 = tpu.vector_load %arg8[%get3A_704, %get3A_705] {strides = array<i32>} : memref<80x128xbf16, #tpu.memory_space<vmem>>, vector<32xbf16>,
          %get3A_707 = arith.index_cast %add3A_703 : i32 to index
          %get3A_708 = arith.constant 32 : index
          %get3A_709 = tpu.vector_load %arg10[%get3A_707, %get3A_708] {strides = array<i32>} : memref<80x128xbf16, #tpu.memory_space<vmem>>, vector<32xbf16>,
          %mul3A_710 = arith.mulf %get3A_706, %get3A_709 : vector<32xbf16>
          %add3A_711 = arith.constant 8 : i32
          %add3A_712 = arith.addi %mul3A_95, %add3A_711 : i32
          %add3A_713 = arith.constant 6 : i32
          %add3A_714 = arith.addi %add3A_712, %add3A_713 : i32
          %get3A_715 = arith.index_cast %add3A_714 : i32 to index
          %get3A_716 = arith.constant 32 : index
          %get3A_717 = tpu.vector_load %arg8[%get3A_715, %get3A_716] {strides = array<i32>} : memref<80x128xbf16, #tpu.memory_space<vmem>>, vector<32xbf16>,
          %get3A_718 = arith.index_cast %add3A_714 : i32 to index
          %get3A_719 = arith.constant 32 : index
          %get3A_720 = tpu.vector_load %arg10[%get3A_718, %get3A_719] {strides = array<i32>} : memref<80x128xbf16, #tpu.memory_space<vmem>>, vector<32xbf16>,
          %mul3A_721 = arith.mulf %get3A_717, %get3A_720 : vector<32xbf16>
          %add3A_722 = arith.constant 8 : i32
          %add3A_723 = arith.addi %mul3A_95, %add3A_722 : i32
          %add3A_724 = arith.constant 7 : i32
          %add3A_725 = arith.addi %add3A_723, %add3A_724 : i32
          %get3A_726 = arith.index_cast %add3A_725 : i32 to index
          %get3A_727 = arith.constant 32 : index
          %get3A_728 = tpu.vector_load %arg8[%get3A_726, %get3A_727] {strides = array<i32>} : memref<80x128xbf16, #tpu.memory_space<vmem>>, vector<32xbf16>,
          %get3A_729 = arith.index_cast %add3A_725 : i32 to index
          %get3A_730 = arith.constant 32 : index
          %get3A_731 = tpu.vector_load %arg10[%get3A_729, %get3A_730] {strides = array<i32>} : memref<80x128xbf16, #tpu.memory_space<vmem>>, vector<32xbf16>,
          %mul3A_732 = arith.mulf %get3A_728, %get3A_731 : vector<32xbf16>
          %add3A_733 = arith.constant 8 : i32
          %add3A_734 = arith.addi %mul3A_95, %add3A_733 : i32
          %add3A_735 = arith.constant 0 : i32
          %add3A_736 = arith.addi %add3A_734, %add3A_735 : i32
          %get3A_737 = arith.index_cast %add3A_736 : i32 to index
          %get3A_738 = arith.constant 64 : index
          %get3A_739 = tpu.vector_load %arg8[%get3A_737, %get3A_738] {strides = array<i32>} : memref<80x128xbf16, #tpu.memory_space<vmem>>, vector<32xbf16>,
          %get3A_740 = arith.index_cast %add3A_736 : i32 to index
          %get3A_741 = arith.constant 64 : index
          %get3A_742 = tpu.vector_load %arg10[%get3A_740, %get3A_741] {strides = array<i32>} : memref<80x128xbf16, #tpu.memory_space<vmem>>, vector<32xbf16>,
          %mul3A_743 = arith.mulf %get3A_739, %get3A_742 : vector<32xbf16>
          %add3A_744 = arith.addf %mul3A_567, %mul3A_743 : vector<32xbf16>
          %add3A_745 = arith.constant 8 : i32
          %add3A_746 = arith.addi %mul3A_95, %add3A_745 : i32
          %add3A_747 = arith.constant 1 : i32
          %add3A_748 = arith.addi %add3A_746, %add3A_747 : i32
          %get3A_749 = arith.index_cast %add3A_748 : i32 to index
          %get3A_750 = arith.constant 64 : index
          %get3A_751 = tpu.vector_load %arg8[%get3A_749, %get3A_750] {strides = array<i32>} : memref<80x128xbf16, #tpu.memory_space<vmem>>, vector<32xbf16>,
          %get3A_752 = arith.index_cast %add3A_748 : i32 to index
          %get3A_753 = arith.constant 64 : index
          %get3A_754 = tpu.vector_load %arg10[%get3A_752, %get3A_753] {strides = array<i32>} : memref<80x128xbf16, #tpu.memory_space<vmem>>, vector<32xbf16>,
          %mul3A_755 = arith.mulf %get3A_751, %get3A_754 : vector<32xbf16>
          %add3A_756 = arith.addf %mul3A_578, %mul3A_755 : vector<32xbf16>
          %add3A_757 = arith.constant 8 : i32
          %add3A_758 = arith.addi %mul3A_95, %add3A_757 : i32
          %add3A_759 = arith.constant 2 : i32
          %add3A_760 = arith.addi %add3A_758, %add3A_759 : i32
          %get3A_761 = arith.index_cast %add3A_760 : i32 to index
          %get3A_762 = arith.constant 64 : index
          %get3A_763 = tpu.vector_load %arg8[%get3A_761, %get3A_762] {strides = array<i32>} : memref<80x128xbf16, #tpu.memory_space<vmem>>, vector<32xbf16>,
          %get3A_764 = arith.index_cast %add3A_760 : i32 to index
          %get3A_765 = arith.constant 64 : index
          %get3A_766 = tpu.vector_load %arg10[%get3A_764, %get3A_765] {strides = array<i32>} : memref<80x128xbf16, #tpu.memory_space<vmem>>, vector<32xbf16>,
          %mul3A_767 = arith.mulf %get3A_763, %get3A_766 : vector<32xbf16>
          %add3A_768 = arith.addf %mul3A_589, %mul3A_767 : vector<32xbf16>
          %add3A_769 = arith.constant 8 : i32
          %add3A_770 = arith.addi %mul3A_95, %add3A_769 : i32
          %add3A_771 = arith.constant 3 : i32
          %add3A_772 = arith.addi %add3A_770, %add3A_771 : i32
          %get3A_773 = arith.index_cast %add3A_772 : i32 to index
          %get3A_774 = arith.constant 64 : index
          %get3A_775 = tpu.vector_load %arg8[%get3A_773, %get3A_774] {strides = array<i32>} : memref<80x128xbf16, #tpu.memory_space<vmem>>, vector<32xbf16>,
          %get3A_776 = arith.index_cast %add3A_772 : i32 to index
          %get3A_777 = arith.constant 64 : index
          %get3A_778 = tpu.vector_load %arg10[%get3A_776, %get3A_777] {strides = array<i32>} : memref<80x128xbf16, #tpu.memory_space<vmem>>, vector<32xbf16>,
          %mul3A_779 = arith.mulf %get3A_775, %get3A_778 : vector<32xbf16>
          %add3A_780 = arith.addf %mul3A_600, %mul3A_779 : vector<32xbf16>
          %add3A_781 = arith.constant 8 : i32
          %add3A_782 = arith.addi %mul3A_95, %add3A_781 : i32
          %add3A_783 = arith.constant 4 : i32
          %add3A_784 = arith.addi %add3A_782, %add3A_783 : i32
          %get3A_785 = arith.index_cast %add3A_784 : i32 to index
          %get3A_786 = arith.constant 64 : index
          %get3A_787 = tpu.vector_load %arg8[%get3A_785, %get3A_786] {strides = array<i32>} : memref<80x128xbf16, #tpu.memory_space<vmem>>, vector<32xbf16>,
          %get3A_788 = arith.index_cast %add3A_784 : i32 to index
          %get3A_789 = arith.constant 64 : index
          %get3A_790 = tpu.vector_load %arg10[%get3A_788, %get3A_789] {strides = array<i32>} : memref<80x128xbf16, #tpu.memory_space<vmem>>, vector<32xbf16>,
          %mul3A_791 = arith.mulf %get3A_787, %get3A_790 : vector<32xbf16>
          %add3A_792 = arith.addf %mul3A_611, %mul3A_791 : vector<32xbf16>
          %add3A_793 = arith.constant 8 : i32
          %add3A_794 = arith.addi %mul3A_95, %add3A_793 : i32
          %add3A_795 = arith.constant 5 : i32
          %add3A_796 = arith.addi %add3A_794, %add3A_795 : i32
          %get3A_797 = arith.index_cast %add3A_796 : i32 to index
          %get3A_798 = arith.constant 64 : index
          %get3A_799 = tpu.vector_load %arg8[%get3A_797, %get3A_798] {strides = array<i32>} : memref<80x128xbf16, #tpu.memory_space<vmem>>, vector<32xbf16>,
          %get3A_800 = arith.index_cast %add3A_796 : i32 to index
          %get3A_801 = arith.constant 64 : index
          %get3A_802 = tpu.vector_load %arg10[%get3A_800, %get3A_801] {strides = array<i32>} : memref<80x128xbf16, #tpu.memory_space<vmem>>, vector<32xbf16>,
          %mul3A_803 = arith.mulf %get3A_799, %get3A_802 : vector<32xbf16>
          %add3A_804 = arith.addf %mul3A_622, %mul3A_803 : vector<32xbf16>
          %add3A_805 = arith.constant 8 : i32
          %add3A_806 = arith.addi %mul3A_95, %add3A_805 : i32
          %add3A_807 = arith.constant 6 : i32
          %add3A_808 = arith.addi %add3A_806, %add3A_807 : i32
          %get3A_809 = arith.index_cast %add3A_808 : i32 to index
          %get3A_810 = arith.constant 64 : index
          %get3A_811 = tpu.vector_load %arg8[%get3A_809, %get3A_810] {strides = array<i32>} : memref<80x128xbf16, #tpu.memory_space<vmem>>, vector<32xbf16>,
          %get3A_812 = arith.index_cast %add3A_808 : i32 to index
          %get3A_813 = arith.constant 64 : index
          %get3A_814 = tpu.vector_load %arg10[%get3A_812, %get3A_813] {strides = array<i32>} : memref<80x128xbf16, #tpu.memory_space<vmem>>, vector<32xbf16>,
          %mul3A_815 = arith.mulf %get3A_811, %get3A_814 : vector<32xbf16>
          %add3A_816 = arith.addf %mul3A_633, %mul3A_815 : vector<32xbf16>
          %add3A_817 = arith.constant 8 : i32
          %add3A_818 = arith.addi %mul3A_95, %add3A_817 : i32
          %add3A_819 = arith.constant 7 : i32
          %add3A_820 = arith.addi %add3A_818, %add3A_819 : i32
          %get3A_821 = arith.index_cast %add3A_820 : i32 to index
          %get3A_822 = arith.constant 64 : index
          %get3A_823 = tpu.vector_load %arg8[%get3A_821, %get3A_822] {strides = array<i32>} : memref<80x128xbf16, #tpu.memory_space<vmem>>, vector<32xbf16>,
          %get3A_824 = arith.index_cast %add3A_820 : i32 to index
          %get3A_825 = arith.constant 64 : index
          %get3A_826 = tpu.vector_load %arg10[%get3A_824, %get3A_825] {strides = array<i32>} : memref<80x128xbf16, #tpu.memory_space<vmem>>, vector<32xbf16>,
          %mul3A_827 = arith.mulf %get3A_823, %get3A_826 : vector<32xbf16>
          %add3A_828 = arith.addf %mul3A_644, %mul3A_827 : vector<32xbf16>
          %add3A_829 = arith.constant 8 : i32
          %add3A_830 = arith.addi %mul3A_95, %add3A_829 : i32
          %add3A_831 = arith.constant 0 : i32
          %add3A_832 = arith.addi %add3A_830, %add3A_831 : i32
          %get3A_833 = arith.index_cast %add3A_832 : i32 to index
          %get3A_834 = arith.constant 96 : index
          %get3A_835 = tpu.vector_load %arg8[%get3A_833, %get3A_834] {strides = array<i32>} : memref<80x128xbf16, #tpu.memory_space<vmem>>, vector<32xbf16>,
          %get3A_836 = arith.index_cast %add3A_832 : i32 to index
          %get3A_837 = arith.constant 96 : index
          %get3A_838 = tpu.vector_load %arg10[%get3A_836, %get3A_837] {strides = array<i32>} : memref<80x128xbf16, #tpu.memory_space<vmem>>, vector<32xbf16>,
          %mul3A_839 = arith.mulf %get3A_835, %get3A_838 : vector<32xbf16>
          %add3A_840 = arith.addf %mul3A_655, %mul3A_839 : vector<32xbf16>
          %add3A_841 = arith.constant 8 : i32
          %add3A_842 = arith.addi %mul3A_95, %add3A_841 : i32
          %add3A_843 = arith.constant 1 : i32
          %add3A_844 = arith.addi %add3A_842, %add3A_843 : i32
          %get3A_845 = arith.index_cast %add3A_844 : i32 to index
          %get3A_846 = arith.constant 96 : index
          %get3A_847 = tpu.vector_load %arg8[%get3A_845, %get3A_846] {strides = array<i32>} : memref<80x128xbf16, #tpu.memory_space<vmem>>, vector<32xbf16>,
          %get3A_848 = arith.index_cast %add3A_844 : i32 to index
          %get3A_849 = arith.constant 96 : index
          %get3A_850 = tpu.vector_load %arg10[%get3A_848, %get3A_849] {strides = array<i32>} : memref<80x128xbf16, #tpu.memory_space<vmem>>, vector<32xbf16>,
          %mul3A_851 = arith.mulf %get3A_847, %get3A_850 : vector<32xbf16>
          %add3A_852 = arith.addf %mul3A_666, %mul3A_851 : vector<32xbf16>
          %add3A_853 = arith.constant 8 : i32
          %add3A_854 = arith.addi %mul3A_95, %add3A_853 : i32
          %add3A_855 = arith.constant 2 : i32
          %add3A_856 = arith.addi %add3A_854, %add3A_855 : i32
          %get3A_857 = arith.index_cast %add3A_856 : i32 to index
          %get3A_858 = arith.constant 96 : index
          %get3A_859 = tpu.vector_load %arg8[%get3A_857, %get3A_858] {strides = array<i32>} : memref<80x128xbf16, #tpu.memory_space<vmem>>, vector<32xbf16>,
          %get3A_860 = arith.index_cast %add3A_856 : i32 to index
          %get3A_861 = arith.constant 96 : index
          %get3A_862 = tpu.vector_load %arg10[%get3A_860, %get3A_861] {strides = array<i32>} : memref<80x128xbf16, #tpu.memory_space<vmem>>, vector<32xbf16>,
          %mul3A_863 = arith.mulf %get3A_859, %get3A_862 : vector<32xbf16>
          %add3A_864 = arith.addf %mul3A_677, %mul3A_863 : vector<32xbf16>
          %add3A_865 = arith.constant 8 : i32
          %add3A_866 = arith.addi %mul3A_95, %add3A_865 : i32
          %add3A_867 = arith.constant 3 : i32
          %add3A_868 = arith.addi %add3A_866, %add3A_867 : i32
          %get3A_869 = arith.index_cast %add3A_868 : i32 to index
          %get3A_870 = arith.constant 96 : index
          %get3A_871 = tpu.vector_load %arg8[%get3A_869, %get3A_870] {strides = array<i32>} : memref<80x128xbf16, #tpu.memory_space<vmem>>, vector<32xbf16>,
          %get3A_872 = arith.index_cast %add3A_868 : i32 to index
          %get3A_873 = arith.constant 96 : index
          %get3A_874 = tpu.vector_load %arg10[%get3A_872, %get3A_873] {strides = array<i32>} : memref<80x128xbf16, #tpu.memory_space<vmem>>, vector<32xbf16>,
          %mul3A_875 = arith.mulf %get3A_871, %get3A_874 : vector<32xbf16>
          %add3A_876 = arith.addf %mul3A_688, %mul3A_875 : vector<32xbf16>
          %add3A_877 = arith.constant 8 : i32
          %add3A_878 = arith.addi %mul3A_95, %add3A_877 : i32
          %add3A_879 = arith.constant 4 : i32
          %add3A_880 = arith.addi %add3A_878, %add3A_879 : i32
          %get3A_881 = arith.index_cast %add3A_880 : i32 to index
          %get3A_882 = arith.constant 96 : index
          %get3A_883 = tpu.vector_load %arg8[%get3A_881, %get3A_882] {strides = array<i32>} : memref<80x128xbf16, #tpu.memory_space<vmem>>, vector<32xbf16>,
          %get3A_884 = arith.index_cast %add3A_880 : i32 to index
          %get3A_885 = arith.constant 96 : index
          %get3A_886 = tpu.vector_load %arg10[%get3A_884, %get3A_885] {strides = array<i32>} : memref<80x128xbf16, #tpu.memory_space<vmem>>, vector<32xbf16>,
          %mul3A_887 = arith.mulf %get3A_883, %get3A_886 : vector<32xbf16>
          %add3A_888 = arith.addf %mul3A_699, %mul3A_887 : vector<32xbf16>
          %add3A_889 = arith.constant 8 : i32
          %add3A_890 = arith.addi %mul3A_95, %add3A_889 : i32
          %add3A_891 = arith.constant 5 : i32
          %add3A_892 = arith.addi %add3A_890, %add3A_891 : i32
          %get3A_893 = arith.index_cast %add3A_892 : i32 to index
          %get3A_894 = arith.constant 96 : index
          %get3A_895 = tpu.vector_load %arg8[%get3A_893, %get3A_894] {strides = array<i32>} : memref<80x128xbf16, #tpu.memory_space<vmem>>, vector<32xbf16>,
          %get3A_896 = arith.index_cast %add3A_892 : i32 to index
          %get3A_897 = arith.constant 96 : index
          %get3A_898 = tpu.vector_load %arg10[%get3A_896, %get3A_897] {strides = array<i32>} : memref<80x128xbf16, #tpu.memory_space<vmem>>, vector<32xbf16>,
          %mul3A_899 = arith.mulf %get3A_895, %get3A_898 : vector<32xbf16>
          %add3A_900 = arith.addf %mul3A_710, %mul3A_899 : vector<32xbf16>
          %add3A_901 = arith.constant 8 : i32
          %add3A_902 = arith.addi %mul3A_95, %add3A_901 : i32
          %add3A_903 = arith.constant 6 : i32
          %add3A_904 = arith.addi %add3A_902, %add3A_903 : i32
          %get3A_905 = arith.index_cast %add3A_904 : i32 to index
          %get3A_906 = arith.constant 96 : index
          %get3A_907 = tpu.vector_load %arg8[%get3A_905, %get3A_906] {strides = array<i32>} : memref<80x128xbf16, #tpu.memory_space<vmem>>, vector<32xbf16>,
          %get3A_908 = arith.index_cast %add3A_904 : i32 to index
          %get3A_909 = arith.constant 96 : index
          %get3A_910 = tpu.vector_load %arg10[%get3A_908, %get3A_909] {strides = array<i32>} : memref<80x128xbf16, #tpu.memory_space<vmem>>, vector<32xbf16>,
          %mul3A_911 = arith.mulf %get3A_907, %get3A_910 : vector<32xbf16>
          %add3A_912 = arith.addf %mul3A_721, %mul3A_911 : vector<32xbf16>
          %add3A_913 = arith.constant 8 : i32
          %add3A_914 = arith.addi %mul3A_95, %add3A_913 : i32
          %add3A_915 = arith.constant 7 : i32
          %add3A_916 = arith.addi %add3A_914, %add3A_915 : i32
          %get3A_917 = arith.index_cast %add3A_916 : i32 to index
          %get3A_918 = arith.constant 96 : index
          %get3A_919 = tpu.vector_load %arg8[%get3A_917, %get3A_918] {strides = array<i32>} : memref<80x128xbf16, #tpu.memory_space<vmem>>, vector<32xbf16>,
          %get3A_920 = arith.index_cast %add3A_916 : i32 to index
          %get3A_921 = arith.constant 96 : index
          %get3A_922 = tpu.vector_load %arg10[%get3A_920, %get3A_921] {strides = array<i32>} : memref<80x128xbf16, #tpu.memory_space<vmem>>, vector<32xbf16>,
          %mul3A_923 = arith.mulf %get3A_919, %get3A_922 : vector<32xbf16>
          %add3A_924 = arith.addf %mul3A_732, %mul3A_923 : vector<32xbf16>
          %add3A_925 = arith.addf %add3A_744, %add3A_840 : vector<32xbf16>
          %unpack3A_926 = tpu.unpack_subelements %add3A_925, 0 {pack_format = #tpu.pack_format<interleaved>} : vector<32xbf16> -> vector<16xf32>
          %unpack3A_927 = tpu.unpack_subelements %add3A_925, 1 {pack_format = #tpu.pack_format<interleaved>} : vector<32xbf16> -> vector<16xf32>
          %add3A_928 = arith.addf %unpack3A_926, %unpack3A_927 : vector<16xf32>
          %add3A_929 = arith.constant 8 : i32
          %add3A_930 = arith.addi %mul3A_95, %add3A_929 : i32
          %add3A_931 = arith.constant 0 : i32
          %add3A_932 = arith.addi %add3A_930, %add3A_931 : i32
          %mul3A_933 = arith.constant 16 : i32
          %mul3A_934 = arith.muli %add3A_932, %mul3A_933 : i32
          %swap3A_935 = arith.index_cast %mul3A_934 : i32 to index
          %swap3A_936 = tpu.vector_load %arg11[%swap3A_935] {strides = array<i32>} : memref<1280xf32, #tpu.memory_space<vmem>>, vector<16xf32>,
          tpu.vector_store %arg11[%swap3A_935], %add3A_928 {strides = array<i32>} : memref<1280xf32, #tpu.memory_space<vmem>>, vector<16xf32>,
          %add3A_937 = arith.addf %add3A_756, %add3A_852 : vector<32xbf16>
          %unpack3A_938 = tpu.unpack_subelements %add3A_937, 0 {pack_format = #tpu.pack_format<interleaved>} : vector<32xbf16> -> vector<16xf32>
          %unpack3A_939 = tpu.unpack_subelements %add3A_937, 1 {pack_format = #tpu.pack_format<interleaved>} : vector<32xbf16> -> vector<16xf32>
          %add3A_940 = arith.addf %unpack3A_938, %unpack3A_939 : vector<16xf32>
          %add3A_941 = arith.constant 8 : i32
          %add3A_942 = arith.addi %mul3A_95, %add3A_941 : i32
          %add3A_943 = arith.constant 1 : i32
          %add3A_944 = arith.addi %add3A_942, %add3A_943 : i32
          %mul3A_945 = arith.constant 16 : i32
          %mul3A_946 = arith.muli %add3A_944, %mul3A_945 : i32
          %swap3A_947 = arith.index_cast %mul3A_946 : i32 to index
          %swap3A_948 = tpu.vector_load %arg11[%swap3A_947] {strides = array<i32>} : memref<1280xf32, #tpu.memory_space<vmem>>, vector<16xf32>,
          tpu.vector_store %arg11[%swap3A_947], %add3A_940 {strides = array<i32>} : memref<1280xf32, #tpu.memory_space<vmem>>, vector<16xf32>,
          %add3A_949 = arith.addf %add3A_768, %add3A_864 : vector<32xbf16>
          %unpack3A_950 = tpu.unpack_subelements %add3A_949, 0 {pack_format = #tpu.pack_format<interleaved>} : vector<32xbf16> -> vector<16xf32>
          %unpack3A_951 = tpu.unpack_subelements %add3A_949, 1 {pack_format = #tpu.pack_format<interleaved>} : vector<32xbf16> -> vector<16xf32>
          %add3A_952 = arith.addf %unpack3A_950, %unpack3A_951 : vector<16xf32>
          %add3A_953 = arith.constant 8 : i32
          %add3A_954 = arith.addi %mul3A_95, %add3A_953 : i32
          %add3A_955 = arith.constant 2 : i32
          %add3A_956 = arith.addi %add3A_954, %add3A_955 : i32
          %mul3A_957 = arith.constant 16 : i32
          %mul3A_958 = arith.muli %add3A_956, %mul3A_957 : i32
          %swap3A_959 = arith.index_cast %mul3A_958 : i32 to index
          %swap3A_960 = tpu.vector_load %arg11[%swap3A_959] {strides = array<i32>} : memref<1280xf32, #tpu.memory_space<vmem>>, vector<16xf32>,
          tpu.vector_store %arg11[%swap3A_959], %add3A_952 {strides = array<i32>} : memref<1280xf32, #tpu.memory_space<vmem>>, vector<16xf32>,
          %add3A_961 = arith.addf %add3A_780, %add3A_876 : vector<32xbf16>
          %unpack3A_962 = tpu.unpack_subelements %add3A_961, 0 {pack_format = #tpu.pack_format<interleaved>} : vector<32xbf16> -> vector<16xf32>
          %unpack3A_963 = tpu.unpack_subelements %add3A_961, 1 {pack_format = #tpu.pack_format<interleaved>} : vector<32xbf16> -> vector<16xf32>
          %add3A_964 = arith.addf %unpack3A_962, %unpack3A_963 : vector<16xf32>
          %add3A_965 = arith.constant 8 : i32
          %add3A_966 = arith.addi %mul3A_95, %add3A_965 : i32
          %add3A_967 = arith.constant 3 : i32
          %add3A_968 = arith.addi %add3A_966, %add3A_967 : i32
          %mul3A_969 = arith.constant 16 : i32
          %mul3A_970 = arith.muli %add3A_968, %mul3A_969 : i32
          %swap3A_971 = arith.index_cast %mul3A_970 : i32 to index
          %swap3A_972 = tpu.vector_load %arg11[%swap3A_971] {strides = array<i32>} : memref<1280xf32, #tpu.memory_space<vmem>>, vector<16xf32>,
          tpu.vector_store %arg11[%swap3A_971], %add3A_964 {strides = array<i32>} : memref<1280xf32, #tpu.memory_space<vmem>>, vector<16xf32>,
          %add3A_973 = arith.addf %add3A_792, %add3A_888 : vector<32xbf16>
          %unpack3A_974 = tpu.unpack_subelements %add3A_973, 0 {pack_format = #tpu.pack_format<interleaved>} : vector<32xbf16> -> vector<16xf32>
          %unpack3A_975 = tpu.unpack_subelements %add3A_973, 1 {pack_format = #tpu.pack_format<interleaved>} : vector<32xbf16> -> vector<16xf32>
          %add3A_976 = arith.addf %unpack3A_974, %unpack3A_975 : vector<16xf32>
          %add3A_977 = arith.constant 8 : i32
          %add3A_978 = arith.addi %mul3A_95, %add3A_977 : i32
          %add3A_979 = arith.constant 4 : i32
          %add3A_980 = arith.addi %add3A_978, %add3A_979 : i32
          %mul3A_981 = arith.constant 16 : i32
          %mul3A_982 = arith.muli %add3A_980, %mul3A_981 : i32
          %swap3A_983 = arith.index_cast %mul3A_982 : i32 to index
          %swap3A_984 = tpu.vector_load %arg11[%swap3A_983] {strides = array<i32>} : memref<1280xf32, #tpu.memory_space<vmem>>, vector<16xf32>,
          tpu.vector_store %arg11[%swap3A_983], %add3A_976 {strides = array<i32>} : memref<1280xf32, #tpu.memory_space<vmem>>, vector<16xf32>,
          %add3A_985 = arith.addf %add3A_804, %add3A_900 : vector<32xbf16>
          %unpack3A_986 = tpu.unpack_subelements %add3A_985, 0 {pack_format = #tpu.pack_format<interleaved>} : vector<32xbf16> -> vector<16xf32>
          %unpack3A_987 = tpu.unpack_subelements %add3A_985, 1 {pack_format = #tpu.pack_format<interleaved>} : vector<32xbf16> -> vector<16xf32>
          %add3A_988 = arith.addf %unpack3A_986, %unpack3A_987 : vector<16xf32>
          %add3A_989 = arith.constant 8 : i32
          %add3A_990 = arith.addi %mul3A_95, %add3A_989 : i32
          %add3A_991 = arith.constant 5 : i32
          %add3A_992 = arith.addi %add3A_990, %add3A_991 : i32
          %mul3A_993 = arith.constant 16 : i32
          %mul3A_994 = arith.muli %add3A_992, %mul3A_993 : i32
          %swap3A_995 = arith.index_cast %mul3A_994 : i32 to index
          %swap3A_996 = tpu.vector_load %arg11[%swap3A_995] {strides = array<i32>} : memref<1280xf32, #tpu.memory_space<vmem>>, vector<16xf32>,
          tpu.vector_store %arg11[%swap3A_995], %add3A_988 {strides = array<i32>} : memref<1280xf32, #tpu.memory_space<vmem>>, vector<16xf32>,
          %add3A_997 = arith.addf %add3A_816, %add3A_912 : vector<32xbf16>
          %unpack3A_998 = tpu.unpack_subelements %add3A_997, 0 {pack_format = #tpu.pack_format<interleaved>} : vector<32xbf16> -> vector<16xf32>
          %unpack3A_999 = tpu.unpack_subelements %add3A_997, 1 {pack_format = #tpu.pack_format<interleaved>} : vector<32xbf16> -> vector<16xf32>
          %add3A_1000 = arith.addf %unpack3A_998, %unpack3A_999 : vector<16xf32>
          %add3A_1001 = arith.constant 8 : i32
          %add3A_1002 = arith.addi %mul3A_95, %add3A_1001 : i32
          %add3A_1003 = arith.constant 6 : i32
          %add3A_1004 = arith.addi %add3A_1002, %add3A_1003 : i32
          %mul3A_1005 = arith.constant 16 : i32
          %mul3A_1006 = arith.muli %add3A_1004, %mul3A_1005 : i32
          %swap3A_1007 = arith.index_cast %mul3A_1006 : i32 to index
          %swap3A_1008 = tpu.vector_load %arg11[%swap3A_1007] {strides = array<i32>} : memref<1280xf32, #tpu.memory_space<vmem>>, vector<16xf32>,
          tpu.vector_store %arg11[%swap3A_1007], %add3A_1000 {strides = array<i32>} : memref<1280xf32, #tpu.memory_space<vmem>>, vector<16xf32>,
          %add3A_1009 = arith.addf %add3A_828, %add3A_924 : vector<32xbf16>
          %unpack3A_1010 = tpu.unpack_subelements %add3A_1009, 0 {pack_format = #tpu.pack_format<interleaved>} : vector<32xbf16> -> vector<16xf32>
          %unpack3A_1011 = tpu.unpack_subelements %add3A_1009, 1 {pack_format = #tpu.pack_format<interleaved>} : vector<32xbf16> -> vector<16xf32>
          %add3A_1012 = arith.addf %unpack3A_1010, %unpack3A_1011 : vector<16xf32>
          %add3A_1013 = arith.constant 8 : i32
          %add3A_1014 = arith.addi %mul3A_95, %add3A_1013 : i32
          %add3A_1015 = arith.constant 7 : i32
          %add3A_1016 = arith.addi %add3A_1014, %add3A_1015 : i32
          %mul3A_1017 = arith.constant 16 : i32
          %mul3A_1018 = arith.muli %add3A_1016, %mul3A_1017 : i32
          %swap3A_1019 = arith.index_cast %mul3A_1018 : i32 to index
          %swap3A_1020 = tpu.vector_load %arg11[%swap3A_1019] {strides = array<i32>} : memref<1280xf32, #tpu.memory_space<vmem>>, vector<16xf32>,
          tpu.vector_store %arg11[%swap3A_1019], %add3A_1012 {strides = array<i32>} : memref<1280xf32, #tpu.memory_space<vmem>>, vector<16xf32>,
          %mul3A_1021 = arith.constant 16 : i32
          %mul3A_1022 = arith.muli %scan3A_93, %mul3A_1021 : i32
          %mul3A_1023 = arith.constant 16 : i32
          %mul3A_1024 = arith.muli %mul3A_1022, %mul3A_1023 : i32
          %mul3A_1025 = arith.constant 16 : i32
          %mul3A_1026 = vector.broadcast %mul3A_1025 : i32 to vector<16xi32>
          %mul3A_1027 = arith.muli %iota3A, %mul3A_1026 : vector<16xi32>
          %add3A_1028 = vector.broadcast %mul3A_1024 : i32 to vector<16xi32>
          %add3A_1029 = arith.addi %mul3A_1027, %add3A_1028 : vector<16xi32>
          %add3A_1030 = arith.constant 0 : i32
          %add3A_1031 = vector.broadcast %add3A_1030 : i32 to vector<16xi32>
          %add3A_1032 = arith.addi %add3A_1029, %add3A_1031 : vector<16xi32>
          %gather3A = tpu.vector_load_idx %arg11[%add3A_1032] : memref<1280xf32, #tpu.memory_space<vmem>>[vector<16xi32>], vector<16xf32>,
          %mul3A_1033 = arith.constant 16 : i32
          %mul3A_1034 = vector.broadcast %mul3A_1033 : i32 to vector<16xi32>
          %mul3A_1035 = arith.muli %iota3A, %mul3A_1034 : vector<16xi32>
          %add3A_1036 = vector.broadcast %mul3A_1024 : i32 to vector<16xi32>
          %add3A_1037 = arith.addi %mul3A_1035, %add3A_1036 : vector<16xi32>
          %add3A_1038 = arith.constant 1 : i32
          %add3A_1039 = vector.broadcast %add3A_1038 : i32 to vector<16xi32>
          %add3A_1040 = arith.addi %add3A_1037, %add3A_1039 : vector<16xi32>
          %gather3A_1041 = tpu.vector_load_idx %arg11[%add3A_1040] : memref<1280xf32, #tpu.memory_space<vmem>>[vector<16xi32>], vector<16xf32>,
          %mul3A_1042 = arith.constant 16 : i32
          %mul3A_1043 = vector.broadcast %mul3A_1042 : i32 to vector<16xi32>
          %mul3A_1044 = arith.muli %iota3A, %mul3A_1043 : vector<16xi32>
          %add3A_1045 = vector.broadcast %mul3A_1024 : i32 to vector<16xi32>
          %add3A_1046 = arith.addi %mul3A_1044, %add3A_1045 : vector<16xi32>
          %add3A_1047 = arith.constant 2 : i32
          %add3A_1048 = vector.broadcast %add3A_1047 : i32 to vector<16xi32>
          %add3A_1049 = arith.addi %add3A_1046, %add3A_1048 : vector<16xi32>
          %gather3A_1050 = tpu.vector_load_idx %arg11[%add3A_1049] : memref<1280xf32, #tpu.memory_space<vmem>>[vector<16xi32>], vector<16xf32>,
          %mul3A_1051 = arith.constant 16 : i32
          %mul3A_1052 = vector.broadcast %mul3A_1051 : i32 to vector<16xi32>
          %mul3A_1053 = arith.muli %iota3A, %mul3A_1052 : vector<16xi32>
          %add3A_1054 = vector.broadcast %mul3A_1024 : i32 to vector<16xi32>
          %add3A_1055 = arith.addi %mul3A_1053, %add3A_1054 : vector<16xi32>
          %add3A_1056 = arith.constant 3 : i32
          %add3A_1057 = vector.broadcast %add3A_1056 : i32 to vector<16xi32>
          %add3A_1058 = arith.addi %add3A_1055, %add3A_1057 : vector<16xi32>
          %gather3A_1059 = tpu.vector_load_idx %arg11[%add3A_1058] : memref<1280xf32, #tpu.memory_space<vmem>>[vector<16xi32>], vector<16xf32>,
          %mul3A_1060 = arith.constant 16 : i32
          %mul3A_1061 = vector.broadcast %mul3A_1060 : i32 to vector<16xi32>
          %mul3A_1062 = arith.muli %iota3A, %mul3A_1061 : vector<16xi32>
          %add3A_1063 = vector.broadcast %mul3A_1024 : i32 to vector<16xi32>
          %add3A_1064 = arith.addi %mul3A_1062, %add3A_1063 : vector<16xi32>
          %add3A_1065 = arith.constant 4 : i32
          %add3A_1066 = vector.broadcast %add3A_1065 : i32 to vector<16xi32>
          %add3A_1067 = arith.addi %add3A_1064, %add3A_1066 : vector<16xi32>
          %gather3A_1068 = tpu.vector_load_idx %arg11[%add3A_1067] : memref<1280xf32, #tpu.memory_space<vmem>>[vector<16xi32>], vector<16xf32>,
          %mul3A_1069 = arith.constant 16 : i32
          %mul3A_1070 = vector.broadcast %mul3A_1069 : i32 to vector<16xi32>
          %mul3A_1071 = arith.muli %iota3A, %mul3A_1070 : vector<16xi32>
          %add3A_1072 = vector.broadcast %mul3A_1024 : i32 to vector<16xi32>
          %add3A_1073 = arith.addi %mul3A_1071, %add3A_1072 : vector<16xi32>
          %add3A_1074 = arith.constant 5 : i32
          %add3A_1075 = vector.broadcast %add3A_1074 : i32 to vector<16xi32>
          %add3A_1076 = arith.addi %add3A_1073, %add3A_1075 : vector<16xi32>
          %gather3A_1077 = tpu.vector_load_idx %arg11[%add3A_1076] : memref<1280xf32, #tpu.memory_space<vmem>>[vector<16xi32>], vector<16xf32>,
          %mul3A_1078 = arith.constant 16 : i32
          %mul3A_1079 = vector.broadcast %mul3A_1078 : i32 to vector<16xi32>
          %mul3A_1080 = arith.muli %iota3A, %mul3A_1079 : vector<16xi32>
          %add3A_1081 = vector.broadcast %mul3A_1024 : i32 to vector<16xi32>
          %add3A_1082 = arith.addi %mul3A_1080, %add3A_1081 : vector<16xi32>
          %add3A_1083 = arith.constant 6 : i32
          %add3A_1084 = vector.broadcast %add3A_1083 : i32 to vector<16xi32>
          %add3A_1085 = arith.addi %add3A_1082, %add3A_1084 : vector<16xi32>
          %gather3A_1086 = tpu.vector_load_idx %arg11[%add3A_1085] : memref<1280xf32, #tpu.memory_space<vmem>>[vector<16xi32>], vector<16xf32>,
          %mul3A_1087 = arith.constant 16 : i32
          %mul3A_1088 = vector.broadcast %mul3A_1087 : i32 to vector<16xi32>
          %mul3A_1089 = arith.muli %iota3A, %mul3A_1088 : vector<16xi32>
          %add3A_1090 = vector.broadcast %mul3A_1024 : i32 to vector<16xi32>
          %add3A_1091 = arith.addi %mul3A_1089, %add3A_1090 : vector<16xi32>
          %add3A_1092 = arith.constant 7 : i32
          %add3A_1093 = vector.broadcast %add3A_1092 : i32 to vector<16xi32>
          %add3A_1094 = arith.addi %add3A_1091, %add3A_1093 : vector<16xi32>
          %gather3A_1095 = tpu.vector_load_idx %arg11[%add3A_1094] : memref<1280xf32, #tpu.memory_space<vmem>>[vector<16xi32>], vector<16xf32>,
          %mul3A_1096 = arith.constant 16 : i32
          %mul3A_1097 = vector.broadcast %mul3A_1096 : i32 to vector<16xi32>
          %mul3A_1098 = arith.muli %iota3A, %mul3A_1097 : vector<16xi32>
          %add3A_1099 = vector.broadcast %mul3A_1024 : i32 to vector<16xi32>
          %add3A_1100 = arith.addi %mul3A_1098, %add3A_1099 : vector<16xi32>
          %add3A_1101 = arith.constant 8 : i32
          %add3A_1102 = vector.broadcast %add3A_1101 : i32 to vector<16xi32>
          %add3A_1103 = arith.addi %add3A_1100, %add3A_1102 : vector<16xi32>
          %gather3A_1104 = tpu.vector_load_idx %arg11[%add3A_1103] : memref<1280xf32, #tpu.memory_space<vmem>>[vector<16xi32>], vector<16xf32>,
          %mul3A_1105 = arith.constant 16 : i32
          %mul3A_1106 = vector.broadcast %mul3A_1105 : i32 to vector<16xi32>
          %mul3A_1107 = arith.muli %iota3A, %mul3A_1106 : vector<16xi32>
          %add3A_1108 = vector.broadcast %mul3A_1024 : i32 to vector<16xi32>
          %add3A_1109 = arith.addi %mul3A_1107, %add3A_1108 : vector<16xi32>
          %add3A_1110 = arith.constant 9 : i32
          %add3A_1111 = vector.broadcast %add3A_1110 : i32 to vector<16xi32>
          %add3A_1112 = arith.addi %add3A_1109, %add3A_1111 : vector<16xi32>
          %gather3A_1113 = tpu.vector_load_idx %arg11[%add3A_1112] : memref<1280xf32, #tpu.memory_space<vmem>>[vector<16xi32>], vector<16xf32>,
          %mul3A_1114 = arith.constant 16 : i32
          %mul3A_1115 = vector.broadcast %mul3A_1114 : i32 to vector<16xi32>
          %mul3A_1116 = arith.muli %iota3A, %mul3A_1115 : vector<16xi32>
          %add3A_1117 = vector.broadcast %mul3A_1024 : i32 to vector<16xi32>
          %add3A_1118 = arith.addi %mul3A_1116, %add3A_1117 : vector<16xi32>
          %add3A_1119 = arith.constant 10 : i32
          %add3A_1120 = vector.broadcast %add3A_1119 : i32 to vector<16xi32>
          %add3A_1121 = arith.addi %add3A_1118, %add3A_1120 : vector<16xi32>
          %gather3A_1122 = tpu.vector_load_idx %arg11[%add3A_1121] : memref<1280xf32, #tpu.memory_space<vmem>>[vector<16xi32>], vector<16xf32>,
          %mul3A_1123 = arith.constant 16 : i32
          %mul3A_1124 = vector.broadcast %mul3A_1123 : i32 to vector<16xi32>
          %mul3A_1125 = arith.muli %iota3A, %mul3A_1124 : vector<16xi32>
          %add3A_1126 = vector.broadcast %mul3A_1024 : i32 to vector<16xi32>
          %add3A_1127 = arith.addi %mul3A_1125, %add3A_1126 : vector<16xi32>
          %add3A_1128 = arith.constant 11 : i32
          %add3A_1129 = vector.broadcast %add3A_1128 : i32 to vector<16xi32>
          %add3A_1130 = arith.addi %add3A_1127, %add3A_1129 : vector<16xi32>
          %gather3A_1131 = tpu.vector_load_idx %arg11[%add3A_1130] : memref<1280xf32, #tpu.memory_space<vmem>>[vector<16xi32>], vector<16xf32>,
          %mul3A_1132 = arith.constant 16 : i32
          %mul3A_1133 = vector.broadcast %mul3A_1132 : i32 to vector<16xi32>
          %mul3A_1134 = arith.muli %iota3A, %mul3A_1133 : vector<16xi32>
          %add3A_1135 = vector.broadcast %mul3A_1024 : i32 to vector<16xi32>
          %add3A_1136 = arith.addi %mul3A_1134, %add3A_1135 : vector<16xi32>
          %add3A_1137 = arith.constant 12 : i32
          %add3A_1138 = vector.broadcast %add3A_1137 : i32 to vector<16xi32>
          %add3A_1139 = arith.addi %add3A_1136, %add3A_1138 : vector<16xi32>
          %gather3A_1140 = tpu.vector_load_idx %arg11[%add3A_1139] : memref<1280xf32, #tpu.memory_space<vmem>>[vector<16xi32>], vector<16xf32>,
          %mul3A_1141 = arith.constant 16 : i32
          %mul3A_1142 = vector.broadcast %mul3A_1141 : i32 to vector<16xi32>
          %mul3A_1143 = arith.muli %iota3A, %mul3A_1142 : vector<16xi32>
          %add3A_1144 = vector.broadcast %mul3A_1024 : i32 to vector<16xi32>
          %add3A_1145 = arith.addi %mul3A_1143, %add3A_1144 : vector<16xi32>
          %add3A_1146 = arith.constant 13 : i32
          %add3A_1147 = vector.broadcast %add3A_1146 : i32 to vector<16xi32>
          %add3A_1148 = arith.addi %add3A_1145, %add3A_1147 : vector<16xi32>
          %gather3A_1149 = tpu.vector_load_idx %arg11[%add3A_1148] : memref<1280xf32, #tpu.memory_space<vmem>>[vector<16xi32>], vector<16xf32>,
          %mul3A_1150 = arith.constant 16 : i32
          %mul3A_1151 = vector.broadcast %mul3A_1150 : i32 to vector<16xi32>
          %mul3A_1152 = arith.muli %iota3A, %mul3A_1151 : vector<16xi32>
          %add3A_1153 = vector.broadcast %mul3A_1024 : i32 to vector<16xi32>
          %add3A_1154 = arith.addi %mul3A_1152, %add3A_1153 : vector<16xi32>
          %add3A_1155 = arith.constant 14 : i32
          %add3A_1156 = vector.broadcast %add3A_1155 : i32 to vector<16xi32>
          %add3A_1157 = arith.addi %add3A_1154, %add3A_1156 : vector<16xi32>
          %gather3A_1158 = tpu.vector_load_idx %arg11[%add3A_1157] : memref<1280xf32, #tpu.memory_space<vmem>>[vector<16xi32>], vector<16xf32>,
          %mul3A_1159 = arith.constant 16 : i32
          %mul3A_1160 = vector.broadcast %mul3A_1159 : i32 to vector<16xi32>
          %mul3A_1161 = arith.muli %iota3A, %mul3A_1160 : vector<16xi32>
          %add3A_1162 = vector.broadcast %mul3A_1024 : i32 to vector<16xi32>
          %add3A_1163 = arith.addi %mul3A_1161, %add3A_1162 : vector<16xi32>
          %add3A_1164 = arith.constant 15 : i32
          %add3A_1165 = vector.broadcast %add3A_1164 : i32 to vector<16xi32>
          %add3A_1166 = arith.addi %add3A_1163, %add3A_1165 : vector<16xi32>
          %gather3A_1167 = tpu.vector_load_idx %arg11[%add3A_1166] : memref<1280xf32, #tpu.memory_space<vmem>>[vector<16xi32>], vector<16xf32>,
          %add3A_1168 = arith.addf %gather3A, %gather3A_1041 : vector<16xf32>
          %add3A_1169 = arith.addf %gather3A_1050, %gather3A_1059 : vector<16xf32>
          %add3A_1170 = arith.addf %gather3A_1068, %gather3A_1077 : vector<16xf32>
          %add3A_1171 = arith.addf %gather3A_1086, %gather3A_1095 : vector<16xf32>
          %add3A_1172 = arith.addf %gather3A_1104, %gather3A_1113 : vector<16xf32>
          %add3A_1173 = arith.addf %gather3A_1122, %gather3A_1131 : vector<16xf32>
          %add3A_1174 = arith.addf %gather3A_1140, %gather3A_1149 : vector<16xf32>
          %add3A_1175 = arith.addf %gather3A_1158, %gather3A_1167 : vector<16xf32>
          %add3A_1176 = arith.addf %add3A_1168, %add3A_1169 : vector<16xf32>
          %add3A_1177 = arith.addf %add3A_1170, %add3A_1171 : vector<16xf32>
          %add3A_1178 = arith.addf %add3A_1172, %add3A_1173 : vector<16xf32>
          %add3A_1179 = arith.addf %add3A_1174, %add3A_1175 : vector<16xf32>
          %add3A_1180 = arith.addf %add3A_1176, %add3A_1177 : vector<16xf32>
          %add3A_1181 = arith.addf %add3A_1178, %add3A_1179 : vector<16xf32>
          %add3A_1182 = arith.addf %add3A_1180, %add3A_1181 : vector<16xf32>
          %mul3A_1183 = arith.constant 80 : i32
          %mul3A_1184 = arith.muli %scan3A_33, %mul3A_1183 : i32
          %mul3A_1185 = arith.constant 16 : i32
          %mul3A_1186 = arith.muli %scan3A_93, %mul3A_1185 : i32
          %add3A_1187 = arith.addi %mul3A_1184, %mul3A_1186 : i32
          %multiple_of3A_1188 = tpu.assume_multiple %add3A_1187, 16 : i32
          %swap3A_1189 = arith.index_cast %multiple_of3A_1188 : i32 to index
          %swap3A_1190 = tpu.vector_load %arg12[%swap3A_1189] {strides = array<i32>} : memref<10000xf32, #tpu.memory_space<vmem>>, vector<16xf32>,
          tpu.vector_store %arg12[%swap3A_1189], %add3A_1182 {strides = array<i32>} : memref<10000xf32, #tpu.memory_space<vmem>>, vector<16xf32>,
        }
        %scan3A_85 = arith.constant 5 : i32
        %add3A_86 = arith.constant 2 : i32
        %add3A_87 = arith.addi %scan3A_33, %add3A_86 : i32
        %lt3A_88 = arith.constant 125 : i32
        %lt3A_89 = arith.cmpi slt, %add3A_87, %lt3A_88 : i32
        %convert_element_type3A_90 = arith.extui %lt3A_89 : i1 to i32
        %cond3A_91 = arith.constant 0 : i32
        %cond3A_92 = arith.cmpi ne, %convert_element_type3A_90, %cond3A_91 : i32
        scf.if %cond3A_92 {
          %add3A_93 = arith.constant 2 : i32
          %add3A_94 = arith.addi %scan3A_33, %add3A_93 : i32
          %mul3A_95 = arith.constant 80 : i32
          %mul3A_96 = arith.muli %add3A_94, %mul3A_95 : i32
          %multiple_of3A_97 = tpu.assume_multiple %mul3A_96, 16 : i32
          %dma_start3A_98 = tpu.memref_slice %arg5[%multiple_of3A_97] : memref<10000xi32, #tpu.memory_space<vmem>> -> memref<80xi32, #tpu.memory_space<vmem>>
          %dma_start3A_99 = arith.constant 0 : i32
          %dma_start3A_100 = arith.constant 0 : i32
          %dma_start3A_101 = tpu.memref_slice %arg2[%dma_start3A_99, %dma_start3A_100] : memref<10000x128xbf16, #tpu.memory_space<hbm>> -> memref<10000x128xbf16, #tpu.memory_space<hbm>>
          tpu.enqueue_indirect_dma source(%dma_start3A_101 : memref<10000x128xbf16, #tpu.memory_space<hbm>>) target(%arg8 : memref<80x128xbf16, #tpu.memory_space<vmem>>) offsets(%dma_start3A_98 : memref<80xi32, #tpu.memory_space<vmem>>) semaphore(%arg14 : memref<!tpu.dma_semaphore, #tpu.memory_space<semaphore_mem>>)
          %add3A_102 = arith.constant 2 : i32
          %add3A_103 = arith.addi %scan3A_33, %add3A_102 : i32
          %mul3A_104 = arith.constant 80 : i32
          %mul3A_105 = arith.muli %add3A_103, %mul3A_104 : i32
          %multiple_of3A_106 = tpu.assume_multiple %mul3A_105, 16 : i32
          %dma_start3A_107 = tpu.memref_slice %arg6[%multiple_of3A_106] : memref<10000xi32, #tpu.memory_space<vmem>> -> memref<80xi32, #tpu.memory_space<vmem>>
          %dma_start3A_108 = arith.constant 0 : i32
          %dma_start3A_109 = arith.constant 0 : i32
          %dma_start3A_110 = tpu.memref_slice %arg2[%dma_start3A_108, %dma_start3A_109] : memref<10000x128xbf16, #tpu.memory_space<hbm>> -> memref<10000x128xbf16, #tpu.memory_space<hbm>>
          tpu.enqueue_indirect_dma source(%dma_start3A_110 : memref<10000x128xbf16, #tpu.memory_space<hbm>>) target(%arg10 : memref<80x128xbf16, #tpu.memory_space<vmem>>) offsets(%dma_start3A_107 : memref<80xi32, #tpu.memory_space<vmem>>) semaphore(%arg16 : memref<!tpu.dma_semaphore, #tpu.memory_space<semaphore_mem>>)
        } else {
        }
      } else {
      }
    }
    %scan3A_32 = arith.constant 125 : i32
    "tpu.region"() ({
      %run_scoped3A = tpu.sem_alloc : memref<!tpu.dma_semaphore, #tpu.memory_space<semaphore_mem>>
      %dma_start3A_33 = tpu.memref_slice %arg4[%multiple_of3A] : memref<320000xf32, #tpu.memory_space<hbm>> -> memref<10000xf32, #tpu.memory_space<hbm>>
      %dma_start3A_34 = tpu.memref_slice %arg4[%multiple_of3A] : memref<320000xf32, #tpu.memory_space<hbm>> -> memref<10000xf32, #tpu.memory_space<hbm>>
      tpu.enqueue_dma source(%arg12 : memref<10000xf32, #tpu.memory_space<vmem>>) target(%dma_start3A_34 : memref<10000xf32, #tpu.memory_space<hbm>>) target_semaphore(%run_scoped3A : memref<!tpu.dma_semaphore, #tpu.memory_space<semaphore_mem>>)
      %dma_wait3A = tpu.memref_slice %arg4[%multiple_of3A] : memref<320000xf32, #tpu.memory_space<hbm>> -> memref<10000xf32, #tpu.memory_space<hbm>>
      %dma_wait3A_35 = tpu.memref_slice %arg4[%multiple_of3A] : memref<320000xf32, #tpu.memory_space<hbm>> -> memref<10000xf32, #tpu.memory_space<hbm>>
      tpu.wait_dma2 semaphore(%run_scoped3A : memref<!tpu.dma_semaphore, #tpu.memory_space<semaphore_mem>>) src(%arg12 : memref<10000xf32, #tpu.memory_space<vmem>>) dst(%dma_wait3A_35 : memref<10000xf32, #tpu.memory_space<hbm>>)
      tpu.yield
    }) : () -> ()
    return
  }
}

</mosaic_0001>

<sc_bundles>
// kernel: kernel.3.cloned.1.call-start
scs
__scs_entry_jumppad:
0x0: {  	(pc) =	sbr.rel $0x88, $3  }
0x1: {  	(tag) =	ssettag $0x0;
	lr =	simm.s32 $0x1  }
0x2: {  	[smem:$0x3F9F] =	sst lr;
	_ =	strace $0xD0000000  }
0x3: {  	_ = 	snop  }
0x4: {  	_ = 	snop  }
0x5: {  	_ = 	snop  }
0x6: {  	_ = 	snop  }
0x7: {  	_ = 	snop  }
__scs_overlays_trampoline_lowered:
0x8: {  	[smem:$0x3FAE] =	sst s0  }
0x9: {  	[smem:$0x3FAF] =	sst s1  }
0xa: {  	[smem:$0x3FB0] =	sst s2  }
0xb: {  	[smem:$0x3FB1] =	sst s3  }
0xc: {  	[smem:$0x3FB2] =	sst s4  }
0xd: {  	[smem:$0x3FB3] =	sst s5  }
0xe: {  	[smem:$0x3FB4] =	sst s6  }
0xf: {  	[smem:$0x3FB5] =	sst s7  }
0x10: {  	[smem:$0x3FB6] =	sst s8  }
0x11: {  	[smem:$0x3FB7] =	sst s9;
	s0 =	simm.s32 @!p0 $0x0  }
0x12: {  	s1 =	sld [smem:$0x3F9D];
	s0 =	simm.s32 @p0 $0x1  }
0x13: {  	[smem:$0x3FB8] =	sst s0;
	s0 =	simm.s32 @!p1 $0x0  }
0x14: {  	s2 =	sld [smem:$0x3F9C];
	s0 =	simm.s32 @p1 $0x1  }
0x15: {  	[smem:$0x3FB9] =	sst s0;
	s0 =	simm.s32 @!p2 $0x0  }
0x16: {  	s3 =	sld [smem:$0x3FDB];
	s0 =	simm.s32 @p2 $0x1  }
0x17: {  	s4 =	simm.s32 $0x1BF5;
	[smem:$0x3FBB] =	sst s0  }
0x18: {  	s0 =	sld [smem:$0x3F9E];
	_ =	swait.ge [sflag:s4], $0x0  }
0x19: {  	s7 =	sld [smem:$0x3F9F]  }
0x1a: {  	s8 =	sadd.s32 $0xFFFFE003, lr  }
0x1b: {  	s9 =	sadd.s32 $0xFFFFFEF7, lr;
	s5 =	simm.s32 $0xFFFFFFFF;
	p2 =	slt.u32 s8, $0xFFFFF086  }
0x1c: {  	p1 =	slt.u32 s9, $0xF7A;
	s5 =	simm.s32 @!p2 $0x0  }
0x1d: {  	s5 =	simm.s32 @p1 $0x1;
	p0 =	seq.s32 s7, s2  }
0x1e: {  	s7 =	smul.u32 @!p0 $0xF7A, s2;
	p2 =	seq.s32 @!p0 s5, $0x0  }
0x1f: {  	s9 =	smul.u32 $0xF7A, s1;
	s8 =	simm.s32 @!p0 $0x1BF5;
	p2 =	por !p2, p0  }
0x20: {  	[sflag:s8] =	ssyncset.s32 @!p0 $0xFFFFF086;
	s6 =	sadd.s32 @!p0 s3, s7;
	s7 =	simm.s32 @!p0 $0x108  }
0x21: {  	s3 =	sadd.s32 s3, s9;
	s6 =	sadd.s32 @!p0 $0x88, s6;
	s7 =	simm.s32 @p2 $0x1082  }
0x22: {  	[simem:s7], [sflag:s8] =	dma.local @!p0 [hbm:s6], $0xF7A  }
0x23: {  	s9 =	sor.u32 $0xD0000000, s2;
	s6 =	simm.s32 $0x108;
	_ =	swait.ge @!p0 [sflag:s8], $0x0  }
0x24: {  	s3 =	sadd.s32 $0x88, s3;
	s6 =	simm.s32 @!p1 $0x1082;
	[sflag:s4] =	ssyncset.s32 $0xFFFFF086  }
0x25: {  	[simem:s6], [sflag:s4] =	dma.local [hbm:s3], $0xF7A  }
0x26: {  	[smem:$0x3F9F] =	sst s1;
	(tag) =	ssettag s2;
	_ =	strace s9  }
0x27: {  	s1 =	sld [smem:$0x3FAF]  }
0x28: {  	s2 =	sld [smem:$0x3FB0]  }
0x29: {  	s4 =	sld [smem:$0x3FB2]  }
0x2a: {  	p0 =	seq.s32 s5, $0x0;
	s5 =	sld [smem:$0x3FB3]  }
0x2b: {  	s6 =	sld [smem:$0x3FB4]  }
0x2c: {  	s7 =	sld [smem:$0x3FB5]  }
0x2d: {  	s3 =	simm.s32 $0x108;
	s8 =	sld [smem:$0x3FB6]  }
0x2e: {  	s3 =	simm.s32 @!p0 $0x1082;
	s9 =	sld [smem:$0x3FB7]  }
0x2f: {  	lr =	sadd.s32 s0, s3;
	s0 =	sld [smem:$0x3FAE]  }
0x30: {  	s3 =	sld [smem:$0x3FB1]  }
0x31: {  	[smem:$0x3FBA] =	sst s10  }
0x32: {  	s10 =	sld [smem:$0x3FB8];
	_ =	sdelay $0x3  }
0x33: {  	p0 =	seq.s32 s10, $0x1;
	s10 =	sld [smem:$0x3FBA];
	_ =	sdelay $0x3  }
0x34: {  	[smem:$0x3FBA] =	sst s10  }
0x35: {  	s10 =	sld [smem:$0x3FB9];
	_ =	sdelay $0x3  }
0x36: {  	p1 =	seq.s32 s10, $0x1;
	s10 =	sld [smem:$0x3FBA];
	_ =	sdelay $0x3  }
0x37: {  	[smem:$0x3FBA] =	sst s10  }
0x38: {  	s10 =	sld [smem:$0x3FBB]  }
0x39: {  	_ = 	snop;
	(pc) =	sbr.ind lr, $3  }
0x3a: {  	_ = 	snop  }
0x3b: {  	_ = 	snop  }
0x3c: {  	p2 =	seq.s32 s10, $0x1;
	s10 =	sld [smem:$0x3FBA]  }
0x3d: {  	_ =	shalt  }
0x3e: {  	_ =	shalt  }
0x3f: {  	_ =	shalt  }
0x40: {  	_ =	shalt  }
0x41: {  	_ =	shalt  }
0x42: {  	_ =	shalt  }
0x43: {  	_ =	shalt  }
0x44: {  	_ =	shalt  }
0x45: {  	_ =	shalt  }
0x46: {  	_ =	shalt  }
0x47: {  	_ =	shalt  }
0x48: {  	_ =	shalt  }
0x49: {  	_ =	shalt  }
0x4a: {  	_ =	shalt  }
0x4b: {  	_ =	shalt  }
0x4c: {  	_ =	shalt  }
0x4d: {  	_ =	shalt  }
0x4e: {  	_ =	shalt  }
0x4f: {  	_ =	shalt  }
0x50: {  	_ =	shalt  }
0x51: {  	_ =	shalt  }
0x52: {  	_ =	shalt  }
0x53: {  	_ =	shalt  }
0x54: {  	_ =	shalt  }
0x55: {  	_ =	shalt  }
0x56: {  	_ =	shalt  }
0x57: {  	_ =	shalt  }
0x58: {  	_ =	shalt  }
0x59: {  	_ =	shalt  }
0x5a: {  	_ =	shalt  }
0x5b: {  	_ =	shalt  }
0x5c: {  	_ =	shalt  }
0x5d: {  	_ =	shalt  }
0x5e: {  	_ =	shalt  }
0x5f: {  	_ =	shalt  }
0x60: {  	_ =	shalt  }
0x61: {  	_ =	shalt  }
0x62: {  	_ =	shalt  }
0x63: {  	_ =	shalt  }
0x64: {  	_ =	shalt  }
0x65: {  	_ =	shalt  }
0x66: {  	_ =	shalt  }
0x67: {  	_ =	shalt  }
0x68: {  	_ =	shalt  }
0x69: {  	_ =	shalt  }
0x6a: {  	_ =	shalt  }
0x6b: {  	_ =	shalt  }
0x6c: {  	_ =	shalt  }
0x6d: {  	_ =	shalt  }
0x6e: {  	_ =	shalt  }
0x6f: {  	_ =	shalt  }
0x70: {  	_ =	shalt  }
0x71: {  	_ =	shalt  }
0x72: {  	_ =	shalt  }
0x73: {  	_ =	shalt  }
0x74: {  	_ =	shalt  }
0x75: {  	_ =	shalt  }
0x76: {  	_ =	shalt  }
0x77: {  	_ =	shalt  }
0x78: {  	_ =	shalt  }
0x79: {  	_ =	shalt  }
0x7a: {  	_ =	shalt  }
0x7b: {  	_ =	shalt  }
0x7c: {  	_ =	shalt  }
0x7d: {  	_ =	shalt  }
0x7e: {  	_ =	shalt  }
0x7f: {  	_ =	shalt  }
0x80: {  	_ =	shalt  }
0x81: {  	_ =	shalt  }
0x82: {  	_ =	shalt  }
0x83: {  	_ =	shalt  }
0x84: {  	_ =	shalt  }
0x85: {  	_ =	shalt  }
0x86: {  	_ =	shalt  }
0x87: {  	_ =	shalt  }
.Lfunc_end0:
.L_simem_size_0:
called_computation_lowered:
.L_overlay_start_0:
0x88: {  	s2 =	sld [smem:$0x3FD9]  }
0x89: {  	s3 =	sld [smem:$0x3FFE];
	_ =	sdelay $0x1  }
0x8a: {  	s1 =	srdreg.scid  }
0x8b: {  	s0 =	sand.u32 $0x1, s1  }
0x8c: {  	s16 =	sshll.u32 s0, $0xA;
	s2 =	sadd.s32 s3, s2  }
0x8d: {  	s2 =	sadd.s32 s2, s16  }
0x8e: {  	[smem:$0x3FC6] =	sst s2  }
0x8f: {  	_ = 	snop  }
0x90: {  	(tm) =	ssettm $0x1  }
0x91: {  	s17 =	sld [smem:$0x3FFB];
	_ =	sdelay $0x3  }
0x92: {  	_ =	strace s17  }
0x93: {  	s2 =	sld [smem:$0x3FFC];
	_ =	sdelay $0x3  }
0x94: {  	_ =	strace s2  }
0x95: {  	s2 =	sld [smem:$0x3FFD];
	_ =	sdelay $0x3  }
0x96: {  	_ =	strace s2  }
0x97: {  	_ =	strace $0x8FFFFFFF  }
0x98: {  	s18 =	sld [smem:$0x3FDB];
	_ =	sdelay $0x1  }
0x99: {  	s19 =	simm.s32 $_scs_section_size  }
0x9a: {  	s4 =	simm.s32 $_size__tile_overlayer_lowered;
	s5 =	simm.s32 $_tile_overlayer_lowered  }
0x9b: {  	s22 =	simm.s32 $0x1BFF;
	s21 =	sshll.u32 s5, $0x1;
	s2 =	sadd.s32 s19, s18  }
0x9c: {  	s6 =	simm.s32 $0x0;
	s20 =	sshll.u32 s4, $0x1;
	s4 =	sadd.s32 s21, s2  }
0x9d: {  	[timem:s6], [sflag:s22] =	dma.local [hbm:s4], s20  }
0x9e: {  	_ =	swait.ge [sflag:s22], s20  }
0x9f: {  	s3 =	ssub.s32 $0x0, s20;
	[sflag:s22] =	ssyncset.done $0x0  }
0xa0: {  	[sflag:s22] =	ssyncadd.s32 s3;
	_ =	sdelay $0x1  }
0xa1: {  	s23 =	simm.s32 $0x1B8B  }
0xa2: {  	_ =	swait.ge [sflag:s23], $0x1  }
0xa3: {  	[sflag:s23] =	ssyncset.done $0x0  }
0xa4: {  	s25 =	simm.s32 $0x1B8E;
	s24 =	sld [smem:$0x3FFE];
	[sflag:s23] =	ssyncadd.s32 $0xFFFFFFFF  }
0xa5: {  	s26 =	simm.s32 $execute0_lowered;
	[smem:$0x3FD2] =	sst s25  }
0xa6: {  	s4 =	sshll.u32 s26, $0x1;
	_ =	strace $0x80000046;
	[dreg:$0x1] =	wrdreg $0xFFFFFFFF  }
0xa7: {  	s28 =	simm.s32 $_size_execute0_lowered;
	s2 =	sadd.s32 s2, s4;
	[dreg:$0x0] =	wrdreg $0x0  }
0xa8: {  	s4 =	sshll.u32 s28, $0x1;
	[dreg:$0x2] =	wrdreg s2  }
0xa9: {  	[dreg:$0x3] =	wrdreg s4  }
0xaa: {  	[dreg:$0x4] =	wrdreg $0xC0  }
0xab: {  	_ =	task [dreg:s6], $0x5FFFF  }
0xac: {  	[dreg:$0x1] =	wrdreg $0xFFFFFFFF  }
0xad: {  	[dreg:$0x0] =	wrdreg $0x60  }
0xae: {  	[dreg:$0x2] =	wrdreg s24  }
0xaf: {  	[dreg:$0x3] =	wrdreg $0x9  }
0xb0: {  	_ =	task.clear_ibuf [dreg:s6], $0x4FFFF;
	_ =	strace $0x90000046  }
0xb1: {  	s29 =	simm.s32 $0x9;
	_ =	strace $0x80000048  }
0xb2: {  	_ =	swait.ge [sflag:s29], $0x1  }
0xb3: {  	[sflag:s29] =	ssyncadd.s32 $0xFFFFFFFF  }
0xb4: {  	_ =	strace $0x90000048  }
0xb5: {  	_ =	sfence  }
0xb6: {  	s30 =	sld [smem:$0x0];
	_ =	sdelay $0x2  }
0xb7: {  	s31 =	sshll.u32 s1, $0xD;
	s1 =	sshrl.u32 s1, $0x2  }
0xb8: {  	s3 =	sand.u32 $0x4000, s31;
	s1 =	sadd.s32 s1, s30  }
0xb9: {  	s0 =	sor.u32 s3, s0;
	s1 =	sshll.u32 s1, $0x11  }
0xba: {  	s0 =	sor.u32 s1, s0  }
0xbb: {  	s0 =	sadd.s32 $0x8F2B, s0  }
0xbc: {  	[sflag:s0] =	ssyncadd.remote.s32 $0x1  }
0xbd: {  	_ =	sfence.sel $0xFFFF  }
0xbe: {  	[dreg:$0x0] =	wrdreg $0xFFFFFFFF;
	(pc) =	sbr.abs _section_cstart, $3  }
0xbf: {  	[dreg:$0x1] =	wrdreg $0xFFFFFFFF  }
0xc0: {  	_ =	task.clear_ibuf [dreg:s6], $0x2FFFF;
	_ =	strace $0x9FFFFFFF  }
0xc1: {  	(tm) =	ssettm $0x7FFFFFFF  }
tec
execute0_lowered:
.L_overlay_start_1:
0x0: {  	(tag) =	ssettag $0x1  }
0x1: {  	s1 =	srdreg.scid  }
0x2: {  	s0 =	stileid.u32;
	s4 =	rddreg [dreg:$0x0];
	s2 =	simm.s32 $0x0  }
0x3: {  	s9 =	simm.s32 $0x2710;
	s10 =	simm.s32 $0x50;
	s11 =	simm.s32 $0x4E20  }
0x4: {  	s12 =	simm.s32 $0x7620;
	s13 =	simm.s32 $0x6220;
	s14 =	simm.s32 $0x2760  }
0x5: {  	s15 =	simm.s32 $0x8A20;
	s16 =	simm.s32 $0x2;
	s17 =	simm.s32 $0x4  }
0x6: {  	v0 =	vlaneseq.u32;
	s18 =	simm.s32 $0x9E20;
	s3 =	sand.u32 $0x1, s1;
	s30 =	sshll.u32 s0, $0x1  }
0x7: {  	s19 =	simm.s32 $0xA320;
	s20 =	simm.s32 $0x1;
	v0 =	vmul.u32 $0x10, v0;
	s1 =	sor.u32 s3, s30  }
0x8: {  	s21 =	simm.s32 $0x3;
	s22 =	simm.s32 $0x0;
	s5 =	smul.u32 $0x2710, s1  }
.Ltmp0:
0x9: {  	[smem:$0x7FF] =	sst s2;
	s6 =	ssub.s32 $0x2, s3;
	v1 =	vor.u32 $0x1, v0;
	v6 =	vor.u32 $0x3, v0;
	v7 =	vor.u32 $0x4, v0;
	(pc) =	sbr.rel .LBB2_1-.Ltmp0, $4  }
0xa: {  	s3 =	sadd.s32 $0x600, s4;
	s1 =	rddreg [dreg:$0x1];
	v8 =	vor.u32 $0x5, v0;
	v9 =	vor.u32 $0x6, v0;
	v10 =	vor.u32 $0x7, v0;
	s5 =	sshrl.u32 s5, $0x3  }
0xb: {  	_ =	strace $0x80000047;
	s31 =	sshrl.u32 s6, $0x1;
	[tilespmem:$0x1FFD0] =	vst v0;
	v11 =	vor.u32 $0x8, v0;
	v12 =	vor.u32 $0x9, v0;
	v13 =	vor.u32 $0xA, v0;
	s7 =	sadd.s32 s5, s4  }
0xc: {  	v14 =	vor.u32 $0xB, v0;
	v15 =	vor.u32 $0xC, v0;
	s8 =	ssub.s32 s6, s31;
	[tilespmem:$0x1FFE0] =	vst v1;
	v1 =	vor.u32 $0x2, v0;
	s4 =	sadd.s32 $0x14000, s7;
	s5 =	sadd.s32 $0x1DC40, s7  }
0xd: {  	v3 =	vor.u32 $0xD, v0;
	v4 =	vor.u32 $0xE, v0;
	v5 =	vor.u32 $0xF, v0;
	[tilespmem:$0x1FFF0] =	vst v1;
	s6 =	sadd.s32 $0x27A00, s7;
	s7 =	smax.u32 s8, $0x1;
	s8 =	simm.s32 $0x5  }
.LBB2_10:
0xe: {  	s22 =	sadd.s32 $0x1, s22  }
0xf: {  	p0 =	sne.s32 s22, s7  }
.Ltmp1:
0x10: {  	_ = 	snop;
	(pc) =	sbr.rel @!p0 .LBB2_11-.Ltmp1, $4  }
0x11: {  	[hbm4b:s6+s2] =	stream.linear.scatter [tilespmem:s19], [sflag:$0x5], $0x2710, $0x38;
	[tilespmem:$0xCA30] =	vst v63  }
0x12: {  	_ =	swait.ge [sflag:s8], $0x2710  }
0x13: {  	[sflag:s8] =	ssyncset.done $0x0  }
0x14: {  	[sflag:s8] =	ssyncadd.s32 $0xFFFFD8F0  }
.LBB2_1:
0x15: {  	[tilespmem:s2], [sflag:$0x5] =	stream.linear.gather [hbm4b:s4+s2], $0x2710, $0x38;
	[tilespmem:$0xCA30] =	vst v63  }
0x16: {  	_ =	swait.ge [sflag:s8], $0x2710  }
0x17: {  	[sflag:s8] =	ssyncset.done $0x0  }
0x18: {  	[sflag:s8] =	ssyncadd.s32 $0xFFFFD8F0  }
0x19: {  	[tilespmem:s9], [sflag:$0x5] =	stream.linear.gather [hbm4b:s5+s2], $0x2710, $0x38;
	[tilespmem:$0xCA30] =	vst v63  }
0x1a: {  	_ =	swait.ge [sflag:s8], $0x2710  }
0x1b: {  	[sflag:s8] =	ssyncset.done $0x0  }
0x1c: {  	[sflag:s8] =	ssyncadd.s32 $0xFFFFD8F0  }
0x1d: {  	[tilespmem:s11], [sflag:$0x1] =	stream.indirect.gather [hbm4b:s3+s10], $0x40, s2, s10, $0xb8;
	[tilespmem:$0xCA30] =	vst v63  }
0x1e: {  	_ = 	snop  }
0x1f: {  	[tilespmem:s12], [sflag:$0x3] =	stream.indirect.gather [hbm4b:s3+s10], $0x40, s9, s10, $0xb8;
	[tilespmem:$0xCA30] =	vst v63  }
.Ltmp2:
0x20: {  	_ = 	snop;
	(pc) =	sbr.rel .LBB2_2-.Ltmp2, $4  }
0x21: {  	_ = 	snop  }
0x22: {  	[tilespmem:s13], [sflag:$0x2] =	stream.indirect.gather [hbm4b:s3+s10], $0x40, s10, s10, $0xb8;
	[tilespmem:$0xCA30] =	vst v63  }
0x23: {  	s23 =	simm.s32 $0xA320;
	s24 =	simm.s32 $0x0  }
0x24: {  	[tilespmem:s15], [sflag:$0x4] =	stream.indirect.gather [hbm4b:s3+s10], $0x40, s14, s10, $0xb8;
	[tilespmem:$0xCA30] =	vst v63  }
.LBB2_9:
0x25: {  	s24 =	sadd.s32 $0x1, s24  }
0x26: {  	p0 =	sne.s32 s24, $0x7D  }
.Ltmp3:
0x27: {  	_ = 	snop;
	(pc) =	sbr.rel @!p0 .LBB2_10-.Ltmp3, $2  }
0x28: {  	_ =	sdelay $0x2  }
0x29: {  	s23 =	sadd.s32 $0x50, s23  }
.LBB2_2:
0x2a: {  	s25 =	sand.u32 $0x1, s24  }
0x2b: {  	p0 =	seq.s32 s25, $0x1  }
.Ltmp4:
0x2c: {  	_ = 	snop;
	(pc) =	sbr.rel @p0 .LBB2_6-.Ltmp4, $1  }
0x2d: {  	_ =	sdelay $0x3  }
0x2e: {  	_ =	swait.ge [sflag:s20], $0x1400  }
0x2f: {  	[sflag:s20] =	ssyncset.done $0x0  }
0x30: {  	[sflag:s20] =	ssyncadd.s32 $0xFFFFEC00  }
0x31: {  	s26 =	simm.s32 $0x0;
	_ =	swait.ge [sflag:s21], $0x1400  }
0x32: {  	s28 =	simm.s32 $0x9EA0;
	s29 =	simm.s32 $0x5020;
	[sflag:s21] =	ssyncset.done $0x0  }
0x33: {  	s30 =	simm.s32 $0x7820;
	s31 =	smov.u32 s23;
	[sflag:s21] =	ssyncadd.s32 $0xFFFFEC00  }
.LBB2_4:
0x34: {  	v16 =	vld [tilespmem:s29+$0xFFFFFE00]  }
0x35: {  	v17 =	vld [tilespmem:s30+$0xFFFFFE00]  }
0x36: {  	v18 =	vld [tilespmem:s29+$0xFFFFFE40]  }
0x37: {  	v19 =	vld [tilespmem:s30+$0xFFFFFE40]  }
0x38: {  	v20 =	vld [tilespmem:s29+$0xFFFFFE80]  }
0x39: {  	v21 =	vld [tilespmem:s30+$0xFFFFFE80]  }
0x3a: {  	v22 =	vld [tilespmem:s29+$0xFFFFFEC0]  }
0x3b: {  	v23 =	vld [tilespmem:s30+$0xFFFFFEC0]  }
0x3c: {  	v24 =	vld [tilespmem:s29+$0xFFFFFF00]  }
0x3d: {  	v25 =	vld [tilespmem:s30+$0xFFFFFF00]  }
0x3e: {  	v26 =	vld [tilespmem:s29+$0xFFFFFF40]  }
0x3f: {  	v27 =	vld [tilespmem:s30+$0xFFFFFF40]  }
0x40: {  	v28 =	vld [tilespmem:s29+$0xFFFFFF80]  }
0x41: {  	v29 =	vld [tilespmem:s30+$0xFFFFFF80]  }
0x42: {  	v30 =	vld [tilespmem:s29+$0xFFFFFFC0]  }
0x43: {  	v31 =	vld [tilespmem:s30+$0xFFFFFFC0]  }
0x44: {  	v32 =	vld [tilespmem:s29+$0xFFFFFE10]  }
0x45: {  	v33 =	vld [tilespmem:s30+$0xFFFFFE10]  }
0x46: {  	v34 =	vld [tilespmem:s29+$0xFFFFFE50]  }
0x47: {  	v35 =	vld [tilespmem:s30+$0xFFFFFE50]  }
0x48: {  	v36 =	vld [tilespmem:s29+$0xFFFFFE90]  }
0x49: {  	v37 =	vld [tilespmem:s30+$0xFFFFFE90]  }
0x4a: {  	v38 =	vld [tilespmem:s29+$0xFFFFFED0]  }
0x4b: {  	v39 =	vld [tilespmem:s30+$0xFFFFFED0]  }
0x4c: {  	v40 =	vld [tilespmem:s29+$0xFFFFFF10]  }
0x4d: {  	v41 =	vld [tilespmem:s30+$0xFFFFFF10]  }
0x4e: {  	v42 =	vld [tilespmem:s29+$0xFFFFFF50]  }
0x4f: {  	v43 =	vld [tilespmem:s30+$0xFFFFFF50]  }
0x50: {  	v44 =	vld [tilespmem:s29+$0xFFFFFF90]  }
0x51: {  	v45 =	vld [tilespmem:s30+$0xFFFFFF90]  }
0x52: {  	v46 =	vld [tilespmem:s29+$0xFFFFFFD0]  }
0x53: {  	v47 =	vld [tilespmem:s30+$0xFFFFFFD0]  }
0x54: {  	v48 =	vld [tilespmem:s29+$0xFFFFFE20]  }
0x55: {  	v49 =	vld [tilespmem:s30+$0xFFFFFE20]  }
0x56: {  	v50 =	vld [tilespmem:s29+$0xFFFFFE60]  }
0x57: {  	v51 =	vld [tilespmem:s30+$0xFFFFFE60]  }
0x58: {  	v52 =	vld [tilespmem:s29+$0xFFFFFEA0]  }
0x59: {  	v53 =	vld [tilespmem:s30+$0xFFFFFEA0]  }
0x5a: {  	v54 =	vld [tilespmem:s29+$0xFFFFFEE0]  }
0x5b: {  	v55 =	vld [tilespmem:s30+$0xFFFFFEE0]  }
0x5c: {  	v56 =	vld [tilespmem:s29+$0xFFFFFF20]  }
0x5d: {  	v57 =	vld [tilespmem:s30+$0xFFFFFF20]  }
0x5e: {  	v58 =	vld [tilespmem:s29+$0xFFFFFF60]  }
0x5f: {  	v59 =	vld [tilespmem:s30+$0xFFFFFF60]  }
0x60: {  	v60 =	vld [tilespmem:s29+$0xFFFFFFA0]  }
0x61: {  	v61 =	vld [tilespmem:s30+$0xFFFFFFA0]  }
0x62: {  	v62 =	vld [tilespmem:s29+$0xFFFFFFE0]  }
0x63: {  	v63 =	vld [tilespmem:s30+$0xFFFFFFE0]  }
0x64: {  	v0 =	vld [tilespmem:s29+$0xFFFFFE30]  }
0x65: {  	v1 =	vld [tilespmem:s30+$0xFFFFFE30]  }
0x66: {  	v2 =	vld [tilespmem:s29+$0xFFFFFE70]  }
0x67: {  	v16 =	vmul.bf16 v17, v16;
	v17 =	vmul.bf16 v19, v18;
	v18 =	vld [tilespmem:s30+$0xFFFFFE70]  }
0x68: {  	v19 =	vmul.bf16 v21, v20;
	v20 =	vmul.bf16 v23, v22;
	v21 =	vld [tilespmem:s29+$0xFFFFFEB0]  }
0x69: {  	v22 =	vmul.bf16 v25, v24;
	v23 =	vmul.bf16 v27, v26;
	v24 =	vld [tilespmem:s30+$0xFFFFFEB0]  }
0x6a: {  	v25 =	vmul.bf16 v29, v28;
	v26 =	vmul.bf16 v31, v30;
	v27 =	vld [tilespmem:s29+$0xFFFFFEF0]  }
0x6b: {  	v28 =	vmul.bf16 v33, v32;
	v29 =	vmul.bf16 v35, v34;
	v30 =	vld [tilespmem:s30+$0xFFFFFEF0]  }
0x6c: {  	v31 =	vmul.bf16 v37, v36;
	v32 =	vmul.bf16 v39, v38;
	v33 =	vld [tilespmem:s29+$0xFFFFFF30]  }
0x6d: {  	v34 =	vmul.bf16 v41, v40;
	v35 =	vmul.bf16 v43, v42;
	v36 =	vld [tilespmem:s30+$0xFFFFFF30]  }
0x6e: {  	v37 =	vmul.bf16 v45, v44;
	v49 =	vmul.bf16 v49, v48;
	v39 =	vld [tilespmem:s29+$0xFFFFFF70]  }
0x6f: {  	v50 =	vmul.bf16 v51, v50;
	v51 =	vld [tilespmem:s30+$0xFFFFFF70];
	v53 =	vmul.bf16 v53, v52  }
0x70: {  	v54 =	vmul.bf16 v55, v54;
	v55 =	vld [tilespmem:s29+$0xFFFFFFB0];
	v57 =	vmul.bf16 v57, v56  }
0x71: {  	v58 =	vmul.bf16 v59, v58;
	v59 =	vld [tilespmem:s30+$0xFFFFFFB0];
	v60 =	vmul.bf16 v61, v60;
	v16 =	vadd.bf16 v49, v16  }
0x72: {  	v61 =	vld [tilespmem:s29+$0xFFFFFFF0];
	v0 =	vmul.bf16 v1, v0;
	v17 =	vadd.bf16 v50, v17;
	v19 =	vadd.bf16 v53, v19  }
0x73: {  	v62 =	vmul.bf16 v63, v62;
	v63 =	vld [tilespmem:s30+$0xFFFFFFF0];
	v20 =	vadd.bf16 v54, v20;
	v22 =	vadd.bf16 v57, v22  }
0x74: {  	v40 =	vmul.bf16 v47, v46;
	v23 =	vadd.bf16 v58, v23;
	v0 =	vadd.bf16 v0, v28  }
0x75: {  	v25 =	vadd.bf16 v60, v25;
	v1 =	vmul.bf16 v18, v2;
	v48 =	vmul.bf16 v24, v21  }
0x76: {  	v0 =	vadd.bf16 v0, v16;
	v49 =	vmul.bf16 v30, v27;
	v50 =	vmul.bf16 v36, v33  }
0x77: {  	v2 =	vadd.bf16 v62, v26;
	v51 =	vmul.bf16 v51, v39;
	v52 =	vmul.bf16 v59, v55  }
0x78: {  	v53 =	vmul.bf16 v63, v61;
	v1 =	vadd.bf16 v1, v29;
	v18 =	vadd.bf16 v48, v31  }
0x79: {  	v55 =	vunpack.i.u.bf16.f32 v0;
	v21 =	vadd.bf16 v49, v32;
	v24 =	vadd.bf16 v50, v34  }
0x7a: {  	v0 =	vunpack.i.l.bf16.f32 v0;
	v26 =	vadd.bf16 v51, v35;
	v16 =	vadd.bf16 v52, v37  }
0x7b: {  	v54 =	vadd.bf16 v53, v40;
	v0 =	vadd.f32 v0, v55  }
0x7c: {  	v1 =	vadd.bf16 v1, v17;
	v17 =	vadd.bf16 v18, v19  }
0x7d: {  	v57 =	vadd.bf16 v21, v20;
	v59 =	vadd.bf16 v24, v22  }
0x7e: {  	v62 =	vadd.bf16 v26, v23;
	v2 =	vadd.bf16 v54, v2  }
0x7f: {  	v56 =	vunpack.i.u.bf16.f32 v1;
	v1 =	vunpack.i.l.bf16.f32 v1;
	v58 =	vunpack.i.u.bf16.f32 v17  }
0x80: {  	v17 =	vunpack.i.l.bf16.f32 v17;
	v20 =	vunpack.i.u.bf16.f32 v57;
	v1 =	vadd.f32 v1, v56  }
0x81: {  	[tilespmem:s28+$0xFFFFFF80] =	vst v0;
	v19 =	vunpack.i.l.bf16.f32 v57;
	v0 =	vunpack.i.u.bf16.f32 v59;
	v17 =	vadd.f32 v17, v58  }
0x82: {  	v61 =	vunpack.i.l.bf16.f32 v59;
	v60 =	vadd.f32 v19, v20;
	[tilespmem:s28+$0xFFFFFF90] =	vst v1;
	v1 =	vadd.bf16 v16, v25  }
0x83: {  	v0 =	vadd.f32 v61, v0;
	[tilespmem:s28+$0xFFFFFFA0] =	vst v17;
	v16 =	vunpack.i.u.bf16.f32 v62;
	v17 =	vunpack.i.l.bf16.f32 v62  }
0x84: {  	[tilespmem:s28+$0xFFFFFFB0] =	vst v60;
	v16 =	vadd.f32 v17, v16;
	v17 =	vunpack.i.u.bf16.f32 v1;
	v1 =	vunpack.i.l.bf16.f32 v1  }
0x85: {  	[tilespmem:s28+$0xFFFFFFC0] =	vst v0;
	v0 =	vadd.f32 v1, v17;
	v1 =	vunpack.i.u.bf16.f32 v2;
	v2 =	vunpack.i.l.bf16.f32 v2  }
0x86: {  	[tilespmem:s28+$0xFFFFFFD0] =	vst v16;
	v1 =	vadd.f32 v2, v1  }
0x87: {  	[tilespmem:s28+$0xFFFFFFE0] =	vst v0  }
0x88: {  	[tilespmem:s28+$0xFFFFFFF0] =	vst v1  }
0x89: {  	v0 =	vld [tilespmem:s29+$0x0]  }
0x8a: {  	v1 =	vld [tilespmem:s30+$0x0]  }
0x8b: {  	v2 =	vld [tilespmem:s29+$0x40]  }
0x8c: {  	v16 =	vld [tilespmem:s30+$0x40]  }
0x8d: {  	v17 =	vld [tilespmem:s29+$0x80]  }
0x8e: {  	v18 =	vld [tilespmem:s30+$0x80]  }
0x8f: {  	v19 =	vld [tilespmem:s29+$0xC0]  }
0x90: {  	v20 =	vld [tilespmem:s30+$0xC0]  }
0x91: {  	v21 =	vld [tilespmem:s29+$0x100]  }
0x92: {  	v22 =	vld [tilespmem:s30+$0x100]  }
0x93: {  	v23 =	vld [tilespmem:s29+$0x140]  }
0x94: {  	v24 =	vld [tilespmem:s30+$0x140]  }
0x95: {  	v25 =	vld [tilespmem:s29+$0x180]  }
0x96: {  	v26 =	vld [tilespmem:s30+$0x180]  }
0x97: {  	v27 =	vld [tilespmem:s29+$0x1C0]  }
0x98: {  	v28 =	vld [tilespmem:s30+$0x1C0]  }
0x99: {  	v29 =	vld [tilespmem:s29+$0x10]  }
0x9a: {  	v30 =	vld [tilespmem:s30+$0x10]  }
0x9b: {  	v31 =	vld [tilespmem:s29+$0x50]  }
0x9c: {  	v32 =	vld [tilespmem:s30+$0x50]  }
0x9d: {  	v33 =	vld [tilespmem:s29+$0x90]  }
0x9e: {  	v34 =	vld [tilespmem:s30+$0x90]  }
0x9f: {  	v35 =	vld [tilespmem:s29+$0xD0]  }
0xa0: {  	v36 =	vld [tilespmem:s30+$0xD0]  }
0xa1: {  	v37 =	vld [tilespmem:s29+$0x110]  }
0xa2: {  	v38 =	vld [tilespmem:s30+$0x110]  }
0xa3: {  	v39 =	vld [tilespmem:s29+$0x150]  }
0xa4: {  	v40 =	vld [tilespmem:s30+$0x150]  }
0xa5: {  	v41 =	vld [tilespmem:s29+$0x190]  }
0xa6: {  	v42 =	vld [tilespmem:s30+$0x190]  }
0xa7: {  	v43 =	vld [tilespmem:s29+$0x1D0]  }
0xa8: {  	v44 =	vld [tilespmem:s30+$0x1D0]  }
0xa9: {  	v45 =	vld [tilespmem:s29+$0x20]  }
0xaa: {  	v46 =	vld [tilespmem:s30+$0x20]  }
0xab: {  	v47 =	vld [tilespmem:s29+$0x60]  }
0xac: {  	v48 =	vld [tilespmem:s30+$0x60]  }
0xad: {  	v49 =	vld [tilespmem:s29+$0xA0]  }
0xae: {  	v50 =	vld [tilespmem:s30+$0xA0]  }
0xaf: {  	v51 =	vld [tilespmem:s29+$0xE0]  }
0xb0: {  	v52 =	vld [tilespmem:s30+$0xE0]  }
0xb1: {  	v53 =	vld [tilespmem:s29+$0x120]  }
0xb2: {  	v54 =	vld [tilespmem:s30+$0x120]  }
0xb3: {  	v55 =	vld [tilespmem:s29+$0x160]  }
0xb4: {  	v56 =	vld [tilespmem:s30+$0x160]  }
0xb5: {  	v57 =	vld [tilespmem:s29+$0x1A0]  }
0xb6: {  	v58 =	vld [tilespmem:s30+$0x1A0]  }
0xb7: {  	v59 =	vld [tilespmem:s29+$0x1E0]  }
0xb8: {  	v60 =	vld [tilespmem:s30+$0x1E0]  }
0xb9: {  	v61 =	vld [tilespmem:s29+$0x30]  }
0xba: {  	v62 =	vld [tilespmem:s30+$0x30]  }
0xbb: {  	v0 =	vmul.bf16 v1, v0;
	v1 =	vld [tilespmem:s29+$0x70];
	v2 =	vmul.bf16 v16, v2  }
0xbc: {  	v16 =	vmul.bf16 v18, v17;
	v17 =	vld [tilespmem:s30+$0x70];
	v18 =	vmul.bf16 v20, v19  }
0xbd: {  	v19 =	vmul.bf16 v22, v21;
	v20 =	vld [tilespmem:s29+$0xB0];
	v63 =	vmul.bf16 v24, v23  }
0xbe: {  	v22 =	vmul.bf16 v26, v25;
	v23 =	vld [tilespmem:s30+$0xB0];
	v24 =	vmul.bf16 v28, v27  }
0xbf: {  	v25 =	vmul.bf16 v30, v29;
	v26 =	vld [tilespmem:s29+$0xF0];
	v27 =	vmul.bf16 v32, v31  }
0xc0: {  	v28 =	vmul.bf16 v34, v33;
	v29 =	vld [tilespmem:s30+$0xF0];
	v30 =	vmul.bf16 v36, v35  }
0xc1: {  	v31 =	vmul.bf16 v38, v37;
	v32 =	vld [tilespmem:s29+$0x130];
	v33 =	vmul.bf16 v40, v39  }
0xc2: {  	v34 =	vmul.bf16 v42, v41;
	v35 =	vld [tilespmem:s30+$0x130];
	v46 =	vmul.bf16 v46, v45  }
0xc3: {  	v47 =	vmul.bf16 v48, v47;
	v38 =	vld [tilespmem:s29+$0x170];
	v48 =	vmul.bf16 v44, v43  }
0xc4: {  	v49 =	vmul.bf16 v50, v49;
	v50 =	vld [tilespmem:s30+$0x170];
	v51 =	vmul.bf16 v52, v51  }
0xc5: {  	v52 =	vld [tilespmem:s29+$0x1B0];
	v54 =	vmul.bf16 v54, v53;
	v55 =	vmul.bf16 v56, v55  }
0xc6: {  	v56 =	vld [tilespmem:s30+$0x1B0];
	v58 =	vmul.bf16 v58, v57;
	v0 =	vadd.bf16 v46, v0;
	v2 =	vadd.bf16 v47, v2  }
0xc7: {  	v59 =	vmul.bf16 v60, v59;
	v60 =	vld [tilespmem:s29+$0x1F0];
	v16 =	vadd.bf16 v49, v16;
	v18 =	vadd.bf16 v51, v18  }
0xc8: {  	v62 =	vmul.bf16 v62, v61;
	v19 =	vadd.bf16 v54, v19;
	v21 =	vadd.bf16 v55, v63;
	v63 =	vld [tilespmem:s30+$0x1F0]  }
0xc9: {  	v22 =	vadd.bf16 v58, v22;
	v24 =	vadd.bf16 v59, v24;
	v1 =	vmul.bf16 v17, v1  }
0xca: {  	v17 =	vadd.bf16 v62, v25;
	v20 =	vmul.bf16 v23, v20;
	v36 =	vmul.bf16 v29, v26  }
0xcb: {  	v40 =	vmul.bf16 v35, v32;
	v41 =	vmul.bf16 v50, v38;
	v1 =	vadd.bf16 v1, v27  }
0xcc: {  	v44 =	vmul.bf16 v56, v52;
	v20 =	vadd.bf16 v20, v28;
	v23 =	vadd.bf16 v36, v30  }
0xcd: {  	v25 =	vadd.bf16 v40, v31;
	v26 =	vadd.bf16 v41, v33;
	v46 =	vmul.bf16 v63, v60  }
0xce: {  	v27 =	vadd.bf16 v44, v34;
	v0 =	vadd.bf16 v17, v0  }
0xcf: {  	v51 =	vor.u32 s26, v9;
	v17 =	vadd.bf16 v46, v48;
	v1 =	vadd.bf16 v1, v2  }
0xd0: {  	v2 =	vunpack.i.u.bf16.f32 v0;
	v16 =	vadd.bf16 v20, v16;
	v18 =	vadd.bf16 v23, v18  }
0xd1: {  	v0 =	vunpack.i.l.bf16.f32 v0;
	v19 =	vadd.bf16 v25, v19;
	v47 =	vadd.bf16 v26, v21  }
0xd2: {  	v52 =	vor.u32 s26, v10;
	v48 =	vadd.bf16 v27, v22;
	v0 =	vadd.f32 v0, v2  }
0xd3: {  	v2 =	vunpack.i.u.bf16.f32 v1;
	v1 =	vunpack.i.l.bf16.f32 v1;
	v20 =	vunpack.i.u.bf16.f32 v16  }
0xd4: {  	v16 =	vunpack.i.l.bf16.f32 v16;
	v17 =	vadd.bf16 v17, v24;
	v1 =	vadd.f32 v1, v2  }
0xd5: {  	v2 =	vadd.f32 v16, v20;
	v16 =	vunpack.i.u.bf16.f32 v18;
	v18 =	vunpack.i.l.bf16.f32 v18;
	[tilespmem:s28+$0x0] =	vst v0  }
0xd6: {  	v0 =	vunpack.i.u.bf16.f32 v19;
	v19 =	vunpack.i.l.bf16.f32 v19;
	v16 =	vadd.f32 v18, v16;
	[tilespmem:s28+$0x10] =	vst v1  }
0xd7: {  	v0 =	vadd.f32 v19, v0;
	v18 =	vunpack.i.l.bf16.f32 v47;
	v1 =	vunpack.i.u.bf16.f32 v47;
	[tilespmem:s28+$0x20] =	vst v2  }
0xd8: {  	v49 =	vunpack.i.l.bf16.f32 v48;
	v2 =	vunpack.i.u.bf16.f32 v48;
	[tilespmem:s28+$0x30] =	vst v16;
	v1 =	vadd.f32 v18, v1  }
0xd9: {  	v2 =	vadd.f32 v49, v2;
	[tilespmem:s28+$0x40] =	vst v0;
	v0 =	vunpack.i.u.bf16.f32 v17;
	v17 =	vunpack.i.l.bf16.f32 v17  }
0xda: {  	v53 =	vor.u32 s26, v11;
	v50 =	vld [tilespmem:$0x1FFE0];
	v0 =	vadd.f32 v17, v0;
	[tilespmem:s28+$0x50] =	vst v1  }
0xdb: {  	v54 =	vor.u32 s26, v12;
	v16 =	vld [tilespmem:$0x1FFD0];
	[tilespmem:s28+$0x60] =	vst v2  }
0xdc: {  	v55 =	vor.u32 s26, v13;
	v1 =	vld [tilespmem:$0x1FFF0];
	[tilespmem:s28+$0x70] =	vst v0  }
0xdd: {  	v56 =	vor.u32 s26, v14;
	v19 =	vld.idx.msk [tilespmem:v51+s18+$0x0], $0xffff  }
0xde: {  	v57 =	vor.u32 s26, v15;
	v20 =	vld.idx.msk [tilespmem:v52+s18+$0x0], $0xffff  }
0xdf: {  	v58 =	vor.u32 s26, v3;
	v21 =	vld.idx.msk [tilespmem:v53+s18+$0x0], $0xffff  }
0xe0: {  	v59 =	vor.u32 s26, v4;
	v22 =	vld.idx.msk [tilespmem:v54+s18+$0x0], $0xffff  }
0xe1: {  	v18 =	vor.u32 s26, v50;
	v23 =	vld.idx.msk [tilespmem:v55+s18+$0x0], $0xffff  }
0xe2: {  	v17 =	vor.u32 s26, v8;
	v24 =	vld.idx.msk [tilespmem:v56+s18+$0x0], $0xffff  }
0xe3: {  	v2 =	vor.u32 s26, v6;
	v25 =	vld.idx.msk [tilespmem:v57+s18+$0x0], $0xffff  }
0xe4: {  	v0 =	vor.u32 s26, v7;
	v26 =	vld.idx.msk [tilespmem:v58+s18+$0x0], $0xffff  }
0xe5: {  	v27 =	vld.idx.msk [tilespmem:v59+s18+$0x0], $0xffff;
	v16 =	vor.u32 s26, v16  }
0xe6: {  	v18 =	vld.idx.msk [tilespmem:v18+s18+$0x0], $0xffff;
	v1 =	vor.u32 s26, v1  }
0xe7: {  	v60 =	vor.u32 s26, v5;
	v17 =	vld.idx.msk [tilespmem:v17+s18+$0x0], $0xffff  }
0xe8: {  	v2 =	vld.idx.msk [tilespmem:v2+s18+$0x0], $0xffff  }
0xe9: {  	v0 =	vld.idx.msk [tilespmem:v0+s18+$0x0], $0xffff  }
0xea: {  	v16 =	vld.idx.msk [tilespmem:v16+s18+$0x0], $0xffff  }
0xeb: {  	v1 =	vld.idx.msk [tilespmem:v1+s18+$0x0], $0xffff  }
0xec: {  	v28 =	vld.idx.msk [tilespmem:v60+s18+$0x0], $0xffff;
	_ =	sdelay $0x1  }
0xed: {  	v61 =	vadd.f32 v24, v23;
	v62 =	vadd.f32 v26, v25  }
0xee: {  	v0 =	vadd.f32 v17, v0;
	v16 =	vadd.f32 v18, v16  }
0xef: {  	v1 =	vadd.f32 v2, v1;
	v2 =	vadd.f32 v20, v19  }
0xf0: {  	v63 =	vadd.f32 v28, v27;
	v17 =	vadd.f32 v22, v21  }
0xf1: {  	v1 =	vadd.f32 v1, v16;
	v0 =	vadd.f32 v2, v0  }
0xf2: {  	v2 =	vadd.f32 v61, v17;
	v16 =	vadd.f32 v63, v62  }
0xf3: {  	p0 =	sne.s32 s26, $0x400  }
.Ltmp5:
0xf4: {  	v0 =	vadd.f32 v0, v1;
	v1 =	vadd.f32 v16, v2;
	(pc) =	sbr.rel @p0 .LBB2_4-.Ltmp5, $4  }
0xf5: {  	_ = 	snop  }
0xf6: {  	v0 =	vadd.f32 v1, v0  }
0xf7: {  	s29 =	sadd.s32 $0x400, s29;
	s30 =	sadd.s32 $0x400, s30  }
0xf8: {  	s28 =	sadd.s32 $0x100, s28;
	s26 =	sadd.s32 $0x100, s26;
	[tilespmem:s31+$0x0] =	vst v0;
	s31 =	sadd.s32 $0x10, s31  }
0xf9: {  	p0 =	sgt.u32 s24, $0x7A  }
0xfa: {  	s26 =	smul.u32 @!p0 $0x50, s24;
	_ =	sdelay $0x1  }
0xfb: {  	s29 =	simm.s32 @!p0 $0x50;
	s30 =	simm.s32 @!p0 $0x4E20;
	s28 =	sadd.s32 @!p0 $0xA0, s26  }
0xfc: {  	[tilespmem:s30], [sflag:$0x1] =	stream.indirect.gather @!p0 [hbm4b:s3+s29], $0x40, s28, s29, $0xb8;
	[tilespmem:$0xCA30] =	vst v63  }
0xfd: {  	s26 =	sadd.s32 @!p0 $0x27B0, s26;
	s28 =	simm.s32 @!p0 $0x7620  }
0xfe: {  	[tilespmem:s28], [sflag:$0x3] =	stream.indirect.gather @!p0 [hbm4b:s3+s29], $0x40, s26, s29, $0xb8;
	[tilespmem:$0xCA30] =	vst v63  }
0xff: {  	p0 =	seq.s32 s25, $0x0  }
.Ltmp6:
0x100: {  	_ = 	snop;
	(pc) =	sbr.rel @p0 .LBB2_9-.Ltmp6, $1  }
0x101: {  	_ =	sdelay $0x3  }
.LBB2_6:
0x102: {  	_ =	swait.ge [sflag:s16], $0x1400  }
0x103: {  	[sflag:s16] =	ssyncset.done $0x0  }
0x104: {  	[sflag:s16] =	ssyncadd.s32 $0xFFFFEC00  }
0x105: {  	s25 =	simm.s32 $0x0;
	_ =	swait.ge [sflag:s17], $0x1400  }
0x106: {  	s26 =	simm.s32 $0x9EA0;
	s28 =	simm.s32 $0x6420;
	[sflag:s17] =	ssyncset.done $0x0  }
0x107: {  	s29 =	simm.s32 $0x8C20;
	s30 =	smov.u32 s23;
	[sflag:s17] =	ssyncadd.s32 $0xFFFFEC00  }
.LBB2_7:
0x108: {  	v0 =	vld [tilespmem:s28+$0xFFFFFE00]  }
0x109: {  	v1 =	vld [tilespmem:s29+$0xFFFFFE00]  }
0x10a: {  	v2 =	vld [tilespmem:s28+$0xFFFFFE40]  }
0x10b: {  	v16 =	vld [tilespmem:s29+$0xFFFFFE40]  }
0x10c: {  	v17 =	vld [tilespmem:s28+$0xFFFFFE80]  }
0x10d: {  	v18 =	vld [tilespmem:s29+$0xFFFFFE80]  }
0x10e: {  	v19 =	vld [tilespmem:s28+$0xFFFFFEC0]  }
0x10f: {  	v20 =	vld [tilespmem:s29+$0xFFFFFEC0]  }
0x110: {  	v21 =	vld [tilespmem:s28+$0xFFFFFF00]  }
0x111: {  	v22 =	vld [tilespmem:s29+$0xFFFFFF00]  }
0x112: {  	v23 =	vld [tilespmem:s28+$0xFFFFFF40]  }
0x113: {  	v24 =	vld [tilespmem:s29+$0xFFFFFF40]  }
0x114: {  	v25 =	vld [tilespmem:s28+$0xFFFFFF80]  }
0x115: {  	v26 =	vld [tilespmem:s29+$0xFFFFFF80]  }
0x116: {  	v27 =	vld [tilespmem:s28+$0xFFFFFFC0]  }
0x117: {  	v28 =	vld [tilespmem:s29+$0xFFFFFFC0]  }
0x118: {  	v29 =	vld [tilespmem:s28+$0xFFFFFE10]  }
0x119: {  	v30 =	vld [tilespmem:s29+$0xFFFFFE10]  }
0x11a: {  	v31 =	vld [tilespmem:s28+$0xFFFFFE50]  }
0x11b: {  	v32 =	vld [tilespmem:s29+$0xFFFFFE50]  }
0x11c: {  	v33 =	vld [tilespmem:s28+$0xFFFFFE90]  }
0x11d: {  	v34 =	vld [tilespmem:s29+$0xFFFFFE90]  }
0x11e: {  	v35 =	vld [tilespmem:s28+$0xFFFFFED0]  }
0x11f: {  	v36 =	vld [tilespmem:s29+$0xFFFFFED0]  }
0x120: {  	v37 =	vld [tilespmem:s28+$0xFFFFFF10]  }
0x121: {  	v38 =	vld [tilespmem:s29+$0xFFFFFF10]  }
0x122: {  	v39 =	vld [tilespmem:s28+$0xFFFFFF50]  }
0x123: {  	v40 =	vld [tilespmem:s29+$0xFFFFFF50]  }
0x124: {  	v41 =	vld [tilespmem:s28+$0xFFFFFF90]  }
0x125: {  	v42 =	vld [tilespmem:s29+$0xFFFFFF90]  }
0x126: {  	v43 =	vld [tilespmem:s28+$0xFFFFFFD0]  }
0x127: {  	v44 =	vld [tilespmem:s29+$0xFFFFFFD0]  }
0x128: {  	v45 =	vld [tilespmem:s28+$0xFFFFFE20]  }
0x129: {  	v46 =	vld [tilespmem:s29+$0xFFFFFE20]  }
0x12a: {  	v47 =	vld [tilespmem:s28+$0xFFFFFE60]  }
0x12b: {  	v48 =	vld [tilespmem:s29+$0xFFFFFE60]  }
0x12c: {  	v49 =	vld [tilespmem:s28+$0xFFFFFEA0]  }
0x12d: {  	v50 =	vld [tilespmem:s29+$0xFFFFFEA0]  }
0x12e: {  	v51 =	vld [tilespmem:s28+$0xFFFFFEE0]  }
0x12f: {  	v52 =	vld [tilespmem:s29+$0xFFFFFEE0]  }
0x130: {  	v53 =	vld [tilespmem:s28+$0xFFFFFF20]  }
0x131: {  	v54 =	vld [tilespmem:s29+$0xFFFFFF20]  }
0x132: {  	v55 =	vld [tilespmem:s28+$0xFFFFFF60]  }
0x133: {  	v56 =	vld [tilespmem:s29+$0xFFFFFF60]  }
0x134: {  	v57 =	vld [tilespmem:s28+$0xFFFFFFA0]  }
0x135: {  	v58 =	vld [tilespmem:s29+$0xFFFFFFA0]  }
0x136: {  	v59 =	vld [tilespmem:s28+$0xFFFFFFE0]  }
0x137: {  	v60 =	vld [tilespmem:s29+$0xFFFFFFE0]  }
0x138: {  	v61 =	vld [tilespmem:s28+$0xFFFFFE30]  }
0x139: {  	v62 =	vld [tilespmem:s29+$0xFFFFFE30]  }
0x13a: {  	v63 =	vld [tilespmem:s28+$0xFFFFFE70];
	v0 =	vmul.bf16 v1, v0  }
0x13b: {  	v1 =	vmul.bf16 v16, v2;
	v2 =	vld [tilespmem:s29+$0xFFFFFE70];
	v16 =	vmul.bf16 v18, v17  }
0x13c: {  	v17 =	vmul.bf16 v20, v19;
	v18 =	vld [tilespmem:s28+$0xFFFFFEB0];
	v19 =	vmul.bf16 v22, v21  }
0x13d: {  	v20 =	vmul.bf16 v24, v23;
	v21 =	vld [tilespmem:s29+$0xFFFFFEB0];
	v22 =	vmul.bf16 v26, v25  }
0x13e: {  	v23 =	vmul.bf16 v28, v27;
	v24 =	vld [tilespmem:s28+$0xFFFFFEF0];
	v25 =	vmul.bf16 v30, v29  }
0x13f: {  	v26 =	vmul.bf16 v32, v31;
	v27 =	vld [tilespmem:s29+$0xFFFFFEF0];
	v28 =	vmul.bf16 v34, v33  }
0x140: {  	v29 =	vmul.bf16 v36, v35;
	v30 =	vld [tilespmem:s28+$0xFFFFFF30];
	v31 =	vmul.bf16 v38, v37  }
0x141: {  	v32 =	vmul.bf16 v40, v39;
	v33 =	vld [tilespmem:s29+$0xFFFFFF30];
	v34 =	vmul.bf16 v42, v41  }
0x142: {  	v46 =	vmul.bf16 v46, v45;
	v36 =	vld [tilespmem:s28+$0xFFFFFF70];
	v37 =	vmul.bf16 v44, v43  }
0x143: {  	v48 =	vmul.bf16 v48, v47;
	v39 =	vld [tilespmem:s29+$0xFFFFFF70];
	v50 =	vmul.bf16 v50, v49  }
0x144: {  	v52 =	vmul.bf16 v52, v51;
	v41 =	vld [tilespmem:s28+$0xFFFFFFB0];
	v54 =	vmul.bf16 v54, v53  }
0x145: {  	v56 =	vmul.bf16 v56, v55;
	v45 =	vld [tilespmem:s29+$0xFFFFFFB0];
	v0 =	vadd.bf16 v46, v0;
	v1 =	vadd.bf16 v48, v1  }
0x146: {  	v47 =	vld [tilespmem:s28+$0xFFFFFFF0];
	v16 =	vadd.bf16 v50, v16;
	v17 =	vadd.bf16 v52, v17;
	v46 =	vmul.bf16 v58, v57  }
0x147: {  	v49 =	vld [tilespmem:s29+$0xFFFFFFF0];
	v19 =	vadd.bf16 v54, v19;
	v20 =	vadd.bf16 v56, v20;
	v50 =	vmul.bf16 v62, v61  }
0x148: {  	v48 =	vmul.bf16 v60, v59;
	v22 =	vadd.bf16 v46, v22;
	v2 =	vmul.bf16 v2, v63  }
0x149: {  	v52 =	vadd.bf16 v50, v25;
	v18 =	vmul.bf16 v21, v18;
	v51 =	vmul.bf16 v27, v24  }
0x14a: {  	v23 =	vadd.bf16 v48, v23;
	v53 =	vmul.bf16 v33, v30;
	v54 =	vmul.bf16 v39, v36  }
0x14b: {  	v55 =	vmul.bf16 v45, v41;
	v0 =	vadd.bf16 v52, v0;
	v2 =	vadd.bf16 v2, v26  }
0x14c: {  	v56 =	vmul.bf16 v49, v47;
	v18 =	vadd.bf16 v18, v28;
	v21 =	vadd.bf16 v51, v29  }
0x14d: {  	v25 =	vadd.bf16 v53, v31;
	v26 =	vadd.bf16 v54, v32  }
0x14e: {  	v57 =	vadd.bf16 v55, v34;
	v58 =	vadd.bf16 v56, v37  }
0x14f: {  	v59 =	vunpack.i.u.bf16.f32 v0;
	v0 =	vunpack.i.l.bf16.f32 v0;
	v1 =	vadd.bf16 v2, v1  }
0x150: {  	v0 =	vadd.f32 v0, v59;
	v2 =	vadd.bf16 v18, v16  }
0x151: {  	v17 =	vadd.bf16 v21, v17;
	v19 =	vadd.bf16 v25, v19  }
0x152: {  	v61 =	vadd.bf16 v26, v20;
	v62 =	vadd.bf16 v58, v23  }
0x153: {  	v16 =	vunpack.i.u.bf16.f32 v1;
	v1 =	vunpack.i.l.bf16.f32 v1;
	v60 =	vunpack.i.u.bf16.f32 v17  }
0x154: {  	v1 =	vadd.f32 v1, v16;
	v16 =	vunpack.i.u.bf16.f32 v2;
	v2 =	vunpack.i.l.bf16.f32 v2  }
0x155: {  	v17 =	vunpack.i.l.bf16.f32 v17;
	[tilespmem:s26+$0xFFFFFF80] =	vst v0;
	v0 =	vunpack.i.u.bf16.f32 v19;
	v2 =	vadd.f32 v2, v16  }
0x156: {  	v16 =	vadd.f32 v17, v60;
	v17 =	vunpack.i.l.bf16.f32 v19;
	[tilespmem:s26+$0xFFFFFF90] =	vst v1;
	v1 =	vadd.bf16 v57, v22  }
0x157: {  	v0 =	vadd.f32 v17, v0;
	v17 =	vunpack.i.l.bf16.f32 v61;
	[tilespmem:s26+$0xFFFFFFA0] =	vst v2;
	v2 =	vunpack.i.u.bf16.f32 v61  }
0x158: {  	[tilespmem:s26+$0xFFFFFFB0] =	vst v16;
	v2 =	vadd.f32 v17, v2;
	v16 =	vunpack.i.u.bf16.f32 v1;
	v1 =	vunpack.i.l.bf16.f32 v1  }
0x159: {  	[tilespmem:s26+$0xFFFFFFC0] =	vst v0;
	v0 =	vadd.f32 v1, v16;
	v1 =	vunpack.i.u.bf16.f32 v62;
	v16 =	vunpack.i.l.bf16.f32 v62  }
0x15a: {  	[tilespmem:s26+$0xFFFFFFD0] =	vst v2;
	v1 =	vadd.f32 v16, v1  }
0x15b: {  	[tilespmem:s26+$0xFFFFFFE0] =	vst v0  }
0x15c: {  	[tilespmem:s26+$0xFFFFFFF0] =	vst v1  }
0x15d: {  	v0 =	vld [tilespmem:s28+$0x0]  }
0x15e: {  	v1 =	vld [tilespmem:s29+$0x0]  }
0x15f: {  	v2 =	vld [tilespmem:s28+$0x40]  }
0x160: {  	v16 =	vld [tilespmem:s29+$0x40]  }
0x161: {  	v17 =	vld [tilespmem:s28+$0x80]  }
0x162: {  	v18 =	vld [tilespmem:s29+$0x80]  }
0x163: {  	v19 =	vld [tilespmem:s28+$0xC0]  }
0x164: {  	v20 =	vld [tilespmem:s29+$0xC0]  }
0x165: {  	v21 =	vld [tilespmem:s28+$0x100]  }
0x166: {  	v22 =	vld [tilespmem:s29+$0x100]  }
0x167: {  	v23 =	vld [tilespmem:s28+$0x140]  }
0x168: {  	v24 =	vld [tilespmem:s29+$0x140]  }
0x169: {  	v25 =	vld [tilespmem:s28+$0x180]  }
0x16a: {  	v26 =	vld [tilespmem:s29+$0x180]  }
0x16b: {  	v27 =	vld [tilespmem:s28+$0x1C0]  }
0x16c: {  	v28 =	vld [tilespmem:s29+$0x1C0]  }
0x16d: {  	v29 =	vld [tilespmem:s28+$0x10]  }
0x16e: {  	v30 =	vld [tilespmem:s29+$0x10]  }
0x16f: {  	v31 =	vld [tilespmem:s28+$0x50]  }
0x170: {  	v32 =	vld [tilespmem:s29+$0x50]  }
0x171: {  	v33 =	vld [tilespmem:s28+$0x90]  }
0x172: {  	v34 =	vld [tilespmem:s29+$0x90]  }
0x173: {  	v35 =	vld [tilespmem:s28+$0xD0]  }
0x174: {  	v36 =	vld [tilespmem:s29+$0xD0]  }
0x175: {  	v37 =	vld [tilespmem:s28+$0x110]  }
0x176: {  	v38 =	vld [tilespmem:s29+$0x110]  }
0x177: {  	v39 =	vld [tilespmem:s28+$0x150]  }
0x178: {  	v40 =	vld [tilespmem:s29+$0x150]  }
0x179: {  	v41 =	vld [tilespmem:s28+$0x190]  }
0x17a: {  	v42 =	vld [tilespmem:s29+$0x190]  }
0x17b: {  	v43 =	vld [tilespmem:s28+$0x1D0]  }
0x17c: {  	v44 =	vld [tilespmem:s29+$0x1D0]  }
0x17d: {  	v45 =	vld [tilespmem:s28+$0x20]  }
0x17e: {  	v46 =	vld [tilespmem:s29+$0x20]  }
0x17f: {  	v47 =	vld [tilespmem:s28+$0x60]  }
0x180: {  	v48 =	vld [tilespmem:s29+$0x60]  }
0x181: {  	v49 =	vld [tilespmem:s28+$0xA0]  }
0x182: {  	v50 =	vld [tilespmem:s29+$0xA0]  }
0x183: {  	v51 =	vld [tilespmem:s28+$0xE0]  }
0x184: {  	v52 =	vld [tilespmem:s29+$0xE0]  }
0x185: {  	v53 =	vld [tilespmem:s28+$0x120]  }
0x186: {  	v54 =	vld [tilespmem:s29+$0x120]  }
0x187: {  	v55 =	vld [tilespmem:s28+$0x160]  }
0x188: {  	v56 =	vld [tilespmem:s29+$0x160]  }
0x189: {  	v57 =	vld [tilespmem:s28+$0x1A0]  }
0x18a: {  	v58 =	vld [tilespmem:s29+$0x1A0]  }
0x18b: {  	v59 =	vld [tilespmem:s28+$0x1E0]  }
0x18c: {  	v60 =	vld [tilespmem:s29+$0x1E0]  }
0x18d: {  	v61 =	vld [tilespmem:s28+$0x30]  }
0x18e: {  	v62 =	vld [tilespmem:s29+$0x30]  }
0x18f: {  	v0 =	vmul.bf16 v1, v0;
	v1 =	vld [tilespmem:s28+$0x70];
	v2 =	vmul.bf16 v16, v2  }
0x190: {  	v16 =	vmul.bf16 v18, v17;
	v17 =	vld [tilespmem:s29+$0x70];
	v18 =	vmul.bf16 v20, v19  }
0x191: {  	v19 =	vmul.bf16 v22, v21;
	v20 =	vld [tilespmem:s28+$0xB0];
	v63 =	vmul.bf16 v24, v23  }
0x192: {  	v22 =	vmul.bf16 v26, v25;
	v23 =	vld [tilespmem:s29+$0xB0];
	v24 =	vmul.bf16 v28, v27  }
0x193: {  	v25 =	vmul.bf16 v30, v29;
	v26 =	vld [tilespmem:s28+$0xF0];
	v27 =	vmul.bf16 v32, v31  }
0x194: {  	v28 =	vmul.bf16 v34, v33;
	v29 =	vld [tilespmem:s29+$0xF0];
	v30 =	vmul.bf16 v36, v35  }
0x195: {  	v31 =	vmul.bf16 v38, v37;
	v32 =	vld [tilespmem:s28+$0x130];
	v33 =	vmul.bf16 v40, v39  }
0x196: {  	v34 =	vmul.bf16 v42, v41;
	v35 =	vld [tilespmem:s29+$0x130];
	v46 =	vmul.bf16 v46, v45  }
0x197: {  	v47 =	vmul.bf16 v48, v47;
	v38 =	vld [tilespmem:s28+$0x170];
	v48 =	vmul.bf16 v44, v43  }
0x198: {  	v49 =	vmul.bf16 v50, v49;
	v50 =	vld [tilespmem:s29+$0x170];
	v51 =	vmul.bf16 v52, v51  }
0x199: {  	v52 =	vld [tilespmem:s28+$0x1B0];
	v54 =	vmul.bf16 v54, v53;
	v55 =	vmul.bf16 v56, v55  }
0x19a: {  	v56 =	vld [tilespmem:s29+$0x1B0];
	v58 =	vmul.bf16 v58, v57;
	v0 =	vadd.bf16 v46, v0;
	v2 =	vadd.bf16 v47, v2  }
0x19b: {  	v59 =	vmul.bf16 v60, v59;
	v60 =	vld [tilespmem:s28+$0x1F0];
	v16 =	vadd.bf16 v49, v16;
	v18 =	vadd.bf16 v51, v18  }
0x19c: {  	v62 =	vmul.bf16 v62, v61;
	v19 =	vadd.bf16 v54, v19;
	v21 =	vadd.bf16 v55, v63;
	v63 =	vld [tilespmem:s29+$0x1F0]  }
0x19d: {  	v22 =	vadd.bf16 v58, v22;
	v24 =	vadd.bf16 v59, v24;
	v1 =	vmul.bf16 v17, v1  }
0x19e: {  	v17 =	vadd.bf16 v62, v25;
	v20 =	vmul.bf16 v23, v20;
	v36 =	vmul.bf16 v29, v26  }
0x19f: {  	v40 =	vmul.bf16 v35, v32;
	v41 =	vmul.bf16 v50, v38;
	v1 =	vadd.bf16 v1, v27  }
0x1a0: {  	v44 =	vmul.bf16 v56, v52;
	v20 =	vadd.bf16 v20, v28;
	v23 =	vadd.bf16 v36, v30  }
0x1a1: {  	v25 =	vadd.bf16 v40, v31;
	v26 =	vadd.bf16 v41, v33;
	v46 =	vmul.bf16 v63, v60  }
0x1a2: {  	v27 =	vadd.bf16 v44, v34;
	v0 =	vadd.bf16 v17, v0  }
0x1a3: {  	v51 =	vor.u32 s25, v9;
	v17 =	vadd.bf16 v46, v48;
	v1 =	vadd.bf16 v1, v2  }
0x1a4: {  	v2 =	vunpack.i.u.bf16.f32 v0;
	v16 =	vadd.bf16 v20, v16;
	v18 =	vadd.bf16 v23, v18  }
0x1a5: {  	v0 =	vunpack.i.l.bf16.f32 v0;
	v19 =	vadd.bf16 v25, v19;
	v47 =	vadd.bf16 v26, v21  }
0x1a6: {  	v52 =	vor.u32 s25, v10;
	v48 =	vadd.bf16 v27, v22;
	v0 =	vadd.f32 v0, v2  }
0x1a7: {  	v2 =	vunpack.i.u.bf16.f32 v1;
	v1 =	vunpack.i.l.bf16.f32 v1;
	v20 =	vunpack.i.u.bf16.f32 v16  }
0x1a8: {  	v16 =	vunpack.i.l.bf16.f32 v16;
	v17 =	vadd.bf16 v17, v24;
	v1 =	vadd.f32 v1, v2  }
0x1a9: {  	v2 =	vadd.f32 v16, v20;
	v16 =	vunpack.i.u.bf16.f32 v18;
	v18 =	vunpack.i.l.bf16.f32 v18;
	[tilespmem:s26+$0x0] =	vst v0  }
0x1aa: {  	v0 =	vunpack.i.u.bf16.f32 v19;
	v19 =	vunpack.i.l.bf16.f32 v19;
	v16 =	vadd.f32 v18, v16;
	[tilespmem:s26+$0x10] =	vst v1  }
0x1ab: {  	v0 =	vadd.f32 v19, v0;
	v18 =	vunpack.i.l.bf16.f32 v47;
	v1 =	vunpack.i.u.bf16.f32 v47;
	[tilespmem:s26+$0x20] =	vst v2  }
0x1ac: {  	v49 =	vunpack.i.l.bf16.f32 v48;
	v2 =	vunpack.i.u.bf16.f32 v48;
	[tilespmem:s26+$0x30] =	vst v16;
	v1 =	vadd.f32 v18, v1  }
0x1ad: {  	v2 =	vadd.f32 v49, v2;
	[tilespmem:s26+$0x40] =	vst v0;
	v0 =	vunpack.i.u.bf16.f32 v17;
	v17 =	vunpack.i.l.bf16.f32 v17  }
0x1ae: {  	v53 =	vor.u32 s25, v11;
	v50 =	vld [tilespmem:$0x1FFE0];
	v0 =	vadd.f32 v17, v0;
	[tilespmem:s26+$0x50] =	vst v1  }
0x1af: {  	v54 =	vor.u32 s25, v12;
	v16 =	vld [tilespmem:$0x1FFD0];
	[tilespmem:s26+$0x60] =	vst v2  }
0x1b0: {  	v55 =	vor.u32 s25, v13;
	v1 =	vld [tilespmem:$0x1FFF0];
	[tilespmem:s26+$0x70] =	vst v0  }
0x1b1: {  	v56 =	vor.u32 s25, v14;
	v19 =	vld.idx.msk [tilespmem:v51+s18+$0x0], $0xffff  }
0x1b2: {  	v57 =	vor.u32 s25, v15;
	v20 =	vld.idx.msk [tilespmem:v52+s18+$0x0], $0xffff  }
0x1b3: {  	v58 =	vor.u32 s25, v3;
	v21 =	vld.idx.msk [tilespmem:v53+s18+$0x0], $0xffff  }
0x1b4: {  	v59 =	vor.u32 s25, v4;
	v22 =	vld.idx.msk [tilespmem:v54+s18+$0x0], $0xffff  }
0x1b5: {  	v18 =	vor.u32 s25, v50;
	v23 =	vld.idx.msk [tilespmem:v55+s18+$0x0], $0xffff  }
0x1b6: {  	v17 =	vor.u32 s25, v8;
	v24 =	vld.idx.msk [tilespmem:v56+s18+$0x0], $0xffff  }
0x1b7: {  	v2 =	vor.u32 s25, v6;
	v25 =	vld.idx.msk [tilespmem:v57+s18+$0x0], $0xffff  }
0x1b8: {  	v0 =	vor.u32 s25, v7;
	v26 =	vld.idx.msk [tilespmem:v58+s18+$0x0], $0xffff  }
0x1b9: {  	v27 =	vld.idx.msk [tilespmem:v59+s18+$0x0], $0xffff;
	v16 =	vor.u32 s25, v16  }
0x1ba: {  	v18 =	vld.idx.msk [tilespmem:v18+s18+$0x0], $0xffff;
	v1 =	vor.u32 s25, v1  }
0x1bb: {  	v60 =	vor.u32 s25, v5;
	v17 =	vld.idx.msk [tilespmem:v17+s18+$0x0], $0xffff  }
0x1bc: {  	v2 =	vld.idx.msk [tilespmem:v2+s18+$0x0], $0xffff  }
0x1bd: {  	v0 =	vld.idx.msk [tilespmem:v0+s18+$0x0], $0xffff  }
0x1be: {  	v16 =	vld.idx.msk [tilespmem:v16+s18+$0x0], $0xffff  }
0x1bf: {  	v1 =	vld.idx.msk [tilespmem:v1+s18+$0x0], $0xffff  }
0x1c0: {  	v28 =	vld.idx.msk [tilespmem:v60+s18+$0x0], $0xffff;
	_ =	sdelay $0x1  }
0x1c1: {  	v61 =	vadd.f32 v24, v23;
	v62 =	vadd.f32 v26, v25  }
0x1c2: {  	v0 =	vadd.f32 v17, v0;
	v16 =	vadd.f32 v18, v16  }
0x1c3: {  	v1 =	vadd.f32 v2, v1;
	v2 =	vadd.f32 v20, v19  }
0x1c4: {  	v63 =	vadd.f32 v28, v27;
	v17 =	vadd.f32 v22, v21  }
0x1c5: {  	v1 =	vadd.f32 v1, v16;
	v0 =	vadd.f32 v2, v0  }
0x1c6: {  	v2 =	vadd.f32 v61, v17;
	v16 =	vadd.f32 v63, v62  }
0x1c7: {  	p0 =	sne.s32 s25, $0x400  }
.Ltmp7:
0x1c8: {  	v0 =	vadd.f32 v0, v1;
	v1 =	vadd.f32 v16, v2;
	(pc) =	sbr.rel @p0 .LBB2_7-.Ltmp7, $4  }
0x1c9: {  	_ = 	snop  }
0x1ca: {  	v0 =	vadd.f32 v1, v0  }
0x1cb: {  	s28 =	sadd.s32 $0x400, s28;
	s29 =	sadd.s32 $0x400, s29  }
0x1cc: {  	s26 =	sadd.s32 $0x100, s26;
	s25 =	sadd.s32 $0x100, s25;
	[tilespmem:s30+$0x0] =	vst v0;
	s30 =	sadd.s32 $0x10, s30  }
0x1cd: {  	p0 =	sgt.u32 s24, $0x7A  }
0x1ce: {  	s25 =	smul.u32 @!p0 $0x50, s24  }
.Ltmp8:
0x1cf: {  	_ = 	snop;
	(pc) =	sbr.rel .LBB2_9-.Ltmp8, $4  }
0x1d0: {  	s28 =	simm.s32 @!p0 $0x50;
	s29 =	simm.s32 @!p0 $0x6220;
	s26 =	sadd.s32 @!p0 $0xA0, s25  }
0x1d1: {  	[tilespmem:s29], [sflag:$0x2] =	stream.indirect.gather @!p0 [hbm4b:s3+s28], $0x40, s26, s28, $0xb8;
	[tilespmem:$0xCA30] =	vst v63  }
0x1d2: {  	s25 =	sadd.s32 @!p0 $0x27B0, s25;
	s26 =	simm.s32 @!p0 $0x8A20  }
0x1d3: {  	[tilespmem:s26], [sflag:$0x4] =	stream.indirect.gather @!p0 [hbm4b:s3+s28], $0x40, s25, s28, $0xb8;
	[tilespmem:$0xCA30] =	vst v63  }
.LBB2_11:
0x1d4: {  	_ =	sfence.sel $0x180000  }
0x1d5: {  	[bflag:$0x0] =	sbarrier.arrive $0xFFFF  }
0x1d6: {  	p0 =	sne.s32 s0, $0x0;
	_ =	strace $0x90000047  }
0x1d7: {  	s0 =	sadd.s32 @!p0 $0x100000, s1;
	[bflag:$0x2] =	sbarrier.arrive $0xFFFF  }
0x1d8: {  	[sflag:s0] =	ssyncadd.tile.s32 @!p0 $0x1;
	_ =	shalt  }
.Lfunc_end2:
_tile_overlayer_lowered:
.L_overlay_start_2:
0x1d9: {  	(tag) =	ssettag $0x2  }
0x1da: {  	s0 =	rddreg [dreg:$0x0];
	s2 =	stileid.u32  }
0x1db: {  	s1 =	rddreg [dreg:$0x1];
	p0 =	sne.s32 s2, $0x0  }
0x1dc: {  	s3 =	rddreg [dreg:$0x2];
	[bflag:$0x3] =	sbarrier.arrive $0xFFFF;
	s2 =	simm.s32 @!p0 $0x1C05  }
0x1dd: {  	[timem:s3], [sflag:s2] =	dma.local @!p0 [hbm:s0], s1  }
0x1de: {  	s0 =	simm.s32 @!p0 $0x5  }
0x1df: {  	_ =	swait.ge @!p0 [sflag:s0], s1  }
0x1e0: {  	s1 =	ssub.s32 @!p0 $0x0, s1;
	[sflag:s0] =	ssyncset.done @!p0 $0x0  }
0x1e1: {  	[sflag:s0] =	ssyncadd.s32 @!p0 s1  }
0x1e2: {  	[bflag:$0x3] =	sbarrier.arrive $0xFFFF  }
0x1e3: {  	_ =	shalt  }

</sc_bundles>
